<compile_context>
chip_gen: v7x
topology: tpu7x:2x2x1
jax: 0.10.2.dev20260603
libtpu: 0.0.44.dev20260713+nightly
codegen_flags: <defaults>
</compile_context>

<pallas_src>
import functools

import numpy as np
import jax
import jax.numpy as jnp
from jax.experimental import pallas as pl
from jax.experimental.pallas import tpu as pltpu
from jax.experimental.pallas import tpu_sc as plsc
from jax import lax

B = 1024
L = 20
V = 1000
ROW = L * V
NW = 32
NS = 16
TOTAL = B * ROW

SLOTS0 = 11
BOUND = SLOTS0 * B * V
PER_W0 = BOUND // NS
PER_W1 = (TOTAL - BOUND) // NS
CHUNK = 8000
NCH0 = PER_W0 // CHUNK
NCH1 = PER_W1 // CHUNK
EPW0 = SLOTS0 * B // NS
EPW1 = (L - SLOTS0) * B // NS
EPW = max(EPW0, EPW1)


_COL0T = (np.arange(L, dtype=np.int32) * V)[:, None]
_BN = np.arange(B, dtype=np.int32)
_BOFFT = ((_BN // 128) * 1024 + (_BN % 128))[None, :]


def _ohe_body(zo_hbm, offs_hbm, out_hbm, offs_v, buf_v, ones_v, sem, sem2):
    cid = lax.axis_index("c")
    sid = lax.axis_index("s")
    wid = cid * NS + sid

    pltpu.sync_copy(zo_hbm.at[pl.ds(wid * CHUNK, CHUNK)], buf_v)
    pltpu.sync_copy(offs_hbm.at[pl.ds(wid * EPW, EPW)], offs_v)
    pltpu.sync_copy(zo_hbm.at[pl.ds(NW * CHUNK, EPW)], ones_v)

    @pl.when(cid == 0)
    def _():
        base = sid * PER_W0
        copies = []
        for c in range(NCH0):
            copies.append(pltpu.async_copy(
                buf_v, out_hbm.at[pl.ds(base + c * CHUNK, CHUNK)], sem))
        for cp in copies:
            cp.wait()

    @pl.when(cid == 1)
    def _():
        base = BOUND + sid * PER_W1
        copies = []
        for c in range(NCH1):
            copies.append(pltpu.async_copy(
                buf_v, out_hbm.at[pl.ds(base + c * CHUNK, CHUNK)], sem))
        for cp in copies:
            cp.wait()

    plsc.subcore_barrier()
    pltpu.async_copy(ones_v, out_hbm.at[offs_v], sem2).wait()


def kernel(indices, eye):
    colt = indices.T.astype(jnp.int32) + jnp.asarray(_COL0T)
    pofft = ((colt // 8) * 8192 + (colt % 8) * 128
             + jnp.asarray(_BOFFT))
    o0 = pofft[:SLOTS0].reshape(NS, EPW0)
    o1 = pofft[SLOTS0:].reshape(NS, EPW1)
    if EPW0 < EPW:
        o0 = jnp.concatenate([o0, o0[:, :EPW - EPW0]], axis=1)
    if EPW1 < EPW:
        o1 = jnp.concatenate([o1, o1[:, :EPW - EPW1]], axis=1)
    offs = jnp.concatenate([o0.reshape(-1), o1.reshape(-1)])
    zo = (jnp.arange(NW * CHUNK + EPW, dtype=jnp.int32)
          >= NW * CHUNK).astype(jnp.float32)

    mesh = plsc.VectorSubcoreMesh(core_axis_name="c", subcore_axis_name="s")
    run = functools.partial(
        pl.kernel,
        mesh=mesh,
        out_type=jax.ShapeDtypeStruct((TOTAL,), jnp.float32),
        scratch_types=[
            pltpu.VMEM((EPW,), jnp.int32),
            pltpu.VMEM((CHUNK,), jnp.float32),
            pltpu.VMEM((EPW,), jnp.float32),
            pltpu.SemaphoreType.DMA,
            pltpu.SemaphoreType.DMA,
        ],
    )(_ohe_body)
    out_flat = run(zo, offs)
    return (out_flat.reshape(ROW // 8, 8, 8, 128)
            .transpose(1, 3, 0, 2)
            .reshape(B, ROW))

# --- scband reference (transcript-rebuilt; emitter-appended) ---
"""Pipeline reference for scband-one-hot-encoder-module-24464133718259 (READ-ONLY COPY).

The authoritative reference and input builder live on the scoring server;
editing this copy changes nothing except your own understanding.
"""

import jax, jax.numpy as jnp
import numpy as np

NBR_VALUES = 1000
FLATTEN = True


def setup_inputs(seed: int = 0) -> dict:
    key = jax.random.key(seed)
    k1, = jax.random.split(key, 1)
    indices = jax.random.randint(k1, (1024, 20), 0, NBR_VALUES, dtype=jnp.int64 if jax.config.jax_enable_x64 else jnp.int32)
    # The identity matrix used for one-hot encoding (constructed in torch via torch.eye)
    eye = jnp.eye(NBR_VALUES, dtype=jnp.float32)
    return {"indices": indices, "eye": eye}


def reference(indices, eye):
    # Faithful translation of OneHotEncoderModule.compute for a single stream:
    #   ohe_inp = torch.eye(nbr_values)[inp]
    #   if flatten: ohe_inp = ohe_inp.reshape((batch_size, -1))
    batch_size = indices.shape[0]
    ohe = jnp.take(eye, indices, axis=0)  # gather rows: [B, L, nbr_values]
    if FLATTEN:
        ohe = ohe.reshape((batch_size, -1))  # [B, L * nbr_values]
    return ohe

if __name__ == "__main__":
    import jax
    _d = setup_inputs()
    print(jax.jit(kernel)(*tuple(_d.values())))

</pallas_src>

<mosaic_0001>
#map = affine_map<(d0, d1) -> (0)>
module attributes {stable_mosaic.version = 14 : i64} {
  func.func @_ohe_body(%arg0: i32, %arg1: i32, %arg2: memref<256704xf32, #tpu.memory_space<hbm>>, %arg3: memref<22528xi32, #tpu.memory_space<hbm>>, %arg4: memref<20480000xf32, #tpu.memory_space<hbm>>, %arg5: memref<704xi32, #tpu.memory_space<vmem>>, %arg6: memref<8000xf32, #tpu.memory_space<vmem>>, %arg7: memref<704xf32, #tpu.memory_space<vmem>>, %arg8: memref<!tpu.dma_semaphore, #tpu.memory_space<semaphore_mem>>, %arg9: memref<!tpu.dma_semaphore, #tpu.memory_space<semaphore_mem>>) attributes {dimension_semantics = [#tpu.dimension_semantics<core_parallel>, #tpu.dimension_semantics<subcore_parallel>], iteration_bounds = array<i64: 2, 16>, scalar_prefetch = 0 : i64, scratch_operands = 5 : i64, tpu.core_type = #tpu.core_type<sc_vector_subcore>, window_params = [{transform_indices = #map}, {transform_indices = #map}, {transform_indices = #map}]} {
    %mul3A = arith.constant 16 : i32
    %mul3A_0 = arith.muli %arg0, %mul3A : i32
    %add3A = arith.addi %mul3A_0, %arg1 : i32
    %mul3A_1 = arith.constant 8000 : i32
    %mul3A_2 = arith.muli %add3A, %mul3A_1 : i32
    "tpu.region"() ({
      %run_scoped3A = tpu.sem_alloc : memref<!tpu.dma_semaphore, #tpu.memory_space<semaphore_mem>>
      %dma_start3A_14 = tpu.memref_slice %arg2[%mul3A_2] : memref<256704xf32, #tpu.memory_space<hbm>> -> memref<8000xf32, #tpu.memory_space<hbm>>
      %dma_start3A_15 = tpu.memref_slice %arg2[%mul3A_2] : memref<256704xf32, #tpu.memory_space<hbm>> -> memref<8000xf32, #tpu.memory_space<hbm>>
      tpu.enqueue_dma source(%dma_start3A_15 : memref<8000xf32, #tpu.memory_space<hbm>>) target(%arg6 : memref<8000xf32, #tpu.memory_space<vmem>>) target_semaphore(%run_scoped3A : memref<!tpu.dma_semaphore, #tpu.memory_space<semaphore_mem>>)
      %dma_wait3A_16 = tpu.memref_slice %arg2[%mul3A_2] : memref<256704xf32, #tpu.memory_space<hbm>> -> memref<8000xf32, #tpu.memory_space<hbm>>
      %dma_wait3A_17 = tpu.memref_slice %arg2[%mul3A_2] : memref<256704xf32, #tpu.memory_space<hbm>> -> memref<8000xf32, #tpu.memory_space<hbm>>
      tpu.wait_dma2 semaphore(%run_scoped3A : memref<!tpu.dma_semaphore, #tpu.memory_space<semaphore_mem>>) src(%dma_wait3A_17 : memref<8000xf32, #tpu.memory_space<hbm>>) dst(%arg6 : memref<8000xf32, #tpu.memory_space<vmem>>)
      tpu.yield
    }) : () -> ()
    %mul3A_3 = arith.constant 704 : i32
    %mul3A_4 = arith.muli %add3A, %mul3A_3 : i32
    "tpu.region"() ({
      %run_scoped3A = tpu.sem_alloc : memref<!tpu.dma_semaphore, #tpu.memory_space<semaphore_mem>>
      %dma_start3A_14 = tpu.memref_slice %arg3[%mul3A_4] : memref<22528xi32, #tpu.memory_space<hbm>> -> memref<704xi32, #tpu.memory_space<hbm>>
      %dma_start3A_15 = tpu.memref_slice %arg3[%mul3A_4] : memref<22528xi32, #tpu.memory_space<hbm>> -> memref<704xi32, #tpu.memory_space<hbm>>
      tpu.enqueue_dma source(%dma_start3A_15 : memref<704xi32, #tpu.memory_space<hbm>>) target(%arg5 : memref<704xi32, #tpu.memory_space<vmem>>) target_semaphore(%run_scoped3A : memref<!tpu.dma_semaphore, #tpu.memory_space<semaphore_mem>>)
      %dma_wait3A_16 = tpu.memref_slice %arg3[%mul3A_4] : memref<22528xi32, #tpu.memory_space<hbm>> -> memref<704xi32, #tpu.memory_space<hbm>>
      %dma_wait3A_17 = tpu.memref_slice %arg3[%mul3A_4] : memref<22528xi32, #tpu.memory_space<hbm>> -> memref<704xi32, #tpu.memory_space<hbm>>
      tpu.wait_dma2 semaphore(%run_scoped3A : memref<!tpu.dma_semaphore, #tpu.memory_space<semaphore_mem>>) src(%dma_wait3A_17 : memref<704xi32, #tpu.memory_space<hbm>>) dst(%arg5 : memref<704xi32, #tpu.memory_space<vmem>>)
      tpu.yield
    }) : () -> ()
    "tpu.region"() ({
      %run_scoped3A = tpu.sem_alloc : memref<!tpu.dma_semaphore, #tpu.memory_space<semaphore_mem>>
      %dma_start3A_14 = arith.constant 256000 : i32
      %dma_start3A_15 = tpu.memref_slice %arg2[%dma_start3A_14] : memref<256704xf32, #tpu.memory_space<hbm>> -> memref<704xf32, #tpu.memory_space<hbm>>
      %dma_start3A_16 = arith.constant 256000 : i32
      %dma_start3A_17 = tpu.memref_slice %arg2[%dma_start3A_16] : memref<256704xf32, #tpu.memory_space<hbm>> -> memref<704xf32, #tpu.memory_space<hbm>>
      tpu.enqueue_dma source(%dma_start3A_17 : memref<704xf32, #tpu.memory_space<hbm>>) target(%arg7 : memref<704xf32, #tpu.memory_space<vmem>>) target_semaphore(%run_scoped3A : memref<!tpu.dma_semaphore, #tpu.memory_space<semaphore_mem>>)
      %dma_wait3A_18 = arith.constant 256000 : i32
      %dma_wait3A_19 = tpu.memref_slice %arg2[%dma_wait3A_18] : memref<256704xf32, #tpu.memory_space<hbm>> -> memref<704xf32, #tpu.memory_space<hbm>>
      %dma_wait3A_20 = arith.constant 256000 : i32
      %dma_wait3A_21 = tpu.memref_slice %arg2[%dma_wait3A_20] : memref<256704xf32, #tpu.memory_space<hbm>> -> memref<704xf32, #tpu.memory_space<hbm>>
      tpu.wait_dma2 semaphore(%run_scoped3A : memref<!tpu.dma_semaphore, #tpu.memory_space<semaphore_mem>>) src(%dma_wait3A_21 : memref<704xf32, #tpu.memory_space<hbm>>) dst(%arg7 : memref<704xf32, #tpu.memory_space<vmem>>)
      tpu.yield
    }) : () -> ()
    %eq3A = arith.constant 0 : i32
    %eq3A_5 = arith.cmpi eq, %arg0, %eq3A : i32
    %convert_element_type3A = arith.extui %eq3A_5 : i1 to i32
    %cond3A = arith.constant 0 : i32
    %cond3A_6 = arith.cmpi ne, %convert_element_type3A, %cond3A : i32
    scf.if %cond3A_6 {
      %mul3A_14 = arith.constant 704000 : i32
      %mul3A_15 = arith.muli %arg1, %mul3A_14 : i32
      %add3A_16 = arith.constant 0 : i32
      %add3A_17 = arith.addi %mul3A_15, %add3A_16 : i32
      %dma_start3A_18 = tpu.memref_slice %arg4[%add3A_17] : memref<20480000xf32, #tpu.memory_space<hbm>> -> memref<8000xf32, #tpu.memory_space<hbm>>
      %dma_start3A_19 = tpu.memref_slice %arg4[%add3A_17] : memref<20480000xf32, #tpu.memory_space<hbm>> -> memref<8000xf32, #tpu.memory_space<hbm>>
      tpu.enqueue_dma source(%arg6 : memref<8000xf32, #tpu.memory_space<vmem>>) target(%dma_start3A_19 : memref<8000xf32, #tpu.memory_space<hbm>>) target_semaphore(%arg8 : memref<!tpu.dma_semaphore, #tpu.memory_space<semaphore_mem>>)
      %add3A_20 = arith.constant 8000 : i32
      %add3A_21 = arith.addi %mul3A_15, %add3A_20 : i32
      %dma_start3A_22 = tpu.memref_slice %arg4[%add3A_21] : memref<20480000xf32, #tpu.memory_space<hbm>> -> memref<8000xf32, #tpu.memory_space<hbm>>
      %dma_start3A_23 = tpu.memref_slice %arg4[%add3A_21] : memref<20480000xf32, #tpu.memory_space<hbm>> -> memref<8000xf32, #tpu.memory_space<hbm>>
      tpu.enqueue_dma source(%arg6 : memref<8000xf32, #tpu.memory_space<vmem>>) target(%dma_start3A_23 : memref<8000xf32, #tpu.memory_space<hbm>>) target_semaphore(%arg8 : memref<!tpu.dma_semaphore, #tpu.memory_space<semaphore_mem>>)
      %add3A_24 = arith.constant 16000 : i32
      %add3A_25 = arith.addi %mul3A_15, %add3A_24 : i32
      %dma_start3A_26 = tpu.memref_slice %arg4[%add3A_25] : memref<20480000xf32, #tpu.memory_space<hbm>> -> memref<8000xf32, #tpu.memory_space<hbm>>
      %dma_start3A_27 = tpu.memref_slice %arg4[%add3A_25] : memref<20480000xf32, #tpu.memory_space<hbm>> -> memref<8000xf32, #tpu.memory_space<hbm>>
      tpu.enqueue_dma source(%arg6 : memref<8000xf32, #tpu.memory_space<vmem>>) target(%dma_start3A_27 : memref<8000xf32, #tpu.memory_space<hbm>>) target_semaphore(%arg8 : memref<!tpu.dma_semaphore, #tpu.memory_space<semaphore_mem>>)
      %add3A_28 = arith.constant 24000 : i32
      %add3A_29 = arith.addi %mul3A_15, %add3A_28 : i32
      %dma_start3A_30 = tpu.memref_slice %arg4[%add3A_29] : memref<20480000xf32, #tpu.memory_space<hbm>> -> memref<8000xf32, #tpu.memory_space<hbm>>
      %dma_start3A_31 = tpu.memref_slice %arg4[%add3A_29] : memref<20480000xf32, #tpu.memory_space<hbm>> -> memref<8000xf32, #tpu.memory_space<hbm>>
      tpu.enqueue_dma source(%arg6 : memref<8000xf32, #tpu.memory_space<vmem>>) target(%dma_start3A_31 : memref<8000xf32, #tpu.memory_space<hbm>>) target_semaphore(%arg8 : memref<!tpu.dma_semaphore, #tpu.memory_space<semaphore_mem>>)
      %add3A_32 = arith.constant 32000 : i32
      %add3A_33 = arith.addi %mul3A_15, %add3A_32 : i32
      %dma_start3A_34 = tpu.memref_slice %arg4[%add3A_33] : memref<20480000xf32, #tpu.memory_space<hbm>> -> memref<8000xf32, #tpu.memory_space<hbm>>
      %dma_start3A_35 = tpu.memref_slice %arg4[%add3A_33] : memref<20480000xf32, #tpu.memory_space<hbm>> -> memref<8000xf32, #tpu.memory_space<hbm>>
      tpu.enqueue_dma source(%arg6 : memref<8000xf32, #tpu.memory_space<vmem>>) target(%dma_start3A_35 : memref<8000xf32, #tpu.memory_space<hbm>>) target_semaphore(%arg8 : memref<!tpu.dma_semaphore, #tpu.memory_space<semaphore_mem>>)
      %add3A_36 = arith.constant 40000 : i32
      %add3A_37 = arith.addi %mul3A_15, %add3A_36 : i32
      %dma_start3A_38 = tpu.memref_slice %arg4[%add3A_37] : memref<20480000xf32, #tpu.memory_space<hbm>> -> memref<8000xf32, #tpu.memory_space<hbm>>
      %dma_start3A_39 = tpu.memref_slice %arg4[%add3A_37] : memref<20480000xf32, #tpu.memory_space<hbm>> -> memref<8000xf32, #tpu.memory_space<hbm>>
      tpu.enqueue_dma source(%arg6 : memref<8000xf32, #tpu.memory_space<vmem>>) target(%dma_start3A_39 : memref<8000xf32, #tpu.memory_space<hbm>>) target_semaphore(%arg8 : memref<!tpu.dma_semaphore, #tpu.memory_space<semaphore_mem>>)
      %add3A_40 = arith.constant 48000 : i32
      %add3A_41 = arith.addi %mul3A_15, %add3A_40 : i32
      %dma_start3A_42 = tpu.memref_slice %arg4[%add3A_41] : memref<20480000xf32, #tpu.memory_space<hbm>> -> memref<8000xf32, #tpu.memory_space<hbm>>
      %dma_start3A_43 = tpu.memref_slice %arg4[%add3A_41] : memref<20480000xf32, #tpu.memory_space<hbm>> -> memref<8000xf32, #tpu.memory_space<hbm>>
      tpu.enqueue_dma source(%arg6 : memref<8000xf32, #tpu.memory_space<vmem>>) target(%dma_start3A_43 : memref<8000xf32, #tpu.memory_space<hbm>>) target_semaphore(%arg8 : memref<!tpu.dma_semaphore, #tpu.memory_space<semaphore_mem>>)
      %add3A_44 = arith.constant 56000 : i32
      %add3A_45 = arith.addi %mul3A_15, %add3A_44 : i32
      %dma_start3A_46 = tpu.memref_slice %arg4[%add3A_45] : memref<20480000xf32, #tpu.memory_space<hbm>> -> memref<8000xf32, #tpu.memory_space<hbm>>
      %dma_start3A_47 = tpu.memref_slice %arg4[%add3A_45] : memref<20480000xf32, #tpu.memory_space<hbm>> -> memref<8000xf32, #tpu.memory_space<hbm>>
      tpu.enqueue_dma source(%arg6 : memref<8000xf32, #tpu.memory_space<vmem>>) target(%dma_start3A_47 : memref<8000xf32, #tpu.memory_space<hbm>>) target_semaphore(%arg8 : memref<!tpu.dma_semaphore, #tpu.memory_space<semaphore_mem>>)
      %add3A_48 = arith.constant 64000 : i32
      %add3A_49 = arith.addi %mul3A_15, %add3A_48 : i32
      %dma_start3A_50 = tpu.memref_slice %arg4[%add3A_49] : memref<20480000xf32, #tpu.memory_space<hbm>> -> memref<8000xf32, #tpu.memory_space<hbm>>
      %dma_start3A_51 = tpu.memref_slice %arg4[%add3A_49] : memref<20480000xf32, #tpu.memory_space<hbm>> -> memref<8000xf32, #tpu.memory_space<hbm>>
      tpu.enqueue_dma source(%arg6 : memref<8000xf32, #tpu.memory_space<vmem>>) target(%dma_start3A_51 : memref<8000xf32, #tpu.memory_space<hbm>>) target_semaphore(%arg8 : memref<!tpu.dma_semaphore, #tpu.memory_space<semaphore_mem>>)
      %add3A_52 = arith.constant 72000 : i32
      %add3A_53 = arith.addi %mul3A_15, %add3A_52 : i32
      %dma_start3A_54 = tpu.memref_slice %arg4[%add3A_53] : memref<20480000xf32, #tpu.memory_space<hbm>> -> memref<8000xf32, #tpu.memory_space<hbm>>
      %dma_start3A_55 = tpu.memref_slice %arg4[%add3A_53] : memref<20480000xf32, #tpu.memory_space<hbm>> -> memref<8000xf32, #tpu.memory_space<hbm>>
      tpu.enqueue_dma source(%arg6 : memref<8000xf32, #tpu.memory_space<vmem>>) target(%dma_start3A_55 : memref<8000xf32, #tpu.memory_space<hbm>>) target_semaphore(%arg8 : memref<!tpu.dma_semaphore, #tpu.memory_space<semaphore_mem>>)
      %add3A_56 = arith.constant 80000 : i32
      %add3A_57 = arith.addi %mul3A_15, %add3A_56 : i32
      %dma_start3A_58 = tpu.memref_slice %arg4[%add3A_57] : memref<20480000xf32, #tpu.memory_space<hbm>> -> memref<8000xf32, #tpu.memory_space<hbm>>
      %dma_start3A_59 = tpu.memref_slice %arg4[%add3A_57] : memref<20480000xf32, #tpu.memory_space<hbm>> -> memref<8000xf32, #tpu.memory_space<hbm>>
      tpu.enqueue_dma source(%arg6 : memref<8000xf32, #tpu.memory_space<vmem>>) target(%dma_start3A_59 : memref<8000xf32, #tpu.memory_space<hbm>>) target_semaphore(%arg8 : memref<!tpu.dma_semaphore, #tpu.memory_space<semaphore_mem>>)
      %add3A_60 = arith.constant 88000 : i32
      %add3A_61 = arith.addi %mul3A_15, %add3A_60 : i32
      %dma_start3A_62 = tpu.memref_slice %arg4[%add3A_61] : memref<20480000xf32, #tpu.memory_space<hbm>> -> memref<8000xf32, #tpu.memory_space<hbm>>
      %dma_start3A_63 = tpu.memref_slice %arg4[%add3A_61] : memref<20480000xf32, #tpu.memory_space<hbm>> -> memref<8000xf32, #tpu.memory_space<hbm>>
      tpu.enqueue_dma source(%arg6 : memref<8000xf32, #tpu.memory_space<vmem>>) target(%dma_start3A_63 : memref<8000xf32, #tpu.memory_space<hbm>>) target_semaphore(%arg8 : memref<!tpu.dma_semaphore, #tpu.memory_space<semaphore_mem>>)
      %add3A_64 = arith.constant 96000 : i32
      %add3A_65 = arith.addi %mul3A_15, %add3A_64 : i32
      %dma_start3A_66 = tpu.memref_slice %arg4[%add3A_65] : memref<20480000xf32, #tpu.memory_space<hbm>> -> memref<8000xf32, #tpu.memory_space<hbm>>
      %dma_start3A_67 = tpu.memref_slice %arg4[%add3A_65] : memref<20480000xf32, #tpu.memory_space<hbm>> -> memref<8000xf32, #tpu.memory_space<hbm>>
      tpu.enqueue_dma source(%arg6 : memref<8000xf32, #tpu.memory_space<vmem>>) target(%dma_start3A_67 : memref<8000xf32, #tpu.memory_space<hbm>>) target_semaphore(%arg8 : memref<!tpu.dma_semaphore, #tpu.memory_space<semaphore_mem>>)
      %add3A_68 = arith.constant 104000 : i32
      %add3A_69 = arith.addi %mul3A_15, %add3A_68 : i32
      %dma_start3A_70 = tpu.memref_slice %arg4[%add3A_69] : memref<20480000xf32, #tpu.memory_space<hbm>> -> memref<8000xf32, #tpu.memory_space<hbm>>
      %dma_start3A_71 = tpu.memref_slice %arg4[%add3A_69] : memref<20480000xf32, #tpu.memory_space<hbm>> -> memref<8000xf32, #tpu.memory_space<hbm>>
      tpu.enqueue_dma source(%arg6 : memref<8000xf32, #tpu.memory_space<vmem>>) target(%dma_start3A_71 : memref<8000xf32, #tpu.memory_space<hbm>>) target_semaphore(%arg8 : memref<!tpu.dma_semaphore, #tpu.memory_space<semaphore_mem>>)
      %add3A_72 = arith.constant 112000 : i32
      %add3A_73 = arith.addi %mul3A_15, %add3A_72 : i32
      %dma_start3A_74 = tpu.memref_slice %arg4[%add3A_73] : memref<20480000xf32, #tpu.memory_space<hbm>> -> memref<8000xf32, #tpu.memory_space<hbm>>
      %dma_start3A_75 = tpu.memref_slice %arg4[%add3A_73] : memref<20480000xf32, #tpu.memory_space<hbm>> -> memref<8000xf32, #tpu.memory_space<hbm>>
      tpu.enqueue_dma source(%arg6 : memref<8000xf32, #tpu.memory_space<vmem>>) target(%dma_start3A_75 : memref<8000xf32, #tpu.memory_space<hbm>>) target_semaphore(%arg8 : memref<!tpu.dma_semaphore, #tpu.memory_space<semaphore_mem>>)
      %add3A_76 = arith.constant 120000 : i32
      %add3A_77 = arith.addi %mul3A_15, %add3A_76 : i32
      %dma_start3A_78 = tpu.memref_slice %arg4[%add3A_77] : memref<20480000xf32, #tpu.memory_space<hbm>> -> memref<8000xf32, #tpu.memory_space<hbm>>
      %dma_start3A_79 = tpu.memref_slice %arg4[%add3A_77] : memref<20480000xf32, #tpu.memory_space<hbm>> -> memref<8000xf32, #tpu.memory_space<hbm>>
      tpu.enqueue_dma source(%arg6 : memref<8000xf32, #tpu.memory_space<vmem>>) target(%dma_start3A_79 : memref<8000xf32, #tpu.memory_space<hbm>>) target_semaphore(%arg8 : memref<!tpu.dma_semaphore, #tpu.memory_space<semaphore_mem>>)
      %add3A_80 = arith.constant 128000 : i32
      %add3A_81 = arith.addi %mul3A_15, %add3A_80 : i32
      %dma_start3A_82 = tpu.memref_slice %arg4[%add3A_81] : memref<20480000xf32, #tpu.memory_space<hbm>> -> memref<8000xf32, #tpu.memory_space<hbm>>
      %dma_start3A_83 = tpu.memref_slice %arg4[%add3A_81] : memref<20480000xf32, #tpu.memory_space<hbm>> -> memref<8000xf32, #tpu.memory_space<hbm>>
      tpu.enqueue_dma source(%arg6 : memref<8000xf32, #tpu.memory_space<vmem>>) target(%dma_start3A_83 : memref<8000xf32, #tpu.memory_space<hbm>>) target_semaphore(%arg8 : memref<!tpu.dma_semaphore, #tpu.memory_space<semaphore_mem>>)
      %add3A_84 = arith.constant 136000 : i32
      %add3A_85 = arith.addi %mul3A_15, %add3A_84 : i32
      %dma_start3A_86 = tpu.memref_slice %arg4[%add3A_85] : memref<20480000xf32, #tpu.memory_space<hbm>> -> memref<8000xf32, #tpu.memory_space<hbm>>
      %dma_start3A_87 = tpu.memref_slice %arg4[%add3A_85] : memref<20480000xf32, #tpu.memory_space<hbm>> -> memref<8000xf32, #tpu.memory_space<hbm>>
      tpu.enqueue_dma source(%arg6 : memref<8000xf32, #tpu.memory_space<vmem>>) target(%dma_start3A_87 : memref<8000xf32, #tpu.memory_space<hbm>>) target_semaphore(%arg8 : memref<!tpu.dma_semaphore, #tpu.memory_space<semaphore_mem>>)
      %add3A_88 = arith.constant 144000 : i32
      %add3A_89 = arith.addi %mul3A_15, %add3A_88 : i32
      %dma_start3A_90 = tpu.memref_slice %arg4[%add3A_89] : memref<20480000xf32, #tpu.memory_space<hbm>> -> memref<8000xf32, #tpu.memory_space<hbm>>
      %dma_start3A_91 = tpu.memref_slice %arg4[%add3A_89] : memref<20480000xf32, #tpu.memory_space<hbm>> -> memref<8000xf32, #tpu.memory_space<hbm>>
      tpu.enqueue_dma source(%arg6 : memref<8000xf32, #tpu.memory_space<vmem>>) target(%dma_start3A_91 : memref<8000xf32, #tpu.memory_space<hbm>>) target_semaphore(%arg8 : memref<!tpu.dma_semaphore, #tpu.memory_space<semaphore_mem>>)
      %add3A_92 = arith.constant 152000 : i32
      %add3A_93 = arith.addi %mul3A_15, %add3A_92 : i32
      %dma_start3A_94 = tpu.memref_slice %arg4[%add3A_93] : memref<20480000xf32, #tpu.memory_space<hbm>> -> memref<8000xf32, #tpu.memory_space<hbm>>
      %dma_start3A_95 = tpu.memref_slice %arg4[%add3A_93] : memref<20480000xf32, #tpu.memory_space<hbm>> -> memref<8000xf32, #tpu.memory_space<hbm>>
      tpu.enqueue_dma source(%arg6 : memref<8000xf32, #tpu.memory_space<vmem>>) target(%dma_start3A_95 : memref<8000xf32, #tpu.memory_space<hbm>>) target_semaphore(%arg8 : memref<!tpu.dma_semaphore, #tpu.memory_space<semaphore_mem>>)
      %add3A_96 = arith.constant 160000 : i32
      %add3A_97 = arith.addi %mul3A_15, %add3A_96 : i32
      %dma_start3A_98 = tpu.memref_slice %arg4[%add3A_97] : memref<20480000xf32, #tpu.memory_space<hbm>> -> memref<8000xf32, #tpu.memory_space<hbm>>
      %dma_start3A_99 = tpu.memref_slice %arg4[%add3A_97] : memref<20480000xf32, #tpu.memory_space<hbm>> -> memref<8000xf32, #tpu.memory_space<hbm>>
      tpu.enqueue_dma source(%arg6 : memref<8000xf32, #tpu.memory_space<vmem>>) target(%dma_start3A_99 : memref<8000xf32, #tpu.memory_space<hbm>>) target_semaphore(%arg8 : memref<!tpu.dma_semaphore, #tpu.memory_space<semaphore_mem>>)
      %add3A_100 = arith.constant 168000 : i32
      %add3A_101 = arith.addi %mul3A_15, %add3A_100 : i32
      %dma_start3A_102 = tpu.memref_slice %arg4[%add3A_101] : memref<20480000xf32, #tpu.memory_space<hbm>> -> memref<8000xf32, #tpu.memory_space<hbm>>
      %dma_start3A_103 = tpu.memref_slice %arg4[%add3A_101] : memref<20480000xf32, #tpu.memory_space<hbm>> -> memref<8000xf32, #tpu.memory_space<hbm>>
      tpu.enqueue_dma source(%arg6 : memref<8000xf32, #tpu.memory_space<vmem>>) target(%dma_start3A_103 : memref<8000xf32, #tpu.memory_space<hbm>>) target_semaphore(%arg8 : memref<!tpu.dma_semaphore, #tpu.memory_space<semaphore_mem>>)
      %add3A_104 = arith.constant 176000 : i32
      %add3A_105 = arith.addi %mul3A_15, %add3A_104 : i32
      %dma_start3A_106 = tpu.memref_slice %arg4[%add3A_105] : memref<20480000xf32, #tpu.memory_space<hbm>> -> memref<8000xf32, #tpu.memory_space<hbm>>
      %dma_start3A_107 = tpu.memref_slice %arg4[%add3A_105] : memref<20480000xf32, #tpu.memory_space<hbm>> -> memref<8000xf32, #tpu.memory_space<hbm>>
      tpu.enqueue_dma source(%arg6 : memref<8000xf32, #tpu.memory_space<vmem>>) target(%dma_start3A_107 : memref<8000xf32, #tpu.memory_space<hbm>>) target_semaphore(%arg8 : memref<!tpu.dma_semaphore, #tpu.memory_space<semaphore_mem>>)
      %add3A_108 = arith.constant 184000 : i32
      %add3A_109 = arith.addi %mul3A_15, %add3A_108 : i32
      %dma_start3A_110 = tpu.memref_slice %arg4[%add3A_109] : memref<20480000xf32, #tpu.memory_space<hbm>> -> memref<8000xf32, #tpu.memory_space<hbm>>
      %dma_start3A_111 = tpu.memref_slice %arg4[%add3A_109] : memref<20480000xf32, #tpu.memory_space<hbm>> -> memref<8000xf32, #tpu.memory_space<hbm>>
      tpu.enqueue_dma source(%arg6 : memref<8000xf32, #tpu.memory_space<vmem>>) target(%dma_start3A_111 : memref<8000xf32, #tpu.memory_space<hbm>>) target_semaphore(%arg8 : memref<!tpu.dma_semaphore, #tpu.memory_space<semaphore_mem>>)
      %add3A_112 = arith.constant 192000 : i32
      %add3A_113 = arith.addi %mul3A_15, %add3A_112 : i32
      %dma_start3A_114 = tpu.memref_slice %arg4[%add3A_113] : memref<20480000xf32, #tpu.memory_space<hbm>> -> memref<8000xf32, #tpu.memory_space<hbm>>
      %dma_start3A_115 = tpu.memref_slice %arg4[%add3A_113] : memref<20480000xf32, #tpu.memory_space<hbm>> -> memref<8000xf32, #tpu.memory_space<hbm>>
      tpu.enqueue_dma source(%arg6 : memref<8000xf32, #tpu.memory_space<vmem>>) target(%dma_start3A_115 : memref<8000xf32, #tpu.memory_space<hbm>>) target_semaphore(%arg8 : memref<!tpu.dma_semaphore, #tpu.memory_space<semaphore_mem>>)
      %add3A_116 = arith.constant 200000 : i32
      %add3A_117 = arith.addi %mul3A_15, %add3A_116 : i32
      %dma_start3A_118 = tpu.memref_slice %arg4[%add3A_117] : memref<20480000xf32, #tpu.memory_space<hbm>> -> memref<8000xf32, #tpu.memory_space<hbm>>
      %dma_start3A_119 = tpu.memref_slice %arg4[%add3A_117] : memref<20480000xf32, #tpu.memory_space<hbm>> -> memref<8000xf32, #tpu.memory_space<hbm>>
      tpu.enqueue_dma source(%arg6 : memref<8000xf32, #tpu.memory_space<vmem>>) target(%dma_start3A_119 : memref<8000xf32, #tpu.memory_space<hbm>>) target_semaphore(%arg8 : memref<!tpu.dma_semaphore, #tpu.memory_space<semaphore_mem>>)
      %add3A_120 = arith.constant 208000 : i32
      %add3A_121 = arith.addi %mul3A_15, %add3A_120 : i32
      %dma_start3A_122 = tpu.memref_slice %arg4[%add3A_121] : memref<20480000xf32, #tpu.memory_space<hbm>> -> memref<8000xf32, #tpu.memory_space<hbm>>
      %dma_start3A_123 = tpu.memref_slice %arg4[%add3A_121] : memref<20480000xf32, #tpu.memory_space<hbm>> -> memref<8000xf32, #tpu.memory_space<hbm>>
      tpu.enqueue_dma source(%arg6 : memref<8000xf32, #tpu.memory_space<vmem>>) target(%dma_start3A_123 : memref<8000xf32, #tpu.memory_space<hbm>>) target_semaphore(%arg8 : memref<!tpu.dma_semaphore, #tpu.memory_space<semaphore_mem>>)
      %add3A_124 = arith.constant 216000 : i32
      %add3A_125 = arith.addi %mul3A_15, %add3A_124 : i32
      %dma_start3A_126 = tpu.memref_slice %arg4[%add3A_125] : memref<20480000xf32, #tpu.memory_space<hbm>> -> memref<8000xf32, #tpu.memory_space<hbm>>
      %dma_start3A_127 = tpu.memref_slice %arg4[%add3A_125] : memref<20480000xf32, #tpu.memory_space<hbm>> -> memref<8000xf32, #tpu.memory_space<hbm>>
      tpu.enqueue_dma source(%arg6 : memref<8000xf32, #tpu.memory_space<vmem>>) target(%dma_start3A_127 : memref<8000xf32, #tpu.memory_space<hbm>>) target_semaphore(%arg8 : memref<!tpu.dma_semaphore, #tpu.memory_space<semaphore_mem>>)
      %add3A_128 = arith.constant 224000 : i32
      %add3A_129 = arith.addi %mul3A_15, %add3A_128 : i32
      %dma_start3A_130 = tpu.memref_slice %arg4[%add3A_129] : memref<20480000xf32, #tpu.memory_space<hbm>> -> memref<8000xf32, #tpu.memory_space<hbm>>
      %dma_start3A_131 = tpu.memref_slice %arg4[%add3A_129] : memref<20480000xf32, #tpu.memory_space<hbm>> -> memref<8000xf32, #tpu.memory_space<hbm>>
      tpu.enqueue_dma source(%arg6 : memref<8000xf32, #tpu.memory_space<vmem>>) target(%dma_start3A_131 : memref<8000xf32, #tpu.memory_space<hbm>>) target_semaphore(%arg8 : memref<!tpu.dma_semaphore, #tpu.memory_space<semaphore_mem>>)
      %add3A_132 = arith.constant 232000 : i32
      %add3A_133 = arith.addi %mul3A_15, %add3A_132 : i32
      %dma_start3A_134 = tpu.memref_slice %arg4[%add3A_133] : memref<20480000xf32, #tpu.memory_space<hbm>> -> memref<8000xf32, #tpu.memory_space<hbm>>
      %dma_start3A_135 = tpu.memref_slice %arg4[%add3A_133] : memref<20480000xf32, #tpu.memory_space<hbm>> -> memref<8000xf32, #tpu.memory_space<hbm>>
      tpu.enqueue_dma source(%arg6 : memref<8000xf32, #tpu.memory_space<vmem>>) target(%dma_start3A_135 : memref<8000xf32, #tpu.memory_space<hbm>>) target_semaphore(%arg8 : memref<!tpu.dma_semaphore, #tpu.memory_space<semaphore_mem>>)
      %add3A_136 = arith.constant 240000 : i32
      %add3A_137 = arith.addi %mul3A_15, %add3A_136 : i32
      %dma_start3A_138 = tpu.memref_slice %arg4[%add3A_137] : memref<20480000xf32, #tpu.memory_space<hbm>> -> memref<8000xf32, #tpu.memory_space<hbm>>
      %dma_start3A_139 = tpu.memref_slice %arg4[%add3A_137] : memref<20480000xf32, #tpu.memory_space<hbm>> -> memref<8000xf32, #tpu.memory_space<hbm>>
      tpu.enqueue_dma source(%arg6 : memref<8000xf32, #tpu.memory_space<vmem>>) target(%dma_start3A_139 : memref<8000xf32, #tpu.memory_space<hbm>>) target_semaphore(%arg8 : memref<!tpu.dma_semaphore, #tpu.memory_space<semaphore_mem>>)
      %add3A_140 = arith.constant 248000 : i32
      %add3A_141 = arith.addi %mul3A_15, %add3A_140 : i32
      %dma_start3A_142 = tpu.memref_slice %arg4[%add3A_141] : memref<20480000xf32, #tpu.memory_space<hbm>> -> memref<8000xf32, #tpu.memory_space<hbm>>
      %dma_start3A_143 = tpu.memref_slice %arg4[%add3A_141] : memref<20480000xf32, #tpu.memory_space<hbm>> -> memref<8000xf32, #tpu.memory_space<hbm>>
      tpu.enqueue_dma source(%arg6 : memref<8000xf32, #tpu.memory_space<vmem>>) target(%dma_start3A_143 : memref<8000xf32, #tpu.memory_space<hbm>>) target_semaphore(%arg8 : memref<!tpu.dma_semaphore, #tpu.memory_space<semaphore_mem>>)
      %add3A_144 = arith.constant 256000 : i32
      %add3A_145 = arith.addi %mul3A_15, %add3A_144 : i32
      %dma_start3A_146 = tpu.memref_slice %arg4[%add3A_145] : memref<20480000xf32, #tpu.memory_space<hbm>> -> memref<8000xf32, #tpu.memory_space<hbm>>
      %dma_start3A_147 = tpu.memref_slice %arg4[%add3A_145] : memref<20480000xf32, #tpu.memory_space<hbm>> -> memref<8000xf32, #tpu.memory_space<hbm>>
      tpu.enqueue_dma source(%arg6 : memref<8000xf32, #tpu.memory_space<vmem>>) target(%dma_start3A_147 : memref<8000xf32, #tpu.memory_space<hbm>>) target_semaphore(%arg8 : memref<!tpu.dma_semaphore, #tpu.memory_space<semaphore_mem>>)
      %add3A_148 = arith.constant 264000 : i32
      %add3A_149 = arith.addi %mul3A_15, %add3A_148 : i32
      %dma_start3A_150 = tpu.memref_slice %arg4[%add3A_149] : memref<20480000xf32, #tpu.memory_space<hbm>> -> memref<8000xf32, #tpu.memory_space<hbm>>
      %dma_start3A_151 = tpu.memref_slice %arg4[%add3A_149] : memref<20480000xf32, #tpu.memory_space<hbm>> -> memref<8000xf32, #tpu.memory_space<hbm>>
      tpu.enqueue_dma source(%arg6 : memref<8000xf32, #tpu.memory_space<vmem>>) target(%dma_start3A_151 : memref<8000xf32, #tpu.memory_space<hbm>>) target_semaphore(%arg8 : memref<!tpu.dma_semaphore, #tpu.memory_space<semaphore_mem>>)
      %add3A_152 = arith.constant 272000 : i32
      %add3A_153 = arith.addi %mul3A_15, %add3A_152 : i32
      %dma_start3A_154 = tpu.memref_slice %arg4[%add3A_153] : memref<20480000xf32, #tpu.memory_space<hbm>> -> memref<8000xf32, #tpu.memory_space<hbm>>
      %dma_start3A_155 = tpu.memref_slice %arg4[%add3A_153] : memref<20480000xf32, #tpu.memory_space<hbm>> -> memref<8000xf32, #tpu.memory_space<hbm>>
      tpu.enqueue_dma source(%arg6 : memref<8000xf32, #tpu.memory_space<vmem>>) target(%dma_start3A_155 : memref<8000xf32, #tpu.memory_space<hbm>>) target_semaphore(%arg8 : memref<!tpu.dma_semaphore, #tpu.memory_space<semaphore_mem>>)
      %add3A_156 = arith.constant 280000 : i32
      %add3A_157 = arith.addi %mul3A_15, %add3A_156 : i32
      %dma_start3A_158 = tpu.memref_slice %arg4[%add3A_157] : memref<20480000xf32, #tpu.memory_space<hbm>> -> memref<8000xf32, #tpu.memory_space<hbm>>
      %dma_start3A_159 = tpu.memref_slice %arg4[%add3A_157] : memref<20480000xf32, #tpu.memory_space<hbm>> -> memref<8000xf32, #tpu.memory_space<hbm>>
      tpu.enqueue_dma source(%arg6 : memref<8000xf32, #tpu.memory_space<vmem>>) target(%dma_start3A_159 : memref<8000xf32, #tpu.memory_space<hbm>>) target_semaphore(%arg8 : memref<!tpu.dma_semaphore, #tpu.memory_space<semaphore_mem>>)
      %add3A_160 = arith.constant 288000 : i32
      %add3A_161 = arith.addi %mul3A_15, %add3A_160 : i32
      %dma_start3A_162 = tpu.memref_slice %arg4[%add3A_161] : memref<20480000xf32, #tpu.memory_space<hbm>> -> memref<8000xf32, #tpu.memory_space<hbm>>
      %dma_start3A_163 = tpu.memref_slice %arg4[%add3A_161] : memref<20480000xf32, #tpu.memory_space<hbm>> -> memref<8000xf32, #tpu.memory_space<hbm>>
      tpu.enqueue_dma source(%arg6 : memref<8000xf32, #tpu.memory_space<vmem>>) target(%dma_start3A_163 : memref<8000xf32, #tpu.memory_space<hbm>>) target_semaphore(%arg8 : memref<!tpu.dma_semaphore, #tpu.memory_space<semaphore_mem>>)
      %add3A_164 = arith.constant 296000 : i32
      %add3A_165 = arith.addi %mul3A_15, %add3A_164 : i32
      %dma_start3A_166 = tpu.memref_slice %arg4[%add3A_165] : memref<20480000xf32, #tpu.memory_space<hbm>> -> memref<8000xf32, #tpu.memory_space<hbm>>
      %dma_start3A_167 = tpu.memref_slice %arg4[%add3A_165] : memref<20480000xf32, #tpu.memory_space<hbm>> -> memref<8000xf32, #tpu.memory_space<hbm>>
      tpu.enqueue_dma source(%arg6 : memref<8000xf32, #tpu.memory_space<vmem>>) target(%dma_start3A_167 : memref<8000xf32, #tpu.memory_space<hbm>>) target_semaphore(%arg8 : memref<!tpu.dma_semaphore, #tpu.memory_space<semaphore_mem>>)
      %add3A_168 = arith.constant 304000 : i32
      %add3A_169 = arith.addi %mul3A_15, %add3A_168 : i32
      %dma_start3A_170 = tpu.memref_slice %arg4[%add3A_169] : memref<20480000xf32, #tpu.memory_space<hbm>> -> memref<8000xf32, #tpu.memory_space<hbm>>
      %dma_start3A_171 = tpu.memref_slice %arg4[%add3A_169] : memref<20480000xf32, #tpu.memory_space<hbm>> -> memref<8000xf32, #tpu.memory_space<hbm>>
      tpu.enqueue_dma source(%arg6 : memref<8000xf32, #tpu.memory_space<vmem>>) target(%dma_start3A_171 : memref<8000xf32, #tpu.memory_space<hbm>>) target_semaphore(%arg8 : memref<!tpu.dma_semaphore, #tpu.memory_space<semaphore_mem>>)
      %add3A_172 = arith.constant 312000 : i32
      %add3A_173 = arith.addi %mul3A_15, %add3A_172 : i32
      %dma_start3A_174 = tpu.memref_slice %arg4[%add3A_173] : memref<20480000xf32, #tpu.memory_space<hbm>> -> memref<8000xf32, #tpu.memory_space<hbm>>
      %dma_start3A_175 = tpu.memref_slice %arg4[%add3A_173] : memref<20480000xf32, #tpu.memory_space<hbm>> -> memref<8000xf32, #tpu.memory_space<hbm>>
      tpu.enqueue_dma source(%arg6 : memref<8000xf32, #tpu.memory_space<vmem>>) target(%dma_start3A_175 : memref<8000xf32, #tpu.memory_space<hbm>>) target_semaphore(%arg8 : memref<!tpu.dma_semaphore, #tpu.memory_space<semaphore_mem>>)
      %add3A_176 = arith.constant 320000 : i32
      %add3A_177 = arith.addi %mul3A_15, %add3A_176 : i32
      %dma_start3A_178 = tpu.memref_slice %arg4[%add3A_177] : memref<20480000xf32, #tpu.memory_space<hbm>> -> memref<8000xf32, #tpu.memory_space<hbm>>
      %dma_start3A_179 = tpu.memref_slice %arg4[%add3A_177] : memref<20480000xf32, #tpu.memory_space<hbm>> -> memref<8000xf32, #tpu.memory_space<hbm>>
      tpu.enqueue_dma source(%arg6 : memref<8000xf32, #tpu.memory_space<vmem>>) target(%dma_start3A_179 : memref<8000xf32, #tpu.memory_space<hbm>>) target_semaphore(%arg8 : memref<!tpu.dma_semaphore, #tpu.memory_space<semaphore_mem>>)
      %add3A_180 = arith.constant 328000 : i32
      %add3A_181 = arith.addi %mul3A_15, %add3A_180 : i32
      %dma_start3A_182 = tpu.memref_slice %arg4[%add3A_181] : memref<20480000xf32, #tpu.memory_space<hbm>> -> memref<8000xf32, #tpu.memory_space<hbm>>
      %dma_start3A_183 = tpu.memref_slice %arg4[%add3A_181] : memref<20480000xf32, #tpu.memory_space<hbm>> -> memref<8000xf32, #tpu.memory_space<hbm>>
      tpu.enqueue_dma source(%arg6 : memref<8000xf32, #tpu.memory_space<vmem>>) target(%dma_start3A_183 : memref<8000xf32, #tpu.memory_space<hbm>>) target_semaphore(%arg8 : memref<!tpu.dma_semaphore, #tpu.memory_space<semaphore_mem>>)
      %add3A_184 = arith.constant 336000 : i32
      %add3A_185 = arith.addi %mul3A_15, %add3A_184 : i32
      %dma_start3A_186 = tpu.memref_slice %arg4[%add3A_185] : memref<20480000xf32, #tpu.memory_space<hbm>> -> memref<8000xf32, #tpu.memory_space<hbm>>
      %dma_start3A_187 = tpu.memref_slice %arg4[%add3A_185] : memref<20480000xf32, #tpu.memory_space<hbm>> -> memref<8000xf32, #tpu.memory_space<hbm>>
      tpu.enqueue_dma source(%arg6 : memref<8000xf32, #tpu.memory_space<vmem>>) target(%dma_start3A_187 : memref<8000xf32, #tpu.memory_space<hbm>>) target_semaphore(%arg8 : memref<!tpu.dma_semaphore, #tpu.memory_space<semaphore_mem>>)
      %add3A_188 = arith.constant 344000 : i32
      %add3A_189 = arith.addi %mul3A_15, %add3A_188 : i32
      %dma_start3A_190 = tpu.memref_slice %arg4[%add3A_189] : memref<20480000xf32, #tpu.memory_space<hbm>> -> memref<8000xf32, #tpu.memory_space<hbm>>
      %dma_start3A_191 = tpu.memref_slice %arg4[%add3A_189] : memref<20480000xf32, #tpu.memory_space<hbm>> -> memref<8000xf32, #tpu.memory_space<hbm>>
      tpu.enqueue_dma source(%arg6 : memref<8000xf32, #tpu.memory_space<vmem>>) target(%dma_start3A_191 : memref<8000xf32, #tpu.memory_space<hbm>>) target_semaphore(%arg8 : memref<!tpu.dma_semaphore, #tpu.memory_space<semaphore_mem>>)
      %add3A_192 = arith.constant 352000 : i32
      %add3A_193 = arith.addi %mul3A_15, %add3A_192 : i32
      %dma_start3A_194 = tpu.memref_slice %arg4[%add3A_193] : memref<20480000xf32, #tpu.memory_space<hbm>> -> memref<8000xf32, #tpu.memory_space<hbm>>
      %dma_start3A_195 = tpu.memref_slice %arg4[%add3A_193] : memref<20480000xf32, #tpu.memory_space<hbm>> -> memref<8000xf32, #tpu.memory_space<hbm>>
      tpu.enqueue_dma source(%arg6 : memref<8000xf32, #tpu.memory_space<vmem>>) target(%dma_start3A_195 : memref<8000xf32, #tpu.memory_space<hbm>>) target_semaphore(%arg8 : memref<!tpu.dma_semaphore, #tpu.memory_space<semaphore_mem>>)
      %add3A_196 = arith.constant 360000 : i32
      %add3A_197 = arith.addi %mul3A_15, %add3A_196 : i32
      %dma_start3A_198 = tpu.memref_slice %arg4[%add3A_197] : memref<20480000xf32, #tpu.memory_space<hbm>> -> memref<8000xf32, #tpu.memory_space<hbm>>
      %dma_start3A_199 = tpu.memref_slice %arg4[%add3A_197] : memref<20480000xf32, #tpu.memory_space<hbm>> -> memref<8000xf32, #tpu.memory_space<hbm>>
      tpu.enqueue_dma source(%arg6 : memref<8000xf32, #tpu.memory_space<vmem>>) target(%dma_start3A_199 : memref<8000xf32, #tpu.memory_space<hbm>>) target_semaphore(%arg8 : memref<!tpu.dma_semaphore, #tpu.memory_space<semaphore_mem>>)
      %add3A_200 = arith.constant 368000 : i32
      %add3A_201 = arith.addi %mul3A_15, %add3A_200 : i32
      %dma_start3A_202 = tpu.memref_slice %arg4[%add3A_201] : memref<20480000xf32, #tpu.memory_space<hbm>> -> memref<8000xf32, #tpu.memory_space<hbm>>
      %dma_start3A_203 = tpu.memref_slice %arg4[%add3A_201] : memref<20480000xf32, #tpu.memory_space<hbm>> -> memref<8000xf32, #tpu.memory_space<hbm>>
      tpu.enqueue_dma source(%arg6 : memref<8000xf32, #tpu.memory_space<vmem>>) target(%dma_start3A_203 : memref<8000xf32, #tpu.memory_space<hbm>>) target_semaphore(%arg8 : memref<!tpu.dma_semaphore, #tpu.memory_space<semaphore_mem>>)
      %add3A_204 = arith.constant 376000 : i32
      %add3A_205 = arith.addi %mul3A_15, %add3A_204 : i32
      %dma_start3A_206 = tpu.memref_slice %arg4[%add3A_205] : memref<20480000xf32, #tpu.memory_space<hbm>> -> memref<8000xf32, #tpu.memory_space<hbm>>
      %dma_start3A_207 = tpu.memref_slice %arg4[%add3A_205] : memref<20480000xf32, #tpu.memory_space<hbm>> -> memref<8000xf32, #tpu.memory_space<hbm>>
      tpu.enqueue_dma source(%arg6 : memref<8000xf32, #tpu.memory_space<vmem>>) target(%dma_start3A_207 : memref<8000xf32, #tpu.memory_space<hbm>>) target_semaphore(%arg8 : memref<!tpu.dma_semaphore, #tpu.memory_space<semaphore_mem>>)
      %add3A_208 = arith.constant 384000 : i32
      %add3A_209 = arith.addi %mul3A_15, %add3A_208 : i32
      %dma_start3A_210 = tpu.memref_slice %arg4[%add3A_209] : memref<20480000xf32, #tpu.memory_space<hbm>> -> memref<8000xf32, #tpu.memory_space<hbm>>
      %dma_start3A_211 = tpu.memref_slice %arg4[%add3A_209] : memref<20480000xf32, #tpu.memory_space<hbm>> -> memref<8000xf32, #tpu.memory_space<hbm>>
      tpu.enqueue_dma source(%arg6 : memref<8000xf32, #tpu.memory_space<vmem>>) target(%dma_start3A_211 : memref<8000xf32, #tpu.memory_space<hbm>>) target_semaphore(%arg8 : memref<!tpu.dma_semaphore, #tpu.memory_space<semaphore_mem>>)
      %add3A_212 = arith.constant 392000 : i32
      %add3A_213 = arith.addi %mul3A_15, %add3A_212 : i32
      %dma_start3A_214 = tpu.memref_slice %arg4[%add3A_213] : memref<20480000xf32, #tpu.memory_space<hbm>> -> memref<8000xf32, #tpu.memory_space<hbm>>
      %dma_start3A_215 = tpu.memref_slice %arg4[%add3A_213] : memref<20480000xf32, #tpu.memory_space<hbm>> -> memref<8000xf32, #tpu.memory_space<hbm>>
      tpu.enqueue_dma source(%arg6 : memref<8000xf32, #tpu.memory_space<vmem>>) target(%dma_start3A_215 : memref<8000xf32, #tpu.memory_space<hbm>>) target_semaphore(%arg8 : memref<!tpu.dma_semaphore, #tpu.memory_space<semaphore_mem>>)
      %add3A_216 = arith.constant 400000 : i32
      %add3A_217 = arith.addi %mul3A_15, %add3A_216 : i32
      %dma_start3A_218 = tpu.memref_slice %arg4[%add3A_217] : memref<20480000xf32, #tpu.memory_space<hbm>> -> memref<8000xf32, #tpu.memory_space<hbm>>
      %dma_start3A_219 = tpu.memref_slice %arg4[%add3A_217] : memref<20480000xf32, #tpu.memory_space<hbm>> -> memref<8000xf32, #tpu.memory_space<hbm>>
      tpu.enqueue_dma source(%arg6 : memref<8000xf32, #tpu.memory_space<vmem>>) target(%dma_start3A_219 : memref<8000xf32, #tpu.memory_space<hbm>>) target_semaphore(%arg8 : memref<!tpu.dma_semaphore, #tpu.memory_space<semaphore_mem>>)
      %add3A_220 = arith.constant 408000 : i32
      %add3A_221 = arith.addi %mul3A_15, %add3A_220 : i32
      %dma_start3A_222 = tpu.memref_slice %arg4[%add3A_221] : memref<20480000xf32, #tpu.memory_space<hbm>> -> memref<8000xf32, #tpu.memory_space<hbm>>
      %dma_start3A_223 = tpu.memref_slice %arg4[%add3A_221] : memref<20480000xf32, #tpu.memory_space<hbm>> -> memref<8000xf32, #tpu.memory_space<hbm>>
      tpu.enqueue_dma source(%arg6 : memref<8000xf32, #tpu.memory_space<vmem>>) target(%dma_start3A_223 : memref<8000xf32, #tpu.memory_space<hbm>>) target_semaphore(%arg8 : memref<!tpu.dma_semaphore, #tpu.memory_space<semaphore_mem>>)
      %add3A_224 = arith.constant 416000 : i32
      %add3A_225 = arith.addi %mul3A_15, %add3A_224 : i32
      %dma_start3A_226 = tpu.memref_slice %arg4[%add3A_225] : memref<20480000xf32, #tpu.memory_space<hbm>> -> memref<8000xf32, #tpu.memory_space<hbm>>
      %dma_start3A_227 = tpu.memref_slice %arg4[%add3A_225] : memref<20480000xf32, #tpu.memory_space<hbm>> -> memref<8000xf32, #tpu.memory_space<hbm>>
      tpu.enqueue_dma source(%arg6 : memref<8000xf32, #tpu.memory_space<vmem>>) target(%dma_start3A_227 : memref<8000xf32, #tpu.memory_space<hbm>>) target_semaphore(%arg8 : memref<!tpu.dma_semaphore, #tpu.memory_space<semaphore_mem>>)
      %add3A_228 = arith.constant 424000 : i32
      %add3A_229 = arith.addi %mul3A_15, %add3A_228 : i32
      %dma_start3A_230 = tpu.memref_slice %arg4[%add3A_229] : memref<20480000xf32, #tpu.memory_space<hbm>> -> memref<8000xf32, #tpu.memory_space<hbm>>
      %dma_start3A_231 = tpu.memref_slice %arg4[%add3A_229] : memref<20480000xf32, #tpu.memory_space<hbm>> -> memref<8000xf32, #tpu.memory_space<hbm>>
      tpu.enqueue_dma source(%arg6 : memref<8000xf32, #tpu.memory_space<vmem>>) target(%dma_start3A_231 : memref<8000xf32, #tpu.memory_space<hbm>>) target_semaphore(%arg8 : memref<!tpu.dma_semaphore, #tpu.memory_space<semaphore_mem>>)
      %add3A_232 = arith.constant 432000 : i32
      %add3A_233 = arith.addi %mul3A_15, %add3A_232 : i32
      %dma_start3A_234 = tpu.memref_slice %arg4[%add3A_233] : memref<20480000xf32, #tpu.memory_space<hbm>> -> memref<8000xf32, #tpu.memory_space<hbm>>
      %dma_start3A_235 = tpu.memref_slice %arg4[%add3A_233] : memref<20480000xf32, #tpu.memory_space<hbm>> -> memref<8000xf32, #tpu.memory_space<hbm>>
      tpu.enqueue_dma source(%arg6 : memref<8000xf32, #tpu.memory_space<vmem>>) target(%dma_start3A_235 : memref<8000xf32, #tpu.memory_space<hbm>>) target_semaphore(%arg8 : memref<!tpu.dma_semaphore, #tpu.memory_space<semaphore_mem>>)
      %add3A_236 = arith.constant 440000 : i32
      %add3A_237 = arith.addi %mul3A_15, %add3A_236 : i32
      %dma_start3A_238 = tpu.memref_slice %arg4[%add3A_237] : memref<20480000xf32, #tpu.memory_space<hbm>> -> memref<8000xf32, #tpu.memory_space<hbm>>
      %dma_start3A_239 = tpu.memref_slice %arg4[%add3A_237] : memref<20480000xf32, #tpu.memory_space<hbm>> -> memref<8000xf32, #tpu.memory_space<hbm>>
      tpu.enqueue_dma source(%arg6 : memref<8000xf32, #tpu.memory_space<vmem>>) target(%dma_start3A_239 : memref<8000xf32, #tpu.memory_space<hbm>>) target_semaphore(%arg8 : memref<!tpu.dma_semaphore, #tpu.memory_space<semaphore_mem>>)
      %add3A_240 = arith.constant 448000 : i32
      %add3A_241 = arith.addi %mul3A_15, %add3A_240 : i32
      %dma_start3A_242 = tpu.memref_slice %arg4[%add3A_241] : memref<20480000xf32, #tpu.memory_space<hbm>> -> memref<8000xf32, #tpu.memory_space<hbm>>
      %dma_start3A_243 = tpu.memref_slice %arg4[%add3A_241] : memref<20480000xf32, #tpu.memory_space<hbm>> -> memref<8000xf32, #tpu.memory_space<hbm>>
      tpu.enqueue_dma source(%arg6 : memref<8000xf32, #tpu.memory_space<vmem>>) target(%dma_start3A_243 : memref<8000xf32, #tpu.memory_space<hbm>>) target_semaphore(%arg8 : memref<!tpu.dma_semaphore, #tpu.memory_space<semaphore_mem>>)
      %add3A_244 = arith.constant 456000 : i32
      %add3A_245 = arith.addi %mul3A_15, %add3A_244 : i32
      %dma_start3A_246 = tpu.memref_slice %arg4[%add3A_245] : memref<20480000xf32, #tpu.memory_space<hbm>> -> memref<8000xf32, #tpu.memory_space<hbm>>
      %dma_start3A_247 = tpu.memref_slice %arg4[%add3A_245] : memref<20480000xf32, #tpu.memory_space<hbm>> -> memref<8000xf32, #tpu.memory_space<hbm>>
      tpu.enqueue_dma source(%arg6 : memref<8000xf32, #tpu.memory_space<vmem>>) target(%dma_start3A_247 : memref<8000xf32, #tpu.memory_space<hbm>>) target_semaphore(%arg8 : memref<!tpu.dma_semaphore, #tpu.memory_space<semaphore_mem>>)
      %add3A_248 = arith.constant 464000 : i32
      %add3A_249 = arith.addi %mul3A_15, %add3A_248 : i32
      %dma_start3A_250 = tpu.memref_slice %arg4[%add3A_249] : memref<20480000xf32, #tpu.memory_space<hbm>> -> memref<8000xf32, #tpu.memory_space<hbm>>
      %dma_start3A_251 = tpu.memref_slice %arg4[%add3A_249] : memref<20480000xf32, #tpu.memory_space<hbm>> -> memref<8000xf32, #tpu.memory_space<hbm>>
      tpu.enqueue_dma source(%arg6 : memref<8000xf32, #tpu.memory_space<vmem>>) target(%dma_start3A_251 : memref<8000xf32, #tpu.memory_space<hbm>>) target_semaphore(%arg8 : memref<!tpu.dma_semaphore, #tpu.memory_space<semaphore_mem>>)
      %add3A_252 = arith.constant 472000 : i32
      %add3A_253 = arith.addi %mul3A_15, %add3A_252 : i32
      %dma_start3A_254 = tpu.memref_slice %arg4[%add3A_253] : memref<20480000xf32, #tpu.memory_space<hbm>> -> memref<8000xf32, #tpu.memory_space<hbm>>
      %dma_start3A_255 = tpu.memref_slice %arg4[%add3A_253] : memref<20480000xf32, #tpu.memory_space<hbm>> -> memref<8000xf32, #tpu.memory_space<hbm>>
      tpu.enqueue_dma source(%arg6 : memref<8000xf32, #tpu.memory_space<vmem>>) target(%dma_start3A_255 : memref<8000xf32, #tpu.memory_space<hbm>>) target_semaphore(%arg8 : memref<!tpu.dma_semaphore, #tpu.memory_space<semaphore_mem>>)
      %add3A_256 = arith.constant 480000 : i32
      %add3A_257 = arith.addi %mul3A_15, %add3A_256 : i32
      %dma_start3A_258 = tpu.memref_slice %arg4[%add3A_257] : memref<20480000xf32, #tpu.memory_space<hbm>> -> memref<8000xf32, #tpu.memory_space<hbm>>
      %dma_start3A_259 = tpu.memref_slice %arg4[%add3A_257] : memref<20480000xf32, #tpu.memory_space<hbm>> -> memref<8000xf32, #tpu.memory_space<hbm>>
      tpu.enqueue_dma source(%arg6 : memref<8000xf32, #tpu.memory_space<vmem>>) target(%dma_start3A_259 : memref<8000xf32, #tpu.memory_space<hbm>>) target_semaphore(%arg8 : memref<!tpu.dma_semaphore, #tpu.memory_space<semaphore_mem>>)
      %add3A_260 = arith.constant 488000 : i32
      %add3A_261 = arith.addi %mul3A_15, %add3A_260 : i32
      %dma_start3A_262 = tpu.memref_slice %arg4[%add3A_261] : memref<20480000xf32, #tpu.memory_space<hbm>> -> memref<8000xf32, #tpu.memory_space<hbm>>
      %dma_start3A_263 = tpu.memref_slice %arg4[%add3A_261] : memref<20480000xf32, #tpu.memory_space<hbm>> -> memref<8000xf32, #tpu.memory_space<hbm>>
      tpu.enqueue_dma source(%arg6 : memref<8000xf32, #tpu.memory_space<vmem>>) target(%dma_start3A_263 : memref<8000xf32, #tpu.memory_space<hbm>>) target_semaphore(%arg8 : memref<!tpu.dma_semaphore, #tpu.memory_space<semaphore_mem>>)
      %add3A_264 = arith.constant 496000 : i32
      %add3A_265 = arith.addi %mul3A_15, %add3A_264 : i32
      %dma_start3A_266 = tpu.memref_slice %arg4[%add3A_265] : memref<20480000xf32, #tpu.memory_space<hbm>> -> memref<8000xf32, #tpu.memory_space<hbm>>
      %dma_start3A_267 = tpu.memref_slice %arg4[%add3A_265] : memref<20480000xf32, #tpu.memory_space<hbm>> -> memref<8000xf32, #tpu.memory_space<hbm>>
      tpu.enqueue_dma source(%arg6 : memref<8000xf32, #tpu.memory_space<vmem>>) target(%dma_start3A_267 : memref<8000xf32, #tpu.memory_space<hbm>>) target_semaphore(%arg8 : memref<!tpu.dma_semaphore, #tpu.memory_space<semaphore_mem>>)
      %add3A_268 = arith.constant 504000 : i32
      %add3A_269 = arith.addi %mul3A_15, %add3A_268 : i32
      %dma_start3A_270 = tpu.memref_slice %arg4[%add3A_269] : memref<20480000xf32, #tpu.memory_space<hbm>> -> memref<8000xf32, #tpu.memory_space<hbm>>
      %dma_start3A_271 = tpu.memref_slice %arg4[%add3A_269] : memref<20480000xf32, #tpu.memory_space<hbm>> -> memref<8000xf32, #tpu.memory_space<hbm>>
      tpu.enqueue_dma source(%arg6 : memref<8000xf32, #tpu.memory_space<vmem>>) target(%dma_start3A_271 : memref<8000xf32, #tpu.memory_space<hbm>>) target_semaphore(%arg8 : memref<!tpu.dma_semaphore, #tpu.memory_space<semaphore_mem>>)
      %add3A_272 = arith.constant 512000 : i32
      %add3A_273 = arith.addi %mul3A_15, %add3A_272 : i32
      %dma_start3A_274 = tpu.memref_slice %arg4[%add3A_273] : memref<20480000xf32, #tpu.memory_space<hbm>> -> memref<8000xf32, #tpu.memory_space<hbm>>
      %dma_start3A_275 = tpu.memref_slice %arg4[%add3A_273] : memref<20480000xf32, #tpu.memory_space<hbm>> -> memref<8000xf32, #tpu.memory_space<hbm>>
      tpu.enqueue_dma source(%arg6 : memref<8000xf32, #tpu.memory_space<vmem>>) target(%dma_start3A_275 : memref<8000xf32, #tpu.memory_space<hbm>>) target_semaphore(%arg8 : memref<!tpu.dma_semaphore, #tpu.memory_space<semaphore_mem>>)
      %add3A_276 = arith.constant 520000 : i32
      %add3A_277 = arith.addi %mul3A_15, %add3A_276 : i32
      %dma_start3A_278 = tpu.memref_slice %arg4[%add3A_277] : memref<20480000xf32, #tpu.memory_space<hbm>> -> memref<8000xf32, #tpu.memory_space<hbm>>
      %dma_start3A_279 = tpu.memref_slice %arg4[%add3A_277] : memref<20480000xf32, #tpu.memory_space<hbm>> -> memref<8000xf32, #tpu.memory_space<hbm>>
      tpu.enqueue_dma source(%arg6 : memref<8000xf32, #tpu.memory_space<vmem>>) target(%dma_start3A_279 : memref<8000xf32, #tpu.memory_space<hbm>>) target_semaphore(%arg8 : memref<!tpu.dma_semaphore, #tpu.memory_space<semaphore_mem>>)
      %add3A_280 = arith.constant 528000 : i32
      %add3A_281 = arith.addi %mul3A_15, %add3A_280 : i32
      %dma_start3A_282 = tpu.memref_slice %arg4[%add3A_281] : memref<20480000xf32, #tpu.memory_space<hbm>> -> memref<8000xf32, #tpu.memory_space<hbm>>
      %dma_start3A_283 = tpu.memref_slice %arg4[%add3A_281] : memref<20480000xf32, #tpu.memory_space<hbm>> -> memref<8000xf32, #tpu.memory_space<hbm>>
      tpu.enqueue_dma source(%arg6 : memref<8000xf32, #tpu.memory_space<vmem>>) target(%dma_start3A_283 : memref<8000xf32, #tpu.memory_space<hbm>>) target_semaphore(%arg8 : memref<!tpu.dma_semaphore, #tpu.memory_space<semaphore_mem>>)
      %add3A_284 = arith.constant 536000 : i32
      %add3A_285 = arith.addi %mul3A_15, %add3A_284 : i32
      %dma_start3A_286 = tpu.memref_slice %arg4[%add3A_285] : memref<20480000xf32, #tpu.memory_space<hbm>> -> memref<8000xf32, #tpu.memory_space<hbm>>
      %dma_start3A_287 = tpu.memref_slice %arg4[%add3A_285] : memref<20480000xf32, #tpu.memory_space<hbm>> -> memref<8000xf32, #tpu.memory_space<hbm>>
      tpu.enqueue_dma source(%arg6 : memref<8000xf32, #tpu.memory_space<vmem>>) target(%dma_start3A_287 : memref<8000xf32, #tpu.memory_space<hbm>>) target_semaphore(%arg8 : memref<!tpu.dma_semaphore, #tpu.memory_space<semaphore_mem>>)
      %add3A_288 = arith.constant 544000 : i32
      %add3A_289 = arith.addi %mul3A_15, %add3A_288 : i32
      %dma_start3A_290 = tpu.memref_slice %arg4[%add3A_289] : memref<20480000xf32, #tpu.memory_space<hbm>> -> memref<8000xf32, #tpu.memory_space<hbm>>
      %dma_start3A_291 = tpu.memref_slice %arg4[%add3A_289] : memref<20480000xf32, #tpu.memory_space<hbm>> -> memref<8000xf32, #tpu.memory_space<hbm>>
      tpu.enqueue_dma source(%arg6 : memref<8000xf32, #tpu.memory_space<vmem>>) target(%dma_start3A_291 : memref<8000xf32, #tpu.memory_space<hbm>>) target_semaphore(%arg8 : memref<!tpu.dma_semaphore, #tpu.memory_space<semaphore_mem>>)
      %add3A_292 = arith.constant 552000 : i32
      %add3A_293 = arith.addi %mul3A_15, %add3A_292 : i32
      %dma_start3A_294 = tpu.memref_slice %arg4[%add3A_293] : memref<20480000xf32, #tpu.memory_space<hbm>> -> memref<8000xf32, #tpu.memory_space<hbm>>
      %dma_start3A_295 = tpu.memref_slice %arg4[%add3A_293] : memref<20480000xf32, #tpu.memory_space<hbm>> -> memref<8000xf32, #tpu.memory_space<hbm>>
      tpu.enqueue_dma source(%arg6 : memref<8000xf32, #tpu.memory_space<vmem>>) target(%dma_start3A_295 : memref<8000xf32, #tpu.memory_space<hbm>>) target_semaphore(%arg8 : memref<!tpu.dma_semaphore, #tpu.memory_space<semaphore_mem>>)
      %add3A_296 = arith.constant 560000 : i32
      %add3A_297 = arith.addi %mul3A_15, %add3A_296 : i32
      %dma_start3A_298 = tpu.memref_slice %arg4[%add3A_297] : memref<20480000xf32, #tpu.memory_space<hbm>> -> memref<8000xf32, #tpu.memory_space<hbm>>
      %dma_start3A_299 = tpu.memref_slice %arg4[%add3A_297] : memref<20480000xf32, #tpu.memory_space<hbm>> -> memref<8000xf32, #tpu.memory_space<hbm>>
      tpu.enqueue_dma source(%arg6 : memref<8000xf32, #tpu.memory_space<vmem>>) target(%dma_start3A_299 : memref<8000xf32, #tpu.memory_space<hbm>>) target_semaphore(%arg8 : memref<!tpu.dma_semaphore, #tpu.memory_space<semaphore_mem>>)
      %add3A_300 = arith.constant 568000 : i32
      %add3A_301 = arith.addi %mul3A_15, %add3A_300 : i32
      %dma_start3A_302 = tpu.memref_slice %arg4[%add3A_301] : memref<20480000xf32, #tpu.memory_space<hbm>> -> memref<8000xf32, #tpu.memory_space<hbm>>
      %dma_start3A_303 = tpu.memref_slice %arg4[%add3A_301] : memref<20480000xf32, #tpu.memory_space<hbm>> -> memref<8000xf32, #tpu.memory_space<hbm>>
      tpu.enqueue_dma source(%arg6 : memref<8000xf32, #tpu.memory_space<vmem>>) target(%dma_start3A_303 : memref<8000xf32, #tpu.memory_space<hbm>>) target_semaphore(%arg8 : memref<!tpu.dma_semaphore, #tpu.memory_space<semaphore_mem>>)
      %add3A_304 = arith.constant 576000 : i32
      %add3A_305 = arith.addi %mul3A_15, %add3A_304 : i32
      %dma_start3A_306 = tpu.memref_slice %arg4[%add3A_305] : memref<20480000xf32, #tpu.memory_space<hbm>> -> memref<8000xf32, #tpu.memory_space<hbm>>
      %dma_start3A_307 = tpu.memref_slice %arg4[%add3A_305] : memref<20480000xf32, #tpu.memory_space<hbm>> -> memref<8000xf32, #tpu.memory_space<hbm>>
      tpu.enqueue_dma source(%arg6 : memref<8000xf32, #tpu.memory_space<vmem>>) target(%dma_start3A_307 : memref<8000xf32, #tpu.memory_space<hbm>>) target_semaphore(%arg8 : memref<!tpu.dma_semaphore, #tpu.memory_space<semaphore_mem>>)
      %add3A_308 = arith.constant 584000 : i32
      %add3A_309 = arith.addi %mul3A_15, %add3A_308 : i32
      %dma_start3A_310 = tpu.memref_slice %arg4[%add3A_309] : memref<20480000xf32, #tpu.memory_space<hbm>> -> memref<8000xf32, #tpu.memory_space<hbm>>
      %dma_start3A_311 = tpu.memref_slice %arg4[%add3A_309] : memref<20480000xf32, #tpu.memory_space<hbm>> -> memref<8000xf32, #tpu.memory_space<hbm>>
      tpu.enqueue_dma source(%arg6 : memref<8000xf32, #tpu.memory_space<vmem>>) target(%dma_start3A_311 : memref<8000xf32, #tpu.memory_space<hbm>>) target_semaphore(%arg8 : memref<!tpu.dma_semaphore, #tpu.memory_space<semaphore_mem>>)
      %add3A_312 = arith.constant 592000 : i32
      %add3A_313 = arith.addi %mul3A_15, %add3A_312 : i32
      %dma_start3A_314 = tpu.memref_slice %arg4[%add3A_313] : memref<20480000xf32, #tpu.memory_space<hbm>> -> memref<8000xf32, #tpu.memory_space<hbm>>
      %dma_start3A_315 = tpu.memref_slice %arg4[%add3A_313] : memref<20480000xf32, #tpu.memory_space<hbm>> -> memref<8000xf32, #tpu.memory_space<hbm>>
      tpu.enqueue_dma source(%arg6 : memref<8000xf32, #tpu.memory_space<vmem>>) target(%dma_start3A_315 : memref<8000xf32, #tpu.memory_space<hbm>>) target_semaphore(%arg8 : memref<!tpu.dma_semaphore, #tpu.memory_space<semaphore_mem>>)
      %add3A_316 = arith.constant 600000 : i32
      %add3A_317 = arith.addi %mul3A_15, %add3A_316 : i32
      %dma_start3A_318 = tpu.memref_slice %arg4[%add3A_317] : memref<20480000xf32, #tpu.memory_space<hbm>> -> memref<8000xf32, #tpu.memory_space<hbm>>
      %dma_start3A_319 = tpu.memref_slice %arg4[%add3A_317] : memref<20480000xf32, #tpu.memory_space<hbm>> -> memref<8000xf32, #tpu.memory_space<hbm>>
      tpu.enqueue_dma source(%arg6 : memref<8000xf32, #tpu.memory_space<vmem>>) target(%dma_start3A_319 : memref<8000xf32, #tpu.memory_space<hbm>>) target_semaphore(%arg8 : memref<!tpu.dma_semaphore, #tpu.memory_space<semaphore_mem>>)
      %add3A_320 = arith.constant 608000 : i32
      %add3A_321 = arith.addi %mul3A_15, %add3A_320 : i32
      %dma_start3A_322 = tpu.memref_slice %arg4[%add3A_321] : memref<20480000xf32, #tpu.memory_space<hbm>> -> memref<8000xf32, #tpu.memory_space<hbm>>
      %dma_start3A_323 = tpu.memref_slice %arg4[%add3A_321] : memref<20480000xf32, #tpu.memory_space<hbm>> -> memref<8000xf32, #tpu.memory_space<hbm>>
      tpu.enqueue_dma source(%arg6 : memref<8000xf32, #tpu.memory_space<vmem>>) target(%dma_start3A_323 : memref<8000xf32, #tpu.memory_space<hbm>>) target_semaphore(%arg8 : memref<!tpu.dma_semaphore, #tpu.memory_space<semaphore_mem>>)
      %add3A_324 = arith.constant 616000 : i32
      %add3A_325 = arith.addi %mul3A_15, %add3A_324 : i32
      %dma_start3A_326 = tpu.memref_slice %arg4[%add3A_325] : memref<20480000xf32, #tpu.memory_space<hbm>> -> memref<8000xf32, #tpu.memory_space<hbm>>
      %dma_start3A_327 = tpu.memref_slice %arg4[%add3A_325] : memref<20480000xf32, #tpu.memory_space<hbm>> -> memref<8000xf32, #tpu.memory_space<hbm>>
      tpu.enqueue_dma source(%arg6 : memref<8000xf32, #tpu.memory_space<vmem>>) target(%dma_start3A_327 : memref<8000xf32, #tpu.memory_space<hbm>>) target_semaphore(%arg8 : memref<!tpu.dma_semaphore, #tpu.memory_space<semaphore_mem>>)
      %add3A_328 = arith.constant 624000 : i32
      %add3A_329 = arith.addi %mul3A_15, %add3A_328 : i32
      %dma_start3A_330 = tpu.memref_slice %arg4[%add3A_329] : memref<20480000xf32, #tpu.memory_space<hbm>> -> memref<8000xf32, #tpu.memory_space<hbm>>
      %dma_start3A_331 = tpu.memref_slice %arg4[%add3A_329] : memref<20480000xf32, #tpu.memory_space<hbm>> -> memref<8000xf32, #tpu.memory_space<hbm>>
      tpu.enqueue_dma source(%arg6 : memref<8000xf32, #tpu.memory_space<vmem>>) target(%dma_start3A_331 : memref<8000xf32, #tpu.memory_space<hbm>>) target_semaphore(%arg8 : memref<!tpu.dma_semaphore, #tpu.memory_space<semaphore_mem>>)
      %add3A_332 = arith.constant 632000 : i32
      %add3A_333 = arith.addi %mul3A_15, %add3A_332 : i32
      %dma_start3A_334 = tpu.memref_slice %arg4[%add3A_333] : memref<20480000xf32, #tpu.memory_space<hbm>> -> memref<8000xf32, #tpu.memory_space<hbm>>
      %dma_start3A_335 = tpu.memref_slice %arg4[%add3A_333] : memref<20480000xf32, #tpu.memory_space<hbm>> -> memref<8000xf32, #tpu.memory_space<hbm>>
      tpu.enqueue_dma source(%arg6 : memref<8000xf32, #tpu.memory_space<vmem>>) target(%dma_start3A_335 : memref<8000xf32, #tpu.memory_space<hbm>>) target_semaphore(%arg8 : memref<!tpu.dma_semaphore, #tpu.memory_space<semaphore_mem>>)
      %add3A_336 = arith.constant 640000 : i32
      %add3A_337 = arith.addi %mul3A_15, %add3A_336 : i32
      %dma_start3A_338 = tpu.memref_slice %arg4[%add3A_337] : memref<20480000xf32, #tpu.memory_space<hbm>> -> memref<8000xf32, #tpu.memory_space<hbm>>
      %dma_start3A_339 = tpu.memref_slice %arg4[%add3A_337] : memref<20480000xf32, #tpu.memory_space<hbm>> -> memref<8000xf32, #tpu.memory_space<hbm>>
      tpu.enqueue_dma source(%arg6 : memref<8000xf32, #tpu.memory_space<vmem>>) target(%dma_start3A_339 : memref<8000xf32, #tpu.memory_space<hbm>>) target_semaphore(%arg8 : memref<!tpu.dma_semaphore, #tpu.memory_space<semaphore_mem>>)
      %add3A_340 = arith.constant 648000 : i32
      %add3A_341 = arith.addi %mul3A_15, %add3A_340 : i32
      %dma_start3A_342 = tpu.memref_slice %arg4[%add3A_341] : memref<20480000xf32, #tpu.memory_space<hbm>> -> memref<8000xf32, #tpu.memory_space<hbm>>
      %dma_start3A_343 = tpu.memref_slice %arg4[%add3A_341] : memref<20480000xf32, #tpu.memory_space<hbm>> -> memref<8000xf32, #tpu.memory_space<hbm>>
      tpu.enqueue_dma source(%arg6 : memref<8000xf32, #tpu.memory_space<vmem>>) target(%dma_start3A_343 : memref<8000xf32, #tpu.memory_space<hbm>>) target_semaphore(%arg8 : memref<!tpu.dma_semaphore, #tpu.memory_space<semaphore_mem>>)
      %add3A_344 = arith.constant 656000 : i32
      %add3A_345 = arith.addi %mul3A_15, %add3A_344 : i32
      %dma_start3A_346 = tpu.memref_slice %arg4[%add3A_345] : memref<20480000xf32, #tpu.memory_space<hbm>> -> memref<8000xf32, #tpu.memory_space<hbm>>
      %dma_start3A_347 = tpu.memref_slice %arg4[%add3A_345] : memref<20480000xf32, #tpu.memory_space<hbm>> -> memref<8000xf32, #tpu.memory_space<hbm>>
      tpu.enqueue_dma source(%arg6 : memref<8000xf32, #tpu.memory_space<vmem>>) target(%dma_start3A_347 : memref<8000xf32, #tpu.memory_space<hbm>>) target_semaphore(%arg8 : memref<!tpu.dma_semaphore, #tpu.memory_space<semaphore_mem>>)
      %add3A_348 = arith.constant 664000 : i32
      %add3A_349 = arith.addi %mul3A_15, %add3A_348 : i32
      %dma_start3A_350 = tpu.memref_slice %arg4[%add3A_349] : memref<20480000xf32, #tpu.memory_space<hbm>> -> memref<8000xf32, #tpu.memory_space<hbm>>
      %dma_start3A_351 = tpu.memref_slice %arg4[%add3A_349] : memref<20480000xf32, #tpu.memory_space<hbm>> -> memref<8000xf32, #tpu.memory_space<hbm>>
      tpu.enqueue_dma source(%arg6 : memref<8000xf32, #tpu.memory_space<vmem>>) target(%dma_start3A_351 : memref<8000xf32, #tpu.memory_space<hbm>>) target_semaphore(%arg8 : memref<!tpu.dma_semaphore, #tpu.memory_space<semaphore_mem>>)
      %add3A_352 = arith.constant 672000 : i32
      %add3A_353 = arith.addi %mul3A_15, %add3A_352 : i32
      %dma_start3A_354 = tpu.memref_slice %arg4[%add3A_353] : memref<20480000xf32, #tpu.memory_space<hbm>> -> memref<8000xf32, #tpu.memory_space<hbm>>
      %dma_start3A_355 = tpu.memref_slice %arg4[%add3A_353] : memref<20480000xf32, #tpu.memory_space<hbm>> -> memref<8000xf32, #tpu.memory_space<hbm>>
      tpu.enqueue_dma source(%arg6 : memref<8000xf32, #tpu.memory_space<vmem>>) target(%dma_start3A_355 : memref<8000xf32, #tpu.memory_space<hbm>>) target_semaphore(%arg8 : memref<!tpu.dma_semaphore, #tpu.memory_space<semaphore_mem>>)
      %add3A_356 = arith.constant 680000 : i32
      %add3A_357 = arith.addi %mul3A_15, %add3A_356 : i32
      %dma_start3A_358 = tpu.memref_slice %arg4[%add3A_357] : memref<20480000xf32, #tpu.memory_space<hbm>> -> memref<8000xf32, #tpu.memory_space<hbm>>
      %dma_start3A_359 = tpu.memref_slice %arg4[%add3A_357] : memref<20480000xf32, #tpu.memory_space<hbm>> -> memref<8000xf32, #tpu.memory_space<hbm>>
      tpu.enqueue_dma source(%arg6 : memref<8000xf32, #tpu.memory_space<vmem>>) target(%dma_start3A_359 : memref<8000xf32, #tpu.memory_space<hbm>>) target_semaphore(%arg8 : memref<!tpu.dma_semaphore, #tpu.memory_space<semaphore_mem>>)
      %add3A_360 = arith.constant 688000 : i32
      %add3A_361 = arith.addi %mul3A_15, %add3A_360 : i32
      %dma_start3A_362 = tpu.memref_slice %arg4[%add3A_361] : memref<20480000xf32, #tpu.memory_space<hbm>> -> memref<8000xf32, #tpu.memory_space<hbm>>
      %dma_start3A_363 = tpu.memref_slice %arg4[%add3A_361] : memref<20480000xf32, #tpu.memory_space<hbm>> -> memref<8000xf32, #tpu.memory_space<hbm>>
      tpu.enqueue_dma source(%arg6 : memref<8000xf32, #tpu.memory_space<vmem>>) target(%dma_start3A_363 : memref<8000xf32, #tpu.memory_space<hbm>>) target_semaphore(%arg8 : memref<!tpu.dma_semaphore, #tpu.memory_space<semaphore_mem>>)
      %add3A_364 = arith.constant 696000 : i32
      %add3A_365 = arith.addi %mul3A_15, %add3A_364 : i32
      %dma_start3A_366 = tpu.memref_slice %arg4[%add3A_365] : memref<20480000xf32, #tpu.memory_space<hbm>> -> memref<8000xf32, #tpu.memory_space<hbm>>
      %dma_start3A_367 = tpu.memref_slice %arg4[%add3A_365] : memref<20480000xf32, #tpu.memory_space<hbm>> -> memref<8000xf32, #tpu.memory_space<hbm>>
      tpu.enqueue_dma source(%arg6 : memref<8000xf32, #tpu.memory_space<vmem>>) target(%dma_start3A_367 : memref<8000xf32, #tpu.memory_space<hbm>>) target_semaphore(%arg8 : memref<!tpu.dma_semaphore, #tpu.memory_space<semaphore_mem>>)
      %dma_wait3A_368 = tpu.memref_slice %arg4[%add3A_17] : memref<20480000xf32, #tpu.memory_space<hbm>> -> memref<8000xf32, #tpu.memory_space<hbm>>
      %dma_wait3A_369 = tpu.memref_slice %arg4[%add3A_17] : memref<20480000xf32, #tpu.memory_space<hbm>> -> memref<8000xf32, #tpu.memory_space<hbm>>
      tpu.wait_dma2 semaphore(%arg8 : memref<!tpu.dma_semaphore, #tpu.memory_space<semaphore_mem>>) src(%arg6 : memref<8000xf32, #tpu.memory_space<vmem>>) dst(%dma_wait3A_369 : memref<8000xf32, #tpu.memory_space<hbm>>)
      %dma_wait3A_370 = tpu.memref_slice %arg4[%add3A_21] : memref<20480000xf32, #tpu.memory_space<hbm>> -> memref<8000xf32, #tpu.memory_space<hbm>>
      %dma_wait3A_371 = tpu.memref_slice %arg4[%add3A_21] : memref<20480000xf32, #tpu.memory_space<hbm>> -> memref<8000xf32, #tpu.memory_space<hbm>>
      tpu.wait_dma2 semaphore(%arg8 : memref<!tpu.dma_semaphore, #tpu.memory_space<semaphore_mem>>) src(%arg6 : memref<8000xf32, #tpu.memory_space<vmem>>) dst(%dma_wait3A_371 : memref<8000xf32, #tpu.memory_space<hbm>>)
      %dma_wait3A_372 = tpu.memref_slice %arg4[%add3A_25] : memref<20480000xf32, #tpu.memory_space<hbm>> -> memref<8000xf32, #tpu.memory_space<hbm>>
      %dma_wait3A_373 = tpu.memref_slice %arg4[%add3A_25] : memref<20480000xf32, #tpu.memory_space<hbm>> -> memref<8000xf32, #tpu.memory_space<hbm>>
      tpu.wait_dma2 semaphore(%arg8 : memref<!tpu.dma_semaphore, #tpu.memory_space<semaphore_mem>>) src(%arg6 : memref<8000xf32, #tpu.memory_space<vmem>>) dst(%dma_wait3A_373 : memref<8000xf32, #tpu.memory_space<hbm>>)
      %dma_wait3A_374 = tpu.memref_slice %arg4[%add3A_29] : memref<20480000xf32, #tpu.memory_space<hbm>> -> memref<8000xf32, #tpu.memory_space<hbm>>
      %dma_wait3A_375 = tpu.memref_slice %arg4[%add3A_29] : memref<20480000xf32, #tpu.memory_space<hbm>> -> memref<8000xf32, #tpu.memory_space<hbm>>
      tpu.wait_dma2 semaphore(%arg8 : memref<!tpu.dma_semaphore, #tpu.memory_space<semaphore_mem>>) src(%arg6 : memref<8000xf32, #tpu.memory_space<vmem>>) dst(%dma_wait3A_375 : memref<8000xf32, #tpu.memory_space<hbm>>)
      %dma_wait3A_376 = tpu.memref_slice %arg4[%add3A_33] : memref<20480000xf32, #tpu.memory_space<hbm>> -> memref<8000xf32, #tpu.memory_space<hbm>>
      %dma_wait3A_377 = tpu.memref_slice %arg4[%add3A_33] : memref<20480000xf32, #tpu.memory_space<hbm>> -> memref<8000xf32, #tpu.memory_space<hbm>>
      tpu.wait_dma2 semaphore(%arg8 : memref<!tpu.dma_semaphore, #tpu.memory_space<semaphore_mem>>) src(%arg6 : memref<8000xf32, #tpu.memory_space<vmem>>) dst(%dma_wait3A_377 : memref<8000xf32, #tpu.memory_space<hbm>>)
      %dma_wait3A_378 = tpu.memref_slice %arg4[%add3A_37] : memref<20480000xf32, #tpu.memory_space<hbm>> -> memref<8000xf32, #tpu.memory_space<hbm>>
      %dma_wait3A_379 = tpu.memref_slice %arg4[%add3A_37] : memref<20480000xf32, #tpu.memory_space<hbm>> -> memref<8000xf32, #tpu.memory_space<hbm>>
      tpu.wait_dma2 semaphore(%arg8 : memref<!tpu.dma_semaphore, #tpu.memory_space<semaphore_mem>>) src(%arg6 : memref<8000xf32, #tpu.memory_space<vmem>>) dst(%dma_wait3A_379 : memref<8000xf32, #tpu.memory_space<hbm>>)
      %dma_wait3A_380 = tpu.memref_slice %arg4[%add3A_41] : memref<20480000xf32, #tpu.memory_space<hbm>> -> memref<8000xf32, #tpu.memory_space<hbm>>
      %dma_wait3A_381 = tpu.memref_slice %arg4[%add3A_41] : memref<20480000xf32, #tpu.memory_space<hbm>> -> memref<8000xf32, #tpu.memory_space<hbm>>
      tpu.wait_dma2 semaphore(%arg8 : memref<!tpu.dma_semaphore, #tpu.memory_space<semaphore_mem>>) src(%arg6 : memref<8000xf32, #tpu.memory_space<vmem>>) dst(%dma_wait3A_381 : memref<8000xf32, #tpu.memory_space<hbm>>)
      %dma_wait3A_382 = tpu.memref_slice %arg4[%add3A_45] : memref<20480000xf32, #tpu.memory_space<hbm>> -> memref<8000xf32, #tpu.memory_space<hbm>>
      %dma_wait3A_383 = tpu.memref_slice %arg4[%add3A_45] : memref<20480000xf32, #tpu.memory_space<hbm>> -> memref<8000xf32, #tpu.memory_space<hbm>>
      tpu.wait_dma2 semaphore(%arg8 : memref<!tpu.dma_semaphore, #tpu.memory_space<semaphore_mem>>) src(%arg6 : memref<8000xf32, #tpu.memory_space<vmem>>) dst(%dma_wait3A_383 : memref<8000xf32, #tpu.memory_space<hbm>>)
      %dma_wait3A_384 = tpu.memref_slice %arg4[%add3A_49] : memref<20480000xf32, #tpu.memory_space<hbm>> -> memref<8000xf32, #tpu.memory_space<hbm>>
      %dma_wait3A_385 = tpu.memref_slice %arg4[%add3A_49] : memref<20480000xf32, #tpu.memory_space<hbm>> -> memref<8000xf32, #tpu.memory_space<hbm>>
      tpu.wait_dma2 semaphore(%arg8 : memref<!tpu.dma_semaphore, #tpu.memory_space<semaphore_mem>>) src(%arg6 : memref<8000xf32, #tpu.memory_space<vmem>>) dst(%dma_wait3A_385 : memref<8000xf32, #tpu.memory_space<hbm>>)
      %dma_wait3A_386 = tpu.memref_slice %arg4[%add3A_53] : memref<20480000xf32, #tpu.memory_space<hbm>> -> memref<8000xf32, #tpu.memory_space<hbm>>
      %dma_wait3A_387 = tpu.memref_slice %arg4[%add3A_53] : memref<20480000xf32, #tpu.memory_space<hbm>> -> memref<8000xf32, #tpu.memory_space<hbm>>
      tpu.wait_dma2 semaphore(%arg8 : memref<!tpu.dma_semaphore, #tpu.memory_space<semaphore_mem>>) src(%arg6 : memref<8000xf32, #tpu.memory_space<vmem>>) dst(%dma_wait3A_387 : memref<8000xf32, #tpu.memory_space<hbm>>)
      %dma_wait3A_388 = tpu.memref_slice %arg4[%add3A_57] : memref<20480000xf32, #tpu.memory_space<hbm>> -> memref<8000xf32, #tpu.memory_space<hbm>>
      %dma_wait3A_389 = tpu.memref_slice %arg4[%add3A_57] : memref<20480000xf32, #tpu.memory_space<hbm>> -> memref<8000xf32, #tpu.memory_space<hbm>>
      tpu.wait_dma2 semaphore(%arg8 : memref<!tpu.dma_semaphore, #tpu.memory_space<semaphore_mem>>) src(%arg6 : memref<8000xf32, #tpu.memory_space<vmem>>) dst(%dma_wait3A_389 : memref<8000xf32, #tpu.memory_space<hbm>>)
      %dma_wait3A_390 = tpu.memref_slice %arg4[%add3A_61] : memref<20480000xf32, #tpu.memory_space<hbm>> -> memref<8000xf32, #tpu.memory_space<hbm>>
      %dma_wait3A_391 = tpu.memref_slice %arg4[%add3A_61] : memref<20480000xf32, #tpu.memory_space<hbm>> -> memref<8000xf32, #tpu.memory_space<hbm>>
      tpu.wait_dma2 semaphore(%arg8 : memref<!tpu.dma_semaphore, #tpu.memory_space<semaphore_mem>>) src(%arg6 : memref<8000xf32, #tpu.memory_space<vmem>>) dst(%dma_wait3A_391 : memref<8000xf32, #tpu.memory_space<hbm>>)
      %dma_wait3A_392 = tpu.memref_slice %arg4[%add3A_65] : memref<20480000xf32, #tpu.memory_space<hbm>> -> memref<8000xf32, #tpu.memory_space<hbm>>
      %dma_wait3A_393 = tpu.memref_slice %arg4[%add3A_65] : memref<20480000xf32, #tpu.memory_space<hbm>> -> memref<8000xf32, #tpu.memory_space<hbm>>
      tpu.wait_dma2 semaphore(%arg8 : memref<!tpu.dma_semaphore, #tpu.memory_space<semaphore_mem>>) src(%arg6 : memref<8000xf32, #tpu.memory_space<vmem>>) dst(%dma_wait3A_393 : memref<8000xf32, #tpu.memory_space<hbm>>)
      %dma_wait3A_394 = tpu.memref_slice %arg4[%add3A_69] : memref<20480000xf32, #tpu.memory_space<hbm>> -> memref<8000xf32, #tpu.memory_space<hbm>>
      %dma_wait3A_395 = tpu.memref_slice %arg4[%add3A_69] : memref<20480000xf32, #tpu.memory_space<hbm>> -> memref<8000xf32, #tpu.memory_space<hbm>>
      tpu.wait_dma2 semaphore(%arg8 : memref<!tpu.dma_semaphore, #tpu.memory_space<semaphore_mem>>) src(%arg6 : memref<8000xf32, #tpu.memory_space<vmem>>) dst(%dma_wait3A_395 : memref<8000xf32, #tpu.memory_space<hbm>>)
      %dma_wait3A_396 = tpu.memref_slice %arg4[%add3A_73] : memref<20480000xf32, #tpu.memory_space<hbm>> -> memref<8000xf32, #tpu.memory_space<hbm>>
      %dma_wait3A_397 = tpu.memref_slice %arg4[%add3A_73] : memref<20480000xf32, #tpu.memory_space<hbm>> -> memref<8000xf32, #tpu.memory_space<hbm>>
      tpu.wait_dma2 semaphore(%arg8 : memref<!tpu.dma_semaphore, #tpu.memory_space<semaphore_mem>>) src(%arg6 : memref<8000xf32, #tpu.memory_space<vmem>>) dst(%dma_wait3A_397 : memref<8000xf32, #tpu.memory_space<hbm>>)
      %dma_wait3A_398 = tpu.memref_slice %arg4[%add3A_77] : memref<20480000xf32, #tpu.memory_space<hbm>> -> memref<8000xf32, #tpu.memory_space<hbm>>
      %dma_wait3A_399 = tpu.memref_slice %arg4[%add3A_77] : memref<20480000xf32, #tpu.memory_space<hbm>> -> memref<8000xf32, #tpu.memory_space<hbm>>
      tpu.wait_dma2 semaphore(%arg8 : memref<!tpu.dma_semaphore, #tpu.memory_space<semaphore_mem>>) src(%arg6 : memref<8000xf32, #tpu.memory_space<vmem>>) dst(%dma_wait3A_399 : memref<8000xf32, #tpu.memory_space<hbm>>)
      %dma_wait3A_400 = tpu.memref_slice %arg4[%add3A_81] : memref<20480000xf32, #tpu.memory_space<hbm>> -> memref<8000xf32, #tpu.memory_space<hbm>>
      %dma_wait3A_401 = tpu.memref_slice %arg4[%add3A_81] : memref<20480000xf32, #tpu.memory_space<hbm>> -> memref<8000xf32, #tpu.memory_space<hbm>>
      tpu.wait_dma2 semaphore(%arg8 : memref<!tpu.dma_semaphore, #tpu.memory_space<semaphore_mem>>) src(%arg6 : memref<8000xf32, #tpu.memory_space<vmem>>) dst(%dma_wait3A_401 : memref<8000xf32, #tpu.memory_space<hbm>>)
      %dma_wait3A_402 = tpu.memref_slice %arg4[%add3A_85] : memref<20480000xf32, #tpu.memory_space<hbm>> -> memref<8000xf32, #tpu.memory_space<hbm>>
      %dma_wait3A_403 = tpu.memref_slice %arg4[%add3A_85] : memref<20480000xf32, #tpu.memory_space<hbm>> -> memref<8000xf32, #tpu.memory_space<hbm>>
      tpu.wait_dma2 semaphore(%arg8 : memref<!tpu.dma_semaphore, #tpu.memory_space<semaphore_mem>>) src(%arg6 : memref<8000xf32, #tpu.memory_space<vmem>>) dst(%dma_wait3A_403 : memref<8000xf32, #tpu.memory_space<hbm>>)
      %dma_wait3A_404 = tpu.memref_slice %arg4[%add3A_89] : memref<20480000xf32, #tpu.memory_space<hbm>> -> memref<8000xf32, #tpu.memory_space<hbm>>
      %dma_wait3A_405 = tpu.memref_slice %arg4[%add3A_89] : memref<20480000xf32, #tpu.memory_space<hbm>> -> memref<8000xf32, #tpu.memory_space<hbm>>
      tpu.wait_dma2 semaphore(%arg8 : memref<!tpu.dma_semaphore, #tpu.memory_space<semaphore_mem>>) src(%arg6 : memref<8000xf32, #tpu.memory_space<vmem>>) dst(%dma_wait3A_405 : memref<8000xf32, #tpu.memory_space<hbm>>)
      %dma_wait3A_406 = tpu.memref_slice %arg4[%add3A_93] : memref<20480000xf32, #tpu.memory_space<hbm>> -> memref<8000xf32, #tpu.memory_space<hbm>>
      %dma_wait3A_407 = tpu.memref_slice %arg4[%add3A_93] : memref<20480000xf32, #tpu.memory_space<hbm>> -> memref<8000xf32, #tpu.memory_space<hbm>>
      tpu.wait_dma2 semaphore(%arg8 : memref<!tpu.dma_semaphore, #tpu.memory_space<semaphore_mem>>) src(%arg6 : memref<8000xf32, #tpu.memory_space<vmem>>) dst(%dma_wait3A_407 : memref<8000xf32, #tpu.memory_space<hbm>>)
      %dma_wait3A_408 = tpu.memref_slice %arg4[%add3A_97] : memref<20480000xf32, #tpu.memory_space<hbm>> -> memref<8000xf32, #tpu.memory_space<hbm>>
      %dma_wait3A_409 = tpu.memref_slice %arg4[%add3A_97] : memref<20480000xf32, #tpu.memory_space<hbm>> -> memref<8000xf32, #tpu.memory_space<hbm>>
      tpu.wait_dma2 semaphore(%arg8 : memref<!tpu.dma_semaphore, #tpu.memory_space<semaphore_mem>>) src(%arg6 : memref<8000xf32, #tpu.memory_space<vmem>>) dst(%dma_wait3A_409 : memref<8000xf32, #tpu.memory_space<hbm>>)
      %dma_wait3A_410 = tpu.memref_slice %arg4[%add3A_101] : memref<20480000xf32, #tpu.memory_space<hbm>> -> memref<8000xf32, #tpu.memory_space<hbm>>
      %dma_wait3A_411 = tpu.memref_slice %arg4[%add3A_101] : memref<20480000xf32, #tpu.memory_space<hbm>> -> memref<8000xf32, #tpu.memory_space<hbm>>
      tpu.wait_dma2 semaphore(%arg8 : memref<!tpu.dma_semaphore, #tpu.memory_space<semaphore_mem>>) src(%arg6 : memref<8000xf32, #tpu.memory_space<vmem>>) dst(%dma_wait3A_411 : memref<8000xf32, #tpu.memory_space<hbm>>)
      %dma_wait3A_412 = tpu.memref_slice %arg4[%add3A_105] : memref<20480000xf32, #tpu.memory_space<hbm>> -> memref<8000xf32, #tpu.memory_space<hbm>>
      %dma_wait3A_413 = tpu.memref_slice %arg4[%add3A_105] : memref<20480000xf32, #tpu.memory_space<hbm>> -> memref<8000xf32, #tpu.memory_space<hbm>>
      tpu.wait_dma2 semaphore(%arg8 : memref<!tpu.dma_semaphore, #tpu.memory_space<semaphore_mem>>) src(%arg6 : memref<8000xf32, #tpu.memory_space<vmem>>) dst(%dma_wait3A_413 : memref<8000xf32, #tpu.memory_space<hbm>>)
      %dma_wait3A_414 = tpu.memref_slice %arg4[%add3A_109] : memref<20480000xf32, #tpu.memory_space<hbm>> -> memref<8000xf32, #tpu.memory_space<hbm>>
      %dma_wait3A_415 = tpu.memref_slice %arg4[%add3A_109] : memref<20480000xf32, #tpu.memory_space<hbm>> -> memref<8000xf32, #tpu.memory_space<hbm>>
      tpu.wait_dma2 semaphore(%arg8 : memref<!tpu.dma_semaphore, #tpu.memory_space<semaphore_mem>>) src(%arg6 : memref<8000xf32, #tpu.memory_space<vmem>>) dst(%dma_wait3A_415 : memref<8000xf32, #tpu.memory_space<hbm>>)
      %dma_wait3A_416 = tpu.memref_slice %arg4[%add3A_113] : memref<20480000xf32, #tpu.memory_space<hbm>> -> memref<8000xf32, #tpu.memory_space<hbm>>
      %dma_wait3A_417 = tpu.memref_slice %arg4[%add3A_113] : memref<20480000xf32, #tpu.memory_space<hbm>> -> memref<8000xf32, #tpu.memory_space<hbm>>
      tpu.wait_dma2 semaphore(%arg8 : memref<!tpu.dma_semaphore, #tpu.memory_space<semaphore_mem>>) src(%arg6 : memref<8000xf32, #tpu.memory_space<vmem>>) dst(%dma_wait3A_417 : memref<8000xf32, #tpu.memory_space<hbm>>)
      %dma_wait3A_418 = tpu.memref_slice %arg4[%add3A_117] : memref<20480000xf32, #tpu.memory_space<hbm>> -> memref<8000xf32, #tpu.memory_space<hbm>>
      %dma_wait3A_419 = tpu.memref_slice %arg4[%add3A_117] : memref<20480000xf32, #tpu.memory_space<hbm>> -> memref<8000xf32, #tpu.memory_space<hbm>>
      tpu.wait_dma2 semaphore(%arg8 : memref<!tpu.dma_semaphore, #tpu.memory_space<semaphore_mem>>) src(%arg6 : memref<8000xf32, #tpu.memory_space<vmem>>) dst(%dma_wait3A_419 : memref<8000xf32, #tpu.memory_space<hbm>>)
      %dma_wait3A_420 = tpu.memref_slice %arg4[%add3A_121] : memref<20480000xf32, #tpu.memory_space<hbm>> -> memref<8000xf32, #tpu.memory_space<hbm>>
      %dma_wait3A_421 = tpu.memref_slice %arg4[%add3A_121] : memref<20480000xf32, #tpu.memory_space<hbm>> -> memref<8000xf32, #tpu.memory_space<hbm>>
      tpu.wait_dma2 semaphore(%arg8 : memref<!tpu.dma_semaphore, #tpu.memory_space<semaphore_mem>>) src(%arg6 : memref<8000xf32, #tpu.memory_space<vmem>>) dst(%dma_wait3A_421 : memref<8000xf32, #tpu.memory_space<hbm>>)
      %dma_wait3A_422 = tpu.memref_slice %arg4[%add3A_125] : memref<20480000xf32, #tpu.memory_space<hbm>> -> memref<8000xf32, #tpu.memory_space<hbm>>
      %dma_wait3A_423 = tpu.memref_slice %arg4[%add3A_125] : memref<20480000xf32, #tpu.memory_space<hbm>> -> memref<8000xf32, #tpu.memory_space<hbm>>
      tpu.wait_dma2 semaphore(%arg8 : memref<!tpu.dma_semaphore, #tpu.memory_space<semaphore_mem>>) src(%arg6 : memref<8000xf32, #tpu.memory_space<vmem>>) dst(%dma_wait3A_423 : memref<8000xf32, #tpu.memory_space<hbm>>)
      %dma_wait3A_424 = tpu.memref_slice %arg4[%add3A_129] : memref<20480000xf32, #tpu.memory_space<hbm>> -> memref<8000xf32, #tpu.memory_space<hbm>>
      %dma_wait3A_425 = tpu.memref_slice %arg4[%add3A_129] : memref<20480000xf32, #tpu.memory_space<hbm>> -> memref<8000xf32, #tpu.memory_space<hbm>>
      tpu.wait_dma2 semaphore(%arg8 : memref<!tpu.dma_semaphore, #tpu.memory_space<semaphore_mem>>) src(%arg6 : memref<8000xf32, #tpu.memory_space<vmem>>) dst(%dma_wait3A_425 : memref<8000xf32, #tpu.memory_space<hbm>>)
      %dma_wait3A_426 = tpu.memref_slice %arg4[%add3A_133] : memref<20480000xf32, #tpu.memory_space<hbm>> -> memref<8000xf32, #tpu.memory_space<hbm>>
      %dma_wait3A_427 = tpu.memref_slice %arg4[%add3A_133] : memref<20480000xf32, #tpu.memory_space<hbm>> -> memref<8000xf32, #tpu.memory_space<hbm>>
      tpu.wait_dma2 semaphore(%arg8 : memref<!tpu.dma_semaphore, #tpu.memory_space<semaphore_mem>>) src(%arg6 : memref<8000xf32, #tpu.memory_space<vmem>>) dst(%dma_wait3A_427 : memref<8000xf32, #tpu.memory_space<hbm>>)
      %dma_wait3A_428 = tpu.memref_slice %arg4[%add3A_137] : memref<20480000xf32, #tpu.memory_space<hbm>> -> memref<8000xf32, #tpu.memory_space<hbm>>
      %dma_wait3A_429 = tpu.memref_slice %arg4[%add3A_137] : memref<20480000xf32, #tpu.memory_space<hbm>> -> memref<8000xf32, #tpu.memory_space<hbm>>
      tpu.wait_dma2 semaphore(%arg8 : memref<!tpu.dma_semaphore, #tpu.memory_space<semaphore_mem>>) src(%arg6 : memref<8000xf32, #tpu.memory_space<vmem>>) dst(%dma_wait3A_429 : memref<8000xf32, #tpu.memory_space<hbm>>)
      %dma_wait3A_430 = tpu.memref_slice %arg4[%add3A_141] : memref<20480000xf32, #tpu.memory_space<hbm>> -> memref<8000xf32, #tpu.memory_space<hbm>>
      %dma_wait3A_431 = tpu.memref_slice %arg4[%add3A_141] : memref<20480000xf32, #tpu.memory_space<hbm>> -> memref<8000xf32, #tpu.memory_space<hbm>>
      tpu.wait_dma2 semaphore(%arg8 : memref<!tpu.dma_semaphore, #tpu.memory_space<semaphore_mem>>) src(%arg6 : memref<8000xf32, #tpu.memory_space<vmem>>) dst(%dma_wait3A_431 : memref<8000xf32, #tpu.memory_space<hbm>>)
      %dma_wait3A_432 = tpu.memref_slice %arg4[%add3A_145] : memref<20480000xf32, #tpu.memory_space<hbm>> -> memref<8000xf32, #tpu.memory_space<hbm>>
      %dma_wait3A_433 = tpu.memref_slice %arg4[%add3A_145] : memref<20480000xf32, #tpu.memory_space<hbm>> -> memref<8000xf32, #tpu.memory_space<hbm>>
      tpu.wait_dma2 semaphore(%arg8 : memref<!tpu.dma_semaphore, #tpu.memory_space<semaphore_mem>>) src(%arg6 : memref<8000xf32, #tpu.memory_space<vmem>>) dst(%dma_wait3A_433 : memref<8000xf32, #tpu.memory_space<hbm>>)
      %dma_wait3A_434 = tpu.memref_slice %arg4[%add3A_149] : memref<20480000xf32, #tpu.memory_space<hbm>> -> memref<8000xf32, #tpu.memory_space<hbm>>
      %dma_wait3A_435 = tpu.memref_slice %arg4[%add3A_149] : memref<20480000xf32, #tpu.memory_space<hbm>> -> memref<8000xf32, #tpu.memory_space<hbm>>
      tpu.wait_dma2 semaphore(%arg8 : memref<!tpu.dma_semaphore, #tpu.memory_space<semaphore_mem>>) src(%arg6 : memref<8000xf32, #tpu.memory_space<vmem>>) dst(%dma_wait3A_435 : memref<8000xf32, #tpu.memory_space<hbm>>)
      %dma_wait3A_436 = tpu.memref_slice %arg4[%add3A_153] : memref<20480000xf32, #tpu.memory_space<hbm>> -> memref<8000xf32, #tpu.memory_space<hbm>>
      %dma_wait3A_437 = tpu.memref_slice %arg4[%add3A_153] : memref<20480000xf32, #tpu.memory_space<hbm>> -> memref<8000xf32, #tpu.memory_space<hbm>>
      tpu.wait_dma2 semaphore(%arg8 : memref<!tpu.dma_semaphore, #tpu.memory_space<semaphore_mem>>) src(%arg6 : memref<8000xf32, #tpu.memory_space<vmem>>) dst(%dma_wait3A_437 : memref<8000xf32, #tpu.memory_space<hbm>>)
      %dma_wait3A_438 = tpu.memref_slice %arg4[%add3A_157] : memref<20480000xf32, #tpu.memory_space<hbm>> -> memref<8000xf32, #tpu.memory_space<hbm>>
      %dma_wait3A_439 = tpu.memref_slice %arg4[%add3A_157] : memref<20480000xf32, #tpu.memory_space<hbm>> -> memref<8000xf32, #tpu.memory_space<hbm>>
      tpu.wait_dma2 semaphore(%arg8 : memref<!tpu.dma_semaphore, #tpu.memory_space<semaphore_mem>>) src(%arg6 : memref<8000xf32, #tpu.memory_space<vmem>>) dst(%dma_wait3A_439 : memref<8000xf32, #tpu.memory_space<hbm>>)
      %dma_wait3A_440 = tpu.memref_slice %arg4[%add3A_161] : memref<20480000xf32, #tpu.memory_space<hbm>> -> memref<8000xf32, #tpu.memory_space<hbm>>
      %dma_wait3A_441 = tpu.memref_slice %arg4[%add3A_161] : memref<20480000xf32, #tpu.memory_space<hbm>> -> memref<8000xf32, #tpu.memory_space<hbm>>
      tpu.wait_dma2 semaphore(%arg8 : memref<!tpu.dma_semaphore, #tpu.memory_space<semaphore_mem>>) src(%arg6 : memref<8000xf32, #tpu.memory_space<vmem>>) dst(%dma_wait3A_441 : memref<8000xf32, #tpu.memory_space<hbm>>)
      %dma_wait3A_442 = tpu.memref_slice %arg4[%add3A_165] : memref<20480000xf32, #tpu.memory_space<hbm>> -> memref<8000xf32, #tpu.memory_space<hbm>>
      %dma_wait3A_443 = tpu.memref_slice %arg4[%add3A_165] : memref<20480000xf32, #tpu.memory_space<hbm>> -> memref<8000xf32, #tpu.memory_space<hbm>>
      tpu.wait_dma2 semaphore(%arg8 : memref<!tpu.dma_semaphore, #tpu.memory_space<semaphore_mem>>) src(%arg6 : memref<8000xf32, #tpu.memory_space<vmem>>) dst(%dma_wait3A_443 : memref<8000xf32, #tpu.memory_space<hbm>>)
      %dma_wait3A_444 = tpu.memref_slice %arg4[%add3A_169] : memref<20480000xf32, #tpu.memory_space<hbm>> -> memref<8000xf32, #tpu.memory_space<hbm>>
      %dma_wait3A_445 = tpu.memref_slice %arg4[%add3A_169] : memref<20480000xf32, #tpu.memory_space<hbm>> -> memref<8000xf32, #tpu.memory_space<hbm>>
      tpu.wait_dma2 semaphore(%arg8 : memref<!tpu.dma_semaphore, #tpu.memory_space<semaphore_mem>>) src(%arg6 : memref<8000xf32, #tpu.memory_space<vmem>>) dst(%dma_wait3A_445 : memref<8000xf32, #tpu.memory_space<hbm>>)
      %dma_wait3A_446 = tpu.memref_slice %arg4[%add3A_173] : memref<20480000xf32, #tpu.memory_space<hbm>> -> memref<8000xf32, #tpu.memory_space<hbm>>
      %dma_wait3A_447 = tpu.memref_slice %arg4[%add3A_173] : memref<20480000xf32, #tpu.memory_space<hbm>> -> memref<8000xf32, #tpu.memory_space<hbm>>
      tpu.wait_dma2 semaphore(%arg8 : memref<!tpu.dma_semaphore, #tpu.memory_space<semaphore_mem>>) src(%arg6 : memref<8000xf32, #tpu.memory_space<vmem>>) dst(%dma_wait3A_447 : memref<8000xf32, #tpu.memory_space<hbm>>)
      %dma_wait3A_448 = tpu.memref_slice %arg4[%add3A_177] : memref<20480000xf32, #tpu.memory_space<hbm>> -> memref<8000xf32, #tpu.memory_space<hbm>>
      %dma_wait3A_449 = tpu.memref_slice %arg4[%add3A_177] : memref<20480000xf32, #tpu.memory_space<hbm>> -> memref<8000xf32, #tpu.memory_space<hbm>>
      tpu.wait_dma2 semaphore(%arg8 : memref<!tpu.dma_semaphore, #tpu.memory_space<semaphore_mem>>) src(%arg6 : memref<8000xf32, #tpu.memory_space<vmem>>) dst(%dma_wait3A_449 : memref<8000xf32, #tpu.memory_space<hbm>>)
      %dma_wait3A_450 = tpu.memref_slice %arg4[%add3A_181] : memref<20480000xf32, #tpu.memory_space<hbm>> -> memref<8000xf32, #tpu.memory_space<hbm>>
      %dma_wait3A_451 = tpu.memref_slice %arg4[%add3A_181] : memref<20480000xf32, #tpu.memory_space<hbm>> -> memref<8000xf32, #tpu.memory_space<hbm>>
      tpu.wait_dma2 semaphore(%arg8 : memref<!tpu.dma_semaphore, #tpu.memory_space<semaphore_mem>>) src(%arg6 : memref<8000xf32, #tpu.memory_space<vmem>>) dst(%dma_wait3A_451 : memref<8000xf32, #tpu.memory_space<hbm>>)
      %dma_wait3A_452 = tpu.memref_slice %arg4[%add3A_185] : memref<20480000xf32, #tpu.memory_space<hbm>> -> memref<8000xf32, #tpu.memory_space<hbm>>
      %dma_wait3A_453 = tpu.memref_slice %arg4[%add3A_185] : memref<20480000xf32, #tpu.memory_space<hbm>> -> memref<8000xf32, #tpu.memory_space<hbm>>
      tpu.wait_dma2 semaphore(%arg8 : memref<!tpu.dma_semaphore, #tpu.memory_space<semaphore_mem>>) src(%arg6 : memref<8000xf32, #tpu.memory_space<vmem>>) dst(%dma_wait3A_453 : memref<8000xf32, #tpu.memory_space<hbm>>)
      %dma_wait3A_454 = tpu.memref_slice %arg4[%add3A_189] : memref<20480000xf32, #tpu.memory_space<hbm>> -> memref<8000xf32, #tpu.memory_space<hbm>>
      %dma_wait3A_455 = tpu.memref_slice %arg4[%add3A_189] : memref<20480000xf32, #tpu.memory_space<hbm>> -> memref<8000xf32, #tpu.memory_space<hbm>>
      tpu.wait_dma2 semaphore(%arg8 : memref<!tpu.dma_semaphore, #tpu.memory_space<semaphore_mem>>) src(%arg6 : memref<8000xf32, #tpu.memory_space<vmem>>) dst(%dma_wait3A_455 : memref<8000xf32, #tpu.memory_space<hbm>>)
      %dma_wait3A_456 = tpu.memref_slice %arg4[%add3A_193] : memref<20480000xf32, #tpu.memory_space<hbm>> -> memref<8000xf32, #tpu.memory_space<hbm>>
      %dma_wait3A_457 = tpu.memref_slice %arg4[%add3A_193] : memref<20480000xf32, #tpu.memory_space<hbm>> -> memref<8000xf32, #tpu.memory_space<hbm>>
      tpu.wait_dma2 semaphore(%arg8 : memref<!tpu.dma_semaphore, #tpu.memory_space<semaphore_mem>>) src(%arg6 : memref<8000xf32, #tpu.memory_space<vmem>>) dst(%dma_wait3A_457 : memref<8000xf32, #tpu.memory_space<hbm>>)
      %dma_wait3A_458 = tpu.memref_slice %arg4[%add3A_197] : memref<20480000xf32, #tpu.memory_space<hbm>> -> memref<8000xf32, #tpu.memory_space<hbm>>
      %dma_wait3A_459 = tpu.memref_slice %arg4[%add3A_197] : memref<20480000xf32, #tpu.memory_space<hbm>> -> memref<8000xf32, #tpu.memory_space<hbm>>
      tpu.wait_dma2 semaphore(%arg8 : memref<!tpu.dma_semaphore, #tpu.memory_space<semaphore_mem>>) src(%arg6 : memref<8000xf32, #tpu.memory_space<vmem>>) dst(%dma_wait3A_459 : memref<8000xf32, #tpu.memory_space<hbm>>)
      %dma_wait3A_460 = tpu.memref_slice %arg4[%add3A_201] : memref<20480000xf32, #tpu.memory_space<hbm>> -> memref<8000xf32, #tpu.memory_space<hbm>>
      %dma_wait3A_461 = tpu.memref_slice %arg4[%add3A_201] : memref<20480000xf32, #tpu.memory_space<hbm>> -> memref<8000xf32, #tpu.memory_space<hbm>>
      tpu.wait_dma2 semaphore(%arg8 : memref<!tpu.dma_semaphore, #tpu.memory_space<semaphore_mem>>) src(%arg6 : memref<8000xf32, #tpu.memory_space<vmem>>) dst(%dma_wait3A_461 : memref<8000xf32, #tpu.memory_space<hbm>>)
      %dma_wait3A_462 = tpu.memref_slice %arg4[%add3A_205] : memref<20480000xf32, #tpu.memory_space<hbm>> -> memref<8000xf32, #tpu.memory_space<hbm>>
      %dma_wait3A_463 = tpu.memref_slice %arg4[%add3A_205] : memref<20480000xf32, #tpu.memory_space<hbm>> -> memref<8000xf32, #tpu.memory_space<hbm>>
      tpu.wait_dma2 semaphore(%arg8 : memref<!tpu.dma_semaphore, #tpu.memory_space<semaphore_mem>>) src(%arg6 : memref<8000xf32, #tpu.memory_space<vmem>>) dst(%dma_wait3A_463 : memref<8000xf32, #tpu.memory_space<hbm>>)
      %dma_wait3A_464 = tpu.memref_slice %arg4[%add3A_209] : memref<20480000xf32, #tpu.memory_space<hbm>> -> memref<8000xf32, #tpu.memory_space<hbm>>
      %dma_wait3A_465 = tpu.memref_slice %arg4[%add3A_209] : memref<20480000xf32, #tpu.memory_space<hbm>> -> memref<8000xf32, #tpu.memory_space<hbm>>
      tpu.wait_dma2 semaphore(%arg8 : memref<!tpu.dma_semaphore, #tpu.memory_space<semaphore_mem>>) src(%arg6 : memref<8000xf32, #tpu.memory_space<vmem>>) dst(%dma_wait3A_465 : memref<8000xf32, #tpu.memory_space<hbm>>)
      %dma_wait3A_466 = tpu.memref_slice %arg4[%add3A_213] : memref<20480000xf32, #tpu.memory_space<hbm>> -> memref<8000xf32, #tpu.memory_space<hbm>>
      %dma_wait3A_467 = tpu.memref_slice %arg4[%add3A_213] : memref<20480000xf32, #tpu.memory_space<hbm>> -> memref<8000xf32, #tpu.memory_space<hbm>>
      tpu.wait_dma2 semaphore(%arg8 : memref<!tpu.dma_semaphore, #tpu.memory_space<semaphore_mem>>) src(%arg6 : memref<8000xf32, #tpu.memory_space<vmem>>) dst(%dma_wait3A_467 : memref<8000xf32, #tpu.memory_space<hbm>>)
      %dma_wait3A_468 = tpu.memref_slice %arg4[%add3A_217] : memref<20480000xf32, #tpu.memory_space<hbm>> -> memref<8000xf32, #tpu.memory_space<hbm>>
      %dma_wait3A_469 = tpu.memref_slice %arg4[%add3A_217] : memref<20480000xf32, #tpu.memory_space<hbm>> -> memref<8000xf32, #tpu.memory_space<hbm>>
      tpu.wait_dma2 semaphore(%arg8 : memref<!tpu.dma_semaphore, #tpu.memory_space<semaphore_mem>>) src(%arg6 : memref<8000xf32, #tpu.memory_space<vmem>>) dst(%dma_wait3A_469 : memref<8000xf32, #tpu.memory_space<hbm>>)
      %dma_wait3A_470 = tpu.memref_slice %arg4[%add3A_221] : memref<20480000xf32, #tpu.memory_space<hbm>> -> memref<8000xf32, #tpu.memory_space<hbm>>
      %dma_wait3A_471 = tpu.memref_slice %arg4[%add3A_221] : memref<20480000xf32, #tpu.memory_space<hbm>> -> memref<8000xf32, #tpu.memory_space<hbm>>
      tpu.wait_dma2 semaphore(%arg8 : memref<!tpu.dma_semaphore, #tpu.memory_space<semaphore_mem>>) src(%arg6 : memref<8000xf32, #tpu.memory_space<vmem>>) dst(%dma_wait3A_471 : memref<8000xf32, #tpu.memory_space<hbm>>)
      %dma_wait3A_472 = tpu.memref_slice %arg4[%add3A_225] : memref<20480000xf32, #tpu.memory_space<hbm>> -> memref<8000xf32, #tpu.memory_space<hbm>>
      %dma_wait3A_473 = tpu.memref_slice %arg4[%add3A_225] : memref<20480000xf32, #tpu.memory_space<hbm>> -> memref<8000xf32, #tpu.memory_space<hbm>>
      tpu.wait_dma2 semaphore(%arg8 : memref<!tpu.dma_semaphore, #tpu.memory_space<semaphore_mem>>) src(%arg6 : memref<8000xf32, #tpu.memory_space<vmem>>) dst(%dma_wait3A_473 : memref<8000xf32, #tpu.memory_space<hbm>>)
      %dma_wait3A_474 = tpu.memref_slice %arg4[%add3A_229] : memref<20480000xf32, #tpu.memory_space<hbm>> -> memref<8000xf32, #tpu.memory_space<hbm>>
      %dma_wait3A_475 = tpu.memref_slice %arg4[%add3A_229] : memref<20480000xf32, #tpu.memory_space<hbm>> -> memref<8000xf32, #tpu.memory_space<hbm>>
      tpu.wait_dma2 semaphore(%arg8 : memref<!tpu.dma_semaphore, #tpu.memory_space<semaphore_mem>>) src(%arg6 : memref<8000xf32, #tpu.memory_space<vmem>>) dst(%dma_wait3A_475 : memref<8000xf32, #tpu.memory_space<hbm>>)
      %dma_wait3A_476 = tpu.memref_slice %arg4[%add3A_233] : memref<20480000xf32, #tpu.memory_space<hbm>> -> memref<8000xf32, #tpu.memory_space<hbm>>
      %dma_wait3A_477 = tpu.memref_slice %arg4[%add3A_233] : memref<20480000xf32, #tpu.memory_space<hbm>> -> memref<8000xf32, #tpu.memory_space<hbm>>
      tpu.wait_dma2 semaphore(%arg8 : memref<!tpu.dma_semaphore, #tpu.memory_space<semaphore_mem>>) src(%arg6 : memref<8000xf32, #tpu.memory_space<vmem>>) dst(%dma_wait3A_477 : memref<8000xf32, #tpu.memory_space<hbm>>)
      %dma_wait3A_478 = tpu.memref_slice %arg4[%add3A_237] : memref<20480000xf32, #tpu.memory_space<hbm>> -> memref<8000xf32, #tpu.memory_space<hbm>>
      %dma_wait3A_479 = tpu.memref_slice %arg4[%add3A_237] : memref<20480000xf32, #tpu.memory_space<hbm>> -> memref<8000xf32, #tpu.memory_space<hbm>>
      tpu.wait_dma2 semaphore(%arg8 : memref<!tpu.dma_semaphore, #tpu.memory_space<semaphore_mem>>) src(%arg6 : memref<8000xf32, #tpu.memory_space<vmem>>) dst(%dma_wait3A_479 : memref<8000xf32, #tpu.memory_space<hbm>>)
      %dma_wait3A_480 = tpu.memref_slice %arg4[%add3A_241] : memref<20480000xf32, #tpu.memory_space<hbm>> -> memref<8000xf32, #tpu.memory_space<hbm>>
      %dma_wait3A_481 = tpu.memref_slice %arg4[%add3A_241] : memref<20480000xf32, #tpu.memory_space<hbm>> -> memref<8000xf32, #tpu.memory_space<hbm>>
      tpu.wait_dma2 semaphore(%arg8 : memref<!tpu.dma_semaphore, #tpu.memory_space<semaphore_mem>>) src(%arg6 : memref<8000xf32, #tpu.memory_space<vmem>>) dst(%dma_wait3A_481 : memref<8000xf32, #tpu.memory_space<hbm>>)
      %dma_wait3A_482 = tpu.memref_slice %arg4[%add3A_245] : memref<20480000xf32, #tpu.memory_space<hbm>> -> memref<8000xf32, #tpu.memory_space<hbm>>
      %dma_wait3A_483 = tpu.memref_slice %arg4[%add3A_245] : memref<20480000xf32, #tpu.memory_space<hbm>> -> memref<8000xf32, #tpu.memory_space<hbm>>
      tpu.wait_dma2 semaphore(%arg8 : memref<!tpu.dma_semaphore, #tpu.memory_space<semaphore_mem>>) src(%arg6 : memref<8000xf32, #tpu.memory_space<vmem>>) dst(%dma_wait3A_483 : memref<8000xf32, #tpu.memory_space<hbm>>)
      %dma_wait3A_484 = tpu.memref_slice %arg4[%add3A_249] : memref<20480000xf32, #tpu.memory_space<hbm>> -> memref<8000xf32, #tpu.memory_space<hbm>>
      %dma_wait3A_485 = tpu.memref_slice %arg4[%add3A_249] : memref<20480000xf32, #tpu.memory_space<hbm>> -> memref<8000xf32, #tpu.memory_space<hbm>>
      tpu.wait_dma2 semaphore(%arg8 : memref<!tpu.dma_semaphore, #tpu.memory_space<semaphore_mem>>) src(%arg6 : memref<8000xf32, #tpu.memory_space<vmem>>) dst(%dma_wait3A_485 : memref<8000xf32, #tpu.memory_space<hbm>>)
      %dma_wait3A_486 = tpu.memref_slice %arg4[%add3A_253] : memref<20480000xf32, #tpu.memory_space<hbm>> -> memref<8000xf32, #tpu.memory_space<hbm>>
      %dma_wait3A_487 = tpu.memref_slice %arg4[%add3A_253] : memref<20480000xf32, #tpu.memory_space<hbm>> -> memref<8000xf32, #tpu.memory_space<hbm>>
      tpu.wait_dma2 semaphore(%arg8 : memref<!tpu.dma_semaphore, #tpu.memory_space<semaphore_mem>>) src(%arg6 : memref<8000xf32, #tpu.memory_space<vmem>>) dst(%dma_wait3A_487 : memref<8000xf32, #tpu.memory_space<hbm>>)
      %dma_wait3A_488 = tpu.memref_slice %arg4[%add3A_257] : memref<20480000xf32, #tpu.memory_space<hbm>> -> memref<8000xf32, #tpu.memory_space<hbm>>
      %dma_wait3A_489 = tpu.memref_slice %arg4[%add3A_257] : memref<20480000xf32, #tpu.memory_space<hbm>> -> memref<8000xf32, #tpu.memory_space<hbm>>
      tpu.wait_dma2 semaphore(%arg8 : memref<!tpu.dma_semaphore, #tpu.memory_space<semaphore_mem>>) src(%arg6 : memref<8000xf32, #tpu.memory_space<vmem>>) dst(%dma_wait3A_489 : memref<8000xf32, #tpu.memory_space<hbm>>)
      %dma_wait3A_490 = tpu.memref_slice %arg4[%add3A_261] : memref<20480000xf32, #tpu.memory_space<hbm>> -> memref<8000xf32, #tpu.memory_space<hbm>>
      %dma_wait3A_491 = tpu.memref_slice %arg4[%add3A_261] : memref<20480000xf32, #tpu.memory_space<hbm>> -> memref<8000xf32, #tpu.memory_space<hbm>>
      tpu.wait_dma2 semaphore(%arg8 : memref<!tpu.dma_semaphore, #tpu.memory_space<semaphore_mem>>) src(%arg6 : memref<8000xf32, #tpu.memory_space<vmem>>) dst(%dma_wait3A_491 : memref<8000xf32, #tpu.memory_space<hbm>>)
      %dma_wait3A_492 = tpu.memref_slice %arg4[%add3A_265] : memref<20480000xf32, #tpu.memory_space<hbm>> -> memref<8000xf32, #tpu.memory_space<hbm>>
      %dma_wait3A_493 = tpu.memref_slice %arg4[%add3A_265] : memref<20480000xf32, #tpu.memory_space<hbm>> -> memref<8000xf32, #tpu.memory_space<hbm>>
      tpu.wait_dma2 semaphore(%arg8 : memref<!tpu.dma_semaphore, #tpu.memory_space<semaphore_mem>>) src(%arg6 : memref<8000xf32, #tpu.memory_space<vmem>>) dst(%dma_wait3A_493 : memref<8000xf32, #tpu.memory_space<hbm>>)
      %dma_wait3A_494 = tpu.memref_slice %arg4[%add3A_269] : memref<20480000xf32, #tpu.memory_space<hbm>> -> memref<8000xf32, #tpu.memory_space<hbm>>
      %dma_wait3A_495 = tpu.memref_slice %arg4[%add3A_269] : memref<20480000xf32, #tpu.memory_space<hbm>> -> memref<8000xf32, #tpu.memory_space<hbm>>
      tpu.wait_dma2 semaphore(%arg8 : memref<!tpu.dma_semaphore, #tpu.memory_space<semaphore_mem>>) src(%arg6 : memref<8000xf32, #tpu.memory_space<vmem>>) dst(%dma_wait3A_495 : memref<8000xf32, #tpu.memory_space<hbm>>)
      %dma_wait3A_496 = tpu.memref_slice %arg4[%add3A_273] : memref<20480000xf32, #tpu.memory_space<hbm>> -> memref<8000xf32, #tpu.memory_space<hbm>>
      %dma_wait3A_497 = tpu.memref_slice %arg4[%add3A_273] : memref<20480000xf32, #tpu.memory_space<hbm>> -> memref<8000xf32, #tpu.memory_space<hbm>>
      tpu.wait_dma2 semaphore(%arg8 : memref<!tpu.dma_semaphore, #tpu.memory_space<semaphore_mem>>) src(%arg6 : memref<8000xf32, #tpu.memory_space<vmem>>) dst(%dma_wait3A_497 : memref<8000xf32, #tpu.memory_space<hbm>>)
      %dma_wait3A_498 = tpu.memref_slice %arg4[%add3A_277] : memref<20480000xf32, #tpu.memory_space<hbm>> -> memref<8000xf32, #tpu.memory_space<hbm>>
      %dma_wait3A_499 = tpu.memref_slice %arg4[%add3A_277] : memref<20480000xf32, #tpu.memory_space<hbm>> -> memref<8000xf32, #tpu.memory_space<hbm>>
      tpu.wait_dma2 semaphore(%arg8 : memref<!tpu.dma_semaphore, #tpu.memory_space<semaphore_mem>>) src(%arg6 : memref<8000xf32, #tpu.memory_space<vmem>>) dst(%dma_wait3A_499 : memref<8000xf32, #tpu.memory_space<hbm>>)
      %dma_wait3A_500 = tpu.memref_slice %arg4[%add3A_281] : memref<20480000xf32, #tpu.memory_space<hbm>> -> memref<8000xf32, #tpu.memory_space<hbm>>
      %dma_wait3A_501 = tpu.memref_slice %arg4[%add3A_281] : memref<20480000xf32, #tpu.memory_space<hbm>> -> memref<8000xf32, #tpu.memory_space<hbm>>
      tpu.wait_dma2 semaphore(%arg8 : memref<!tpu.dma_semaphore, #tpu.memory_space<semaphore_mem>>) src(%arg6 : memref<8000xf32, #tpu.memory_space<vmem>>) dst(%dma_wait3A_501 : memref<8000xf32, #tpu.memory_space<hbm>>)
      %dma_wait3A_502 = tpu.memref_slice %arg4[%add3A_285] : memref<20480000xf32, #tpu.memory_space<hbm>> -> memref<8000xf32, #tpu.memory_space<hbm>>
      %dma_wait3A_503 = tpu.memref_slice %arg4[%add3A_285] : memref<20480000xf32, #tpu.memory_space<hbm>> -> memref<8000xf32, #tpu.memory_space<hbm>>
      tpu.wait_dma2 semaphore(%arg8 : memref<!tpu.dma_semaphore, #tpu.memory_space<semaphore_mem>>) src(%arg6 : memref<8000xf32, #tpu.memory_space<vmem>>) dst(%dma_wait3A_503 : memref<8000xf32, #tpu.memory_space<hbm>>)
      %dma_wait3A_504 = tpu.memref_slice %arg4[%add3A_289] : memref<20480000xf32, #tpu.memory_space<hbm>> -> memref<8000xf32, #tpu.memory_space<hbm>>
      %dma_wait3A_505 = tpu.memref_slice %arg4[%add3A_289] : memref<20480000xf32, #tpu.memory_space<hbm>> -> memref<8000xf32, #tpu.memory_space<hbm>>
      tpu.wait_dma2 semaphore(%arg8 : memref<!tpu.dma_semaphore, #tpu.memory_space<semaphore_mem>>) src(%arg6 : memref<8000xf32, #tpu.memory_space<vmem>>) dst(%dma_wait3A_505 : memref<8000xf32, #tpu.memory_space<hbm>>)
      %dma_wait3A_506 = tpu.memref_slice %arg4[%add3A_293] : memref<20480000xf32, #tpu.memory_space<hbm>> -> memref<8000xf32, #tpu.memory_space<hbm>>
      %dma_wait3A_507 = tpu.memref_slice %arg4[%add3A_293] : memref<20480000xf32, #tpu.memory_space<hbm>> -> memref<8000xf32, #tpu.memory_space<hbm>>
      tpu.wait_dma2 semaphore(%arg8 : memref<!tpu.dma_semaphore, #tpu.memory_space<semaphore_mem>>) src(%arg6 : memref<8000xf32, #tpu.memory_space<vmem>>) dst(%dma_wait3A_507 : memref<8000xf32, #tpu.memory_space<hbm>>)
      %dma_wait3A_508 = tpu.memref_slice %arg4[%add3A_297] : memref<20480000xf32, #tpu.memory_space<hbm>> -> memref<8000xf32, #tpu.memory_space<hbm>>
      %dma_wait3A_509 = tpu.memref_slice %arg4[%add3A_297] : memref<20480000xf32, #tpu.memory_space<hbm>> -> memref<8000xf32, #tpu.memory_space<hbm>>
      tpu.wait_dma2 semaphore(%arg8 : memref<!tpu.dma_semaphore, #tpu.memory_space<semaphore_mem>>) src(%arg6 : memref<8000xf32, #tpu.memory_space<vmem>>) dst(%dma_wait3A_509 : memref<8000xf32, #tpu.memory_space<hbm>>)
      %dma_wait3A_510 = tpu.memref_slice %arg4[%add3A_301] : memref<20480000xf32, #tpu.memory_space<hbm>> -> memref<8000xf32, #tpu.memory_space<hbm>>
      %dma_wait3A_511 = tpu.memref_slice %arg4[%add3A_301] : memref<20480000xf32, #tpu.memory_space<hbm>> -> memref<8000xf32, #tpu.memory_space<hbm>>
      tpu.wait_dma2 semaphore(%arg8 : memref<!tpu.dma_semaphore, #tpu.memory_space<semaphore_mem>>) src(%arg6 : memref<8000xf32, #tpu.memory_space<vmem>>) dst(%dma_wait3A_511 : memref<8000xf32, #tpu.memory_space<hbm>>)
      %dma_wait3A_512 = tpu.memref_slice %arg4[%add3A_305] : memref<20480000xf32, #tpu.memory_space<hbm>> -> memref<8000xf32, #tpu.memory_space<hbm>>
      %dma_wait3A_513 = tpu.memref_slice %arg4[%add3A_305] : memref<20480000xf32, #tpu.memory_space<hbm>> -> memref<8000xf32, #tpu.memory_space<hbm>>
      tpu.wait_dma2 semaphore(%arg8 : memref<!tpu.dma_semaphore, #tpu.memory_space<semaphore_mem>>) src(%arg6 : memref<8000xf32, #tpu.memory_space<vmem>>) dst(%dma_wait3A_513 : memref<8000xf32, #tpu.memory_space<hbm>>)
      %dma_wait3A_514 = tpu.memref_slice %arg4[%add3A_309] : memref<20480000xf32, #tpu.memory_space<hbm>> -> memref<8000xf32, #tpu.memory_space<hbm>>
      %dma_wait3A_515 = tpu.memref_slice %arg4[%add3A_309] : memref<20480000xf32, #tpu.memory_space<hbm>> -> memref<8000xf32, #tpu.memory_space<hbm>>
      tpu.wait_dma2 semaphore(%arg8 : memref<!tpu.dma_semaphore, #tpu.memory_space<semaphore_mem>>) src(%arg6 : memref<8000xf32, #tpu.memory_space<vmem>>) dst(%dma_wait3A_515 : memref<8000xf32, #tpu.memory_space<hbm>>)
      %dma_wait3A_516 = tpu.memref_slice %arg4[%add3A_313] : memref<20480000xf32, #tpu.memory_space<hbm>> -> memref<8000xf32, #tpu.memory_space<hbm>>
      %dma_wait3A_517 = tpu.memref_slice %arg4[%add3A_313] : memref<20480000xf32, #tpu.memory_space<hbm>> -> memref<8000xf32, #tpu.memory_space<hbm>>
      tpu.wait_dma2 semaphore(%arg8 : memref<!tpu.dma_semaphore, #tpu.memory_space<semaphore_mem>>) src(%arg6 : memref<8000xf32, #tpu.memory_space<vmem>>) dst(%dma_wait3A_517 : memref<8000xf32, #tpu.memory_space<hbm>>)
      %dma_wait3A_518 = tpu.memref_slice %arg4[%add3A_317] : memref<20480000xf32, #tpu.memory_space<hbm>> -> memref<8000xf32, #tpu.memory_space<hbm>>
      %dma_wait3A_519 = tpu.memref_slice %arg4[%add3A_317] : memref<20480000xf32, #tpu.memory_space<hbm>> -> memref<8000xf32, #tpu.memory_space<hbm>>
      tpu.wait_dma2 semaphore(%arg8 : memref<!tpu.dma_semaphore, #tpu.memory_space<semaphore_mem>>) src(%arg6 : memref<8000xf32, #tpu.memory_space<vmem>>) dst(%dma_wait3A_519 : memref<8000xf32, #tpu.memory_space<hbm>>)
      %dma_wait3A_520 = tpu.memref_slice %arg4[%add3A_321] : memref<20480000xf32, #tpu.memory_space<hbm>> -> memref<8000xf32, #tpu.memory_space<hbm>>
      %dma_wait3A_521 = tpu.memref_slice %arg4[%add3A_321] : memref<20480000xf32, #tpu.memory_space<hbm>> -> memref<8000xf32, #tpu.memory_space<hbm>>
      tpu.wait_dma2 semaphore(%arg8 : memref<!tpu.dma_semaphore, #tpu.memory_space<semaphore_mem>>) src(%arg6 : memref<8000xf32, #tpu.memory_space<vmem>>) dst(%dma_wait3A_521 : memref<8000xf32, #tpu.memory_space<hbm>>)
      %dma_wait3A_522 = tpu.memref_slice %arg4[%add3A_325] : memref<20480000xf32, #tpu.memory_space<hbm>> -> memref<8000xf32, #tpu.memory_space<hbm>>
      %dma_wait3A_523 = tpu.memref_slice %arg4[%add3A_325] : memref<20480000xf32, #tpu.memory_space<hbm>> -> memref<8000xf32, #tpu.memory_space<hbm>>
      tpu.wait_dma2 semaphore(%arg8 : memref<!tpu.dma_semaphore, #tpu.memory_space<semaphore_mem>>) src(%arg6 : memref<8000xf32, #tpu.memory_space<vmem>>) dst(%dma_wait3A_523 : memref<8000xf32, #tpu.memory_space<hbm>>)
      %dma_wait3A_524 = tpu.memref_slice %arg4[%add3A_329] : memref<20480000xf32, #tpu.memory_space<hbm>> -> memref<8000xf32, #tpu.memory_space<hbm>>
      %dma_wait3A_525 = tpu.memref_slice %arg4[%add3A_329] : memref<20480000xf32, #tpu.memory_space<hbm>> -> memref<8000xf32, #tpu.memory_space<hbm>>
      tpu.wait_dma2 semaphore(%arg8 : memref<!tpu.dma_semaphore, #tpu.memory_space<semaphore_mem>>) src(%arg6 : memref<8000xf32, #tpu.memory_space<vmem>>) dst(%dma_wait3A_525 : memref<8000xf32, #tpu.memory_space<hbm>>)
      %dma_wait3A_526 = tpu.memref_slice %arg4[%add3A_333] : memref<20480000xf32, #tpu.memory_space<hbm>> -> memref<8000xf32, #tpu.memory_space<hbm>>
      %dma_wait3A_527 = tpu.memref_slice %arg4[%add3A_333] : memref<20480000xf32, #tpu.memory_space<hbm>> -> memref<8000xf32, #tpu.memory_space<hbm>>
      tpu.wait_dma2 semaphore(%arg8 : memref<!tpu.dma_semaphore, #tpu.memory_space<semaphore_mem>>) src(%arg6 : memref<8000xf32, #tpu.memory_space<vmem>>) dst(%dma_wait3A_527 : memref<8000xf32, #tpu.memory_space<hbm>>)
      %dma_wait3A_528 = tpu.memref_slice %arg4[%add3A_337] : memref<20480000xf32, #tpu.memory_space<hbm>> -> memref<8000xf32, #tpu.memory_space<hbm>>
      %dma_wait3A_529 = tpu.memref_slice %arg4[%add3A_337] : memref<20480000xf32, #tpu.memory_space<hbm>> -> memref<8000xf32, #tpu.memory_space<hbm>>
      tpu.wait_dma2 semaphore(%arg8 : memref<!tpu.dma_semaphore, #tpu.memory_space<semaphore_mem>>) src(%arg6 : memref<8000xf32, #tpu.memory_space<vmem>>) dst(%dma_wait3A_529 : memref<8000xf32, #tpu.memory_space<hbm>>)
      %dma_wait3A_530 = tpu.memref_slice %arg4[%add3A_341] : memref<20480000xf32, #tpu.memory_space<hbm>> -> memref<8000xf32, #tpu.memory_space<hbm>>
      %dma_wait3A_531 = tpu.memref_slice %arg4[%add3A_341] : memref<20480000xf32, #tpu.memory_space<hbm>> -> memref<8000xf32, #tpu.memory_space<hbm>>
      tpu.wait_dma2 semaphore(%arg8 : memref<!tpu.dma_semaphore, #tpu.memory_space<semaphore_mem>>) src(%arg6 : memref<8000xf32, #tpu.memory_space<vmem>>) dst(%dma_wait3A_531 : memref<8000xf32, #tpu.memory_space<hbm>>)
      %dma_wait3A_532 = tpu.memref_slice %arg4[%add3A_345] : memref<20480000xf32, #tpu.memory_space<hbm>> -> memref<8000xf32, #tpu.memory_space<hbm>>
      %dma_wait3A_533 = tpu.memref_slice %arg4[%add3A_345] : memref<20480000xf32, #tpu.memory_space<hbm>> -> memref<8000xf32, #tpu.memory_space<hbm>>
      tpu.wait_dma2 semaphore(%arg8 : memref<!tpu.dma_semaphore, #tpu.memory_space<semaphore_mem>>) src(%arg6 : memref<8000xf32, #tpu.memory_space<vmem>>) dst(%dma_wait3A_533 : memref<8000xf32, #tpu.memory_space<hbm>>)
      %dma_wait3A_534 = tpu.memref_slice %arg4[%add3A_349] : memref<20480000xf32, #tpu.memory_space<hbm>> -> memref<8000xf32, #tpu.memory_space<hbm>>
      %dma_wait3A_535 = tpu.memref_slice %arg4[%add3A_349] : memref<20480000xf32, #tpu.memory_space<hbm>> -> memref<8000xf32, #tpu.memory_space<hbm>>
      tpu.wait_dma2 semaphore(%arg8 : memref<!tpu.dma_semaphore, #tpu.memory_space<semaphore_mem>>) src(%arg6 : memref<8000xf32, #tpu.memory_space<vmem>>) dst(%dma_wait3A_535 : memref<8000xf32, #tpu.memory_space<hbm>>)
      %dma_wait3A_536 = tpu.memref_slice %arg4[%add3A_353] : memref<20480000xf32, #tpu.memory_space<hbm>> -> memref<8000xf32, #tpu.memory_space<hbm>>
      %dma_wait3A_537 = tpu.memref_slice %arg4[%add3A_353] : memref<20480000xf32, #tpu.memory_space<hbm>> -> memref<8000xf32, #tpu.memory_space<hbm>>
      tpu.wait_dma2 semaphore(%arg8 : memref<!tpu.dma_semaphore, #tpu.memory_space<semaphore_mem>>) src(%arg6 : memref<8000xf32, #tpu.memory_space<vmem>>) dst(%dma_wait3A_537 : memref<8000xf32, #tpu.memory_space<hbm>>)
      %dma_wait3A_538 = tpu.memref_slice %arg4[%add3A_357] : memref<20480000xf32, #tpu.memory_space<hbm>> -> memref<8000xf32, #tpu.memory_space<hbm>>
      %dma_wait3A_539 = tpu.memref_slice %arg4[%add3A_357] : memref<20480000xf32, #tpu.memory_space<hbm>> -> memref<8000xf32, #tpu.memory_space<hbm>>
      tpu.wait_dma2 semaphore(%arg8 : memref<!tpu.dma_semaphore, #tpu.memory_space<semaphore_mem>>) src(%arg6 : memref<8000xf32, #tpu.memory_space<vmem>>) dst(%dma_wait3A_539 : memref<8000xf32, #tpu.memory_space<hbm>>)
      %dma_wait3A_540 = tpu.memref_slice %arg4[%add3A_361] : memref<20480000xf32, #tpu.memory_space<hbm>> -> memref<8000xf32, #tpu.memory_space<hbm>>
      %dma_wait3A_541 = tpu.memref_slice %arg4[%add3A_361] : memref<20480000xf32, #tpu.memory_space<hbm>> -> memref<8000xf32, #tpu.memory_space<hbm>>
      tpu.wait_dma2 semaphore(%arg8 : memref<!tpu.dma_semaphore, #tpu.memory_space<semaphore_mem>>) src(%arg6 : memref<8000xf32, #tpu.memory_space<vmem>>) dst(%dma_wait3A_541 : memref<8000xf32, #tpu.memory_space<hbm>>)
      %dma_wait3A_542 = tpu.memref_slice %arg4[%add3A_365] : memref<20480000xf32, #tpu.memory_space<hbm>> -> memref<8000xf32, #tpu.memory_space<hbm>>
      %dma_wait3A_543 = tpu.memref_slice %arg4[%add3A_365] : memref<20480000xf32, #tpu.memory_space<hbm>> -> memref<8000xf32, #tpu.memory_space<hbm>>
      tpu.wait_dma2 semaphore(%arg8 : memref<!tpu.dma_semaphore, #tpu.memory_space<semaphore_mem>>) src(%arg6 : memref<8000xf32, #tpu.memory_space<vmem>>) dst(%dma_wait3A_543 : memref<8000xf32, #tpu.memory_space<hbm>>)
    } else {
    }
    %eq3A_7 = arith.constant 1 : i32
    %eq3A_8 = arith.cmpi eq, %arg0, %eq3A_7 : i32
    %convert_element_type3A_9 = arith.extui %eq3A_8 : i1 to i32
    %cond3A_10 = arith.constant 0 : i32
    %cond3A_11 = arith.cmpi ne, %convert_element_type3A_9, %cond3A_10 : i32
    scf.if %cond3A_11 {
      %mul3A_14 = arith.constant 576000 : i32
      %mul3A_15 = arith.muli %arg1, %mul3A_14 : i32
      %add3A_16 = arith.constant 11264000 : i32
      %add3A_17 = arith.addi %add3A_16, %mul3A_15 : i32
      %add3A_18 = arith.constant 0 : i32
      %add3A_19 = arith.addi %add3A_17, %add3A_18 : i32
      %dma_start3A_20 = tpu.memref_slice %arg4[%add3A_19] : memref<20480000xf32, #tpu.memory_space<hbm>> -> memref<8000xf32, #tpu.memory_space<hbm>>
      %dma_start3A_21 = tpu.memref_slice %arg4[%add3A_19] : memref<20480000xf32, #tpu.memory_space<hbm>> -> memref<8000xf32, #tpu.memory_space<hbm>>
      tpu.enqueue_dma source(%arg6 : memref<8000xf32, #tpu.memory_space<vmem>>) target(%dma_start3A_21 : memref<8000xf32, #tpu.memory_space<hbm>>) target_semaphore(%arg8 : memref<!tpu.dma_semaphore, #tpu.memory_space<semaphore_mem>>)
      %add3A_22 = arith.constant 8000 : i32
      %add3A_23 = arith.addi %add3A_17, %add3A_22 : i32
      %dma_start3A_24 = tpu.memref_slice %arg4[%add3A_23] : memref<20480000xf32, #tpu.memory_space<hbm>> -> memref<8000xf32, #tpu.memory_space<hbm>>
      %dma_start3A_25 = tpu.memref_slice %arg4[%add3A_23] : memref<20480000xf32, #tpu.memory_space<hbm>> -> memref<8000xf32, #tpu.memory_space<hbm>>
      tpu.enqueue_dma source(%arg6 : memref<8000xf32, #tpu.memory_space<vmem>>) target(%dma_start3A_25 : memref<8000xf32, #tpu.memory_space<hbm>>) target_semaphore(%arg8 : memref<!tpu.dma_semaphore, #tpu.memory_space<semaphore_mem>>)
      %add3A_26 = arith.constant 16000 : i32
      %add3A_27 = arith.addi %add3A_17, %add3A_26 : i32
      %dma_start3A_28 = tpu.memref_slice %arg4[%add3A_27] : memref<20480000xf32, #tpu.memory_space<hbm>> -> memref<8000xf32, #tpu.memory_space<hbm>>
      %dma_start3A_29 = tpu.memref_slice %arg4[%add3A_27] : memref<20480000xf32, #tpu.memory_space<hbm>> -> memref<8000xf32, #tpu.memory_space<hbm>>
      tpu.enqueue_dma source(%arg6 : memref<8000xf32, #tpu.memory_space<vmem>>) target(%dma_start3A_29 : memref<8000xf32, #tpu.memory_space<hbm>>) target_semaphore(%arg8 : memref<!tpu.dma_semaphore, #tpu.memory_space<semaphore_mem>>)
      %add3A_30 = arith.constant 24000 : i32
      %add3A_31 = arith.addi %add3A_17, %add3A_30 : i32
      %dma_start3A_32 = tpu.memref_slice %arg4[%add3A_31] : memref<20480000xf32, #tpu.memory_space<hbm>> -> memref<8000xf32, #tpu.memory_space<hbm>>
      %dma_start3A_33 = tpu.memref_slice %arg4[%add3A_31] : memref<20480000xf32, #tpu.memory_space<hbm>> -> memref<8000xf32, #tpu.memory_space<hbm>>
      tpu.enqueue_dma source(%arg6 : memref<8000xf32, #tpu.memory_space<vmem>>) target(%dma_start3A_33 : memref<8000xf32, #tpu.memory_space<hbm>>) target_semaphore(%arg8 : memref<!tpu.dma_semaphore, #tpu.memory_space<semaphore_mem>>)
      %add3A_34 = arith.constant 32000 : i32
      %add3A_35 = arith.addi %add3A_17, %add3A_34 : i32
      %dma_start3A_36 = tpu.memref_slice %arg4[%add3A_35] : memref<20480000xf32, #tpu.memory_space<hbm>> -> memref<8000xf32, #tpu.memory_space<hbm>>
      %dma_start3A_37 = tpu.memref_slice %arg4[%add3A_35] : memref<20480000xf32, #tpu.memory_space<hbm>> -> memref<8000xf32, #tpu.memory_space<hbm>>
      tpu.enqueue_dma source(%arg6 : memref<8000xf32, #tpu.memory_space<vmem>>) target(%dma_start3A_37 : memref<8000xf32, #tpu.memory_space<hbm>>) target_semaphore(%arg8 : memref<!tpu.dma_semaphore, #tpu.memory_space<semaphore_mem>>)
      %add3A_38 = arith.constant 40000 : i32
      %add3A_39 = arith.addi %add3A_17, %add3A_38 : i32
      %dma_start3A_40 = tpu.memref_slice %arg4[%add3A_39] : memref<20480000xf32, #tpu.memory_space<hbm>> -> memref<8000xf32, #tpu.memory_space<hbm>>
      %dma_start3A_41 = tpu.memref_slice %arg4[%add3A_39] : memref<20480000xf32, #tpu.memory_space<hbm>> -> memref<8000xf32, #tpu.memory_space<hbm>>
      tpu.enqueue_dma source(%arg6 : memref<8000xf32, #tpu.memory_space<vmem>>) target(%dma_start3A_41 : memref<8000xf32, #tpu.memory_space<hbm>>) target_semaphore(%arg8 : memref<!tpu.dma_semaphore, #tpu.memory_space<semaphore_mem>>)
      %add3A_42 = arith.constant 48000 : i32
      %add3A_43 = arith.addi %add3A_17, %add3A_42 : i32
      %dma_start3A_44 = tpu.memref_slice %arg4[%add3A_43] : memref<20480000xf32, #tpu.memory_space<hbm>> -> memref<8000xf32, #tpu.memory_space<hbm>>
      %dma_start3A_45 = tpu.memref_slice %arg4[%add3A_43] : memref<20480000xf32, #tpu.memory_space<hbm>> -> memref<8000xf32, #tpu.memory_space<hbm>>
      tpu.enqueue_dma source(%arg6 : memref<8000xf32, #tpu.memory_space<vmem>>) target(%dma_start3A_45 : memref<8000xf32, #tpu.memory_space<hbm>>) target_semaphore(%arg8 : memref<!tpu.dma_semaphore, #tpu.memory_space<semaphore_mem>>)
      %add3A_46 = arith.constant 56000 : i32
      %add3A_47 = arith.addi %add3A_17, %add3A_46 : i32
      %dma_start3A_48 = tpu.memref_slice %arg4[%add3A_47] : memref<20480000xf32, #tpu.memory_space<hbm>> -> memref<8000xf32, #tpu.memory_space<hbm>>
      %dma_start3A_49 = tpu.memref_slice %arg4[%add3A_47] : memref<20480000xf32, #tpu.memory_space<hbm>> -> memref<8000xf32, #tpu.memory_space<hbm>>
      tpu.enqueue_dma source(%arg6 : memref<8000xf32, #tpu.memory_space<vmem>>) target(%dma_start3A_49 : memref<8000xf32, #tpu.memory_space<hbm>>) target_semaphore(%arg8 : memref<!tpu.dma_semaphore, #tpu.memory_space<semaphore_mem>>)
      %add3A_50 = arith.constant 64000 : i32
      %add3A_51 = arith.addi %add3A_17, %add3A_50 : i32
      %dma_start3A_52 = tpu.memref_slice %arg4[%add3A_51] : memref<20480000xf32, #tpu.memory_space<hbm>> -> memref<8000xf32, #tpu.memory_space<hbm>>
      %dma_start3A_53 = tpu.memref_slice %arg4[%add3A_51] : memref<20480000xf32, #tpu.memory_space<hbm>> -> memref<8000xf32, #tpu.memory_space<hbm>>
      tpu.enqueue_dma source(%arg6 : memref<8000xf32, #tpu.memory_space<vmem>>) target(%dma_start3A_53 : memref<8000xf32, #tpu.memory_space<hbm>>) target_semaphore(%arg8 : memref<!tpu.dma_semaphore, #tpu.memory_space<semaphore_mem>>)
      %add3A_54 = arith.constant 72000 : i32
      %add3A_55 = arith.addi %add3A_17, %add3A_54 : i32
      %dma_start3A_56 = tpu.memref_slice %arg4[%add3A_55] : memref<20480000xf32, #tpu.memory_space<hbm>> -> memref<8000xf32, #tpu.memory_space<hbm>>
      %dma_start3A_57 = tpu.memref_slice %arg4[%add3A_55] : memref<20480000xf32, #tpu.memory_space<hbm>> -> memref<8000xf32, #tpu.memory_space<hbm>>
      tpu.enqueue_dma source(%arg6 : memref<8000xf32, #tpu.memory_space<vmem>>) target(%dma_start3A_57 : memref<8000xf32, #tpu.memory_space<hbm>>) target_semaphore(%arg8 : memref<!tpu.dma_semaphore, #tpu.memory_space<semaphore_mem>>)
      %add3A_58 = arith.constant 80000 : i32
      %add3A_59 = arith.addi %add3A_17, %add3A_58 : i32
      %dma_start3A_60 = tpu.memref_slice %arg4[%add3A_59] : memref<20480000xf32, #tpu.memory_space<hbm>> -> memref<8000xf32, #tpu.memory_space<hbm>>
      %dma_start3A_61 = tpu.memref_slice %arg4[%add3A_59] : memref<20480000xf32, #tpu.memory_space<hbm>> -> memref<8000xf32, #tpu.memory_space<hbm>>
      tpu.enqueue_dma source(%arg6 : memref<8000xf32, #tpu.memory_space<vmem>>) target(%dma_start3A_61 : memref<8000xf32, #tpu.memory_space<hbm>>) target_semaphore(%arg8 : memref<!tpu.dma_semaphore, #tpu.memory_space<semaphore_mem>>)
      %add3A_62 = arith.constant 88000 : i32
      %add3A_63 = arith.addi %add3A_17, %add3A_62 : i32
      %dma_start3A_64 = tpu.memref_slice %arg4[%add3A_63] : memref<20480000xf32, #tpu.memory_space<hbm>> -> memref<8000xf32, #tpu.memory_space<hbm>>
      %dma_start3A_65 = tpu.memref_slice %arg4[%add3A_63] : memref<20480000xf32, #tpu.memory_space<hbm>> -> memref<8000xf32, #tpu.memory_space<hbm>>
      tpu.enqueue_dma source(%arg6 : memref<8000xf32, #tpu.memory_space<vmem>>) target(%dma_start3A_65 : memref<8000xf32, #tpu.memory_space<hbm>>) target_semaphore(%arg8 : memref<!tpu.dma_semaphore, #tpu.memory_space<semaphore_mem>>)
      %add3A_66 = arith.constant 96000 : i32
      %add3A_67 = arith.addi %add3A_17, %add3A_66 : i32
      %dma_start3A_68 = tpu.memref_slice %arg4[%add3A_67] : memref<20480000xf32, #tpu.memory_space<hbm>> -> memref<8000xf32, #tpu.memory_space<hbm>>
      %dma_start3A_69 = tpu.memref_slice %arg4[%add3A_67] : memref<20480000xf32, #tpu.memory_space<hbm>> -> memref<8000xf32, #tpu.memory_space<hbm>>
      tpu.enqueue_dma source(%arg6 : memref<8000xf32, #tpu.memory_space<vmem>>) target(%dma_start3A_69 : memref<8000xf32, #tpu.memory_space<hbm>>) target_semaphore(%arg8 : memref<!tpu.dma_semaphore, #tpu.memory_space<semaphore_mem>>)
      %add3A_70 = arith.constant 104000 : i32
      %add3A_71 = arith.addi %add3A_17, %add3A_70 : i32
      %dma_start3A_72 = tpu.memref_slice %arg4[%add3A_71] : memref<20480000xf32, #tpu.memory_space<hbm>> -> memref<8000xf32, #tpu.memory_space<hbm>>
      %dma_start3A_73 = tpu.memref_slice %arg4[%add3A_71] : memref<20480000xf32, #tpu.memory_space<hbm>> -> memref<8000xf32, #tpu.memory_space<hbm>>
      tpu.enqueue_dma source(%arg6 : memref<8000xf32, #tpu.memory_space<vmem>>) target(%dma_start3A_73 : memref<8000xf32, #tpu.memory_space<hbm>>) target_semaphore(%arg8 : memref<!tpu.dma_semaphore, #tpu.memory_space<semaphore_mem>>)
      %add3A_74 = arith.constant 112000 : i32
      %add3A_75 = arith.addi %add3A_17, %add3A_74 : i32
      %dma_start3A_76 = tpu.memref_slice %arg4[%add3A_75] : memref<20480000xf32, #tpu.memory_space<hbm>> -> memref<8000xf32, #tpu.memory_space<hbm>>
      %dma_start3A_77 = tpu.memref_slice %arg4[%add3A_75] : memref<20480000xf32, #tpu.memory_space<hbm>> -> memref<8000xf32, #tpu.memory_space<hbm>>
      tpu.enqueue_dma source(%arg6 : memref<8000xf32, #tpu.memory_space<vmem>>) target(%dma_start3A_77 : memref<8000xf32, #tpu.memory_space<hbm>>) target_semaphore(%arg8 : memref<!tpu.dma_semaphore, #tpu.memory_space<semaphore_mem>>)
      %add3A_78 = arith.constant 120000 : i32
      %add3A_79 = arith.addi %add3A_17, %add3A_78 : i32
      %dma_start3A_80 = tpu.memref_slice %arg4[%add3A_79] : memref<20480000xf32, #tpu.memory_space<hbm>> -> memref<8000xf32, #tpu.memory_space<hbm>>
      %dma_start3A_81 = tpu.memref_slice %arg4[%add3A_79] : memref<20480000xf32, #tpu.memory_space<hbm>> -> memref<8000xf32, #tpu.memory_space<hbm>>
      tpu.enqueue_dma source(%arg6 : memref<8000xf32, #tpu.memory_space<vmem>>) target(%dma_start3A_81 : memref<8000xf32, #tpu.memory_space<hbm>>) target_semaphore(%arg8 : memref<!tpu.dma_semaphore, #tpu.memory_space<semaphore_mem>>)
      %add3A_82 = arith.constant 128000 : i32
      %add3A_83 = arith.addi %add3A_17, %add3A_82 : i32
      %dma_start3A_84 = tpu.memref_slice %arg4[%add3A_83] : memref<20480000xf32, #tpu.memory_space<hbm>> -> memref<8000xf32, #tpu.memory_space<hbm>>
      %dma_start3A_85 = tpu.memref_slice %arg4[%add3A_83] : memref<20480000xf32, #tpu.memory_space<hbm>> -> memref<8000xf32, #tpu.memory_space<hbm>>
      tpu.enqueue_dma source(%arg6 : memref<8000xf32, #tpu.memory_space<vmem>>) target(%dma_start3A_85 : memref<8000xf32, #tpu.memory_space<hbm>>) target_semaphore(%arg8 : memref<!tpu.dma_semaphore, #tpu.memory_space<semaphore_mem>>)
      %add3A_86 = arith.constant 136000 : i32
      %add3A_87 = arith.addi %add3A_17, %add3A_86 : i32
      %dma_start3A_88 = tpu.memref_slice %arg4[%add3A_87] : memref<20480000xf32, #tpu.memory_space<hbm>> -> memref<8000xf32, #tpu.memory_space<hbm>>
      %dma_start3A_89 = tpu.memref_slice %arg4[%add3A_87] : memref<20480000xf32, #tpu.memory_space<hbm>> -> memref<8000xf32, #tpu.memory_space<hbm>>
      tpu.enqueue_dma source(%arg6 : memref<8000xf32, #tpu.memory_space<vmem>>) target(%dma_start3A_89 : memref<8000xf32, #tpu.memory_space<hbm>>) target_semaphore(%arg8 : memref<!tpu.dma_semaphore, #tpu.memory_space<semaphore_mem>>)
      %add3A_90 = arith.constant 144000 : i32
      %add3A_91 = arith.addi %add3A_17, %add3A_90 : i32
      %dma_start3A_92 = tpu.memref_slice %arg4[%add3A_91] : memref<20480000xf32, #tpu.memory_space<hbm>> -> memref<8000xf32, #tpu.memory_space<hbm>>
      %dma_start3A_93 = tpu.memref_slice %arg4[%add3A_91] : memref<20480000xf32, #tpu.memory_space<hbm>> -> memref<8000xf32, #tpu.memory_space<hbm>>
      tpu.enqueue_dma source(%arg6 : memref<8000xf32, #tpu.memory_space<vmem>>) target(%dma_start3A_93 : memref<8000xf32, #tpu.memory_space<hbm>>) target_semaphore(%arg8 : memref<!tpu.dma_semaphore, #tpu.memory_space<semaphore_mem>>)
      %add3A_94 = arith.constant 152000 : i32
      %add3A_95 = arith.addi %add3A_17, %add3A_94 : i32
      %dma_start3A_96 = tpu.memref_slice %arg4[%add3A_95] : memref<20480000xf32, #tpu.memory_space<hbm>> -> memref<8000xf32, #tpu.memory_space<hbm>>
      %dma_start3A_97 = tpu.memref_slice %arg4[%add3A_95] : memref<20480000xf32, #tpu.memory_space<hbm>> -> memref<8000xf32, #tpu.memory_space<hbm>>
      tpu.enqueue_dma source(%arg6 : memref<8000xf32, #tpu.memory_space<vmem>>) target(%dma_start3A_97 : memref<8000xf32, #tpu.memory_space<hbm>>) target_semaphore(%arg8 : memref<!tpu.dma_semaphore, #tpu.memory_space<semaphore_mem>>)
      %add3A_98 = arith.constant 160000 : i32
      %add3A_99 = arith.addi %add3A_17, %add3A_98 : i32
      %dma_start3A_100 = tpu.memref_slice %arg4[%add3A_99] : memref<20480000xf32, #tpu.memory_space<hbm>> -> memref<8000xf32, #tpu.memory_space<hbm>>
      %dma_start3A_101 = tpu.memref_slice %arg4[%add3A_99] : memref<20480000xf32, #tpu.memory_space<hbm>> -> memref<8000xf32, #tpu.memory_space<hbm>>
      tpu.enqueue_dma source(%arg6 : memref<8000xf32, #tpu.memory_space<vmem>>) target(%dma_start3A_101 : memref<8000xf32, #tpu.memory_space<hbm>>) target_semaphore(%arg8 : memref<!tpu.dma_semaphore, #tpu.memory_space<semaphore_mem>>)
      %add3A_102 = arith.constant 168000 : i32
      %add3A_103 = arith.addi %add3A_17, %add3A_102 : i32
      %dma_start3A_104 = tpu.memref_slice %arg4[%add3A_103] : memref<20480000xf32, #tpu.memory_space<hbm>> -> memref<8000xf32, #tpu.memory_space<hbm>>
      %dma_start3A_105 = tpu.memref_slice %arg4[%add3A_103] : memref<20480000xf32, #tpu.memory_space<hbm>> -> memref<8000xf32, #tpu.memory_space<hbm>>
      tpu.enqueue_dma source(%arg6 : memref<8000xf32, #tpu.memory_space<vmem>>) target(%dma_start3A_105 : memref<8000xf32, #tpu.memory_space<hbm>>) target_semaphore(%arg8 : memref<!tpu.dma_semaphore, #tpu.memory_space<semaphore_mem>>)
      %add3A_106 = arith.constant 176000 : i32
      %add3A_107 = arith.addi %add3A_17, %add3A_106 : i32
      %dma_start3A_108 = tpu.memref_slice %arg4[%add3A_107] : memref<20480000xf32, #tpu.memory_space<hbm>> -> memref<8000xf32, #tpu.memory_space<hbm>>
      %dma_start3A_109 = tpu.memref_slice %arg4[%add3A_107] : memref<20480000xf32, #tpu.memory_space<hbm>> -> memref<8000xf32, #tpu.memory_space<hbm>>
      tpu.enqueue_dma source(%arg6 : memref<8000xf32, #tpu.memory_space<vmem>>) target(%dma_start3A_109 : memref<8000xf32, #tpu.memory_space<hbm>>) target_semaphore(%arg8 : memref<!tpu.dma_semaphore, #tpu.memory_space<semaphore_mem>>)
      %add3A_110 = arith.constant 184000 : i32
      %add3A_111 = arith.addi %add3A_17, %add3A_110 : i32
      %dma_start3A_112 = tpu.memref_slice %arg4[%add3A_111] : memref<20480000xf32, #tpu.memory_space<hbm>> -> memref<8000xf32, #tpu.memory_space<hbm>>
      %dma_start3A_113 = tpu.memref_slice %arg4[%add3A_111] : memref<20480000xf32, #tpu.memory_space<hbm>> -> memref<8000xf32, #tpu.memory_space<hbm>>
      tpu.enqueue_dma source(%arg6 : memref<8000xf32, #tpu.memory_space<vmem>>) target(%dma_start3A_113 : memref<8000xf32, #tpu.memory_space<hbm>>) target_semaphore(%arg8 : memref<!tpu.dma_semaphore, #tpu.memory_space<semaphore_mem>>)
      %add3A_114 = arith.constant 192000 : i32
      %add3A_115 = arith.addi %add3A_17, %add3A_114 : i32
      %dma_start3A_116 = tpu.memref_slice %arg4[%add3A_115] : memref<20480000xf32, #tpu.memory_space<hbm>> -> memref<8000xf32, #tpu.memory_space<hbm>>
      %dma_start3A_117 = tpu.memref_slice %arg4[%add3A_115] : memref<20480000xf32, #tpu.memory_space<hbm>> -> memref<8000xf32, #tpu.memory_space<hbm>>
      tpu.enqueue_dma source(%arg6 : memref<8000xf32, #tpu.memory_space<vmem>>) target(%dma_start3A_117 : memref<8000xf32, #tpu.memory_space<hbm>>) target_semaphore(%arg8 : memref<!tpu.dma_semaphore, #tpu.memory_space<semaphore_mem>>)
      %add3A_118 = arith.constant 200000 : i32
      %add3A_119 = arith.addi %add3A_17, %add3A_118 : i32
      %dma_start3A_120 = tpu.memref_slice %arg4[%add3A_119] : memref<20480000xf32, #tpu.memory_space<hbm>> -> memref<8000xf32, #tpu.memory_space<hbm>>
      %dma_start3A_121 = tpu.memref_slice %arg4[%add3A_119] : memref<20480000xf32, #tpu.memory_space<hbm>> -> memref<8000xf32, #tpu.memory_space<hbm>>
      tpu.enqueue_dma source(%arg6 : memref<8000xf32, #tpu.memory_space<vmem>>) target(%dma_start3A_121 : memref<8000xf32, #tpu.memory_space<hbm>>) target_semaphore(%arg8 : memref<!tpu.dma_semaphore, #tpu.memory_space<semaphore_mem>>)
      %add3A_122 = arith.constant 208000 : i32
      %add3A_123 = arith.addi %add3A_17, %add3A_122 : i32
      %dma_start3A_124 = tpu.memref_slice %arg4[%add3A_123] : memref<20480000xf32, #tpu.memory_space<hbm>> -> memref<8000xf32, #tpu.memory_space<hbm>>
      %dma_start3A_125 = tpu.memref_slice %arg4[%add3A_123] : memref<20480000xf32, #tpu.memory_space<hbm>> -> memref<8000xf32, #tpu.memory_space<hbm>>
      tpu.enqueue_dma source(%arg6 : memref<8000xf32, #tpu.memory_space<vmem>>) target(%dma_start3A_125 : memref<8000xf32, #tpu.memory_space<hbm>>) target_semaphore(%arg8 : memref<!tpu.dma_semaphore, #tpu.memory_space<semaphore_mem>>)
      %add3A_126 = arith.constant 216000 : i32
      %add3A_127 = arith.addi %add3A_17, %add3A_126 : i32
      %dma_start3A_128 = tpu.memref_slice %arg4[%add3A_127] : memref<20480000xf32, #tpu.memory_space<hbm>> -> memref<8000xf32, #tpu.memory_space<hbm>>
      %dma_start3A_129 = tpu.memref_slice %arg4[%add3A_127] : memref<20480000xf32, #tpu.memory_space<hbm>> -> memref<8000xf32, #tpu.memory_space<hbm>>
      tpu.enqueue_dma source(%arg6 : memref<8000xf32, #tpu.memory_space<vmem>>) target(%dma_start3A_129 : memref<8000xf32, #tpu.memory_space<hbm>>) target_semaphore(%arg8 : memref<!tpu.dma_semaphore, #tpu.memory_space<semaphore_mem>>)
      %add3A_130 = arith.constant 224000 : i32
      %add3A_131 = arith.addi %add3A_17, %add3A_130 : i32
      %dma_start3A_132 = tpu.memref_slice %arg4[%add3A_131] : memref<20480000xf32, #tpu.memory_space<hbm>> -> memref<8000xf32, #tpu.memory_space<hbm>>
      %dma_start3A_133 = tpu.memref_slice %arg4[%add3A_131] : memref<20480000xf32, #tpu.memory_space<hbm>> -> memref<8000xf32, #tpu.memory_space<hbm>>
      tpu.enqueue_dma source(%arg6 : memref<8000xf32, #tpu.memory_space<vmem>>) target(%dma_start3A_133 : memref<8000xf32, #tpu.memory_space<hbm>>) target_semaphore(%arg8 : memref<!tpu.dma_semaphore, #tpu.memory_space<semaphore_mem>>)
      %add3A_134 = arith.constant 232000 : i32
      %add3A_135 = arith.addi %add3A_17, %add3A_134 : i32
      %dma_start3A_136 = tpu.memref_slice %arg4[%add3A_135] : memref<20480000xf32, #tpu.memory_space<hbm>> -> memref<8000xf32, #tpu.memory_space<hbm>>
      %dma_start3A_137 = tpu.memref_slice %arg4[%add3A_135] : memref<20480000xf32, #tpu.memory_space<hbm>> -> memref<8000xf32, #tpu.memory_space<hbm>>
      tpu.enqueue_dma source(%arg6 : memref<8000xf32, #tpu.memory_space<vmem>>) target(%dma_start3A_137 : memref<8000xf32, #tpu.memory_space<hbm>>) target_semaphore(%arg8 : memref<!tpu.dma_semaphore, #tpu.memory_space<semaphore_mem>>)
      %add3A_138 = arith.constant 240000 : i32
      %add3A_139 = arith.addi %add3A_17, %add3A_138 : i32
      %dma_start3A_140 = tpu.memref_slice %arg4[%add3A_139] : memref<20480000xf32, #tpu.memory_space<hbm>> -> memref<8000xf32, #tpu.memory_space<hbm>>
      %dma_start3A_141 = tpu.memref_slice %arg4[%add3A_139] : memref<20480000xf32, #tpu.memory_space<hbm>> -> memref<8000xf32, #tpu.memory_space<hbm>>
      tpu.enqueue_dma source(%arg6 : memref<8000xf32, #tpu.memory_space<vmem>>) target(%dma_start3A_141 : memref<8000xf32, #tpu.memory_space<hbm>>) target_semaphore(%arg8 : memref<!tpu.dma_semaphore, #tpu.memory_space<semaphore_mem>>)
      %add3A_142 = arith.constant 248000 : i32
      %add3A_143 = arith.addi %add3A_17, %add3A_142 : i32
      %dma_start3A_144 = tpu.memref_slice %arg4[%add3A_143] : memref<20480000xf32, #tpu.memory_space<hbm>> -> memref<8000xf32, #tpu.memory_space<hbm>>
      %dma_start3A_145 = tpu.memref_slice %arg4[%add3A_143] : memref<20480000xf32, #tpu.memory_space<hbm>> -> memref<8000xf32, #tpu.memory_space<hbm>>
      tpu.enqueue_dma source(%arg6 : memref<8000xf32, #tpu.memory_space<vmem>>) target(%dma_start3A_145 : memref<8000xf32, #tpu.memory_space<hbm>>) target_semaphore(%arg8 : memref<!tpu.dma_semaphore, #tpu.memory_space<semaphore_mem>>)
      %add3A_146 = arith.constant 256000 : i32
      %add3A_147 = arith.addi %add3A_17, %add3A_146 : i32
      %dma_start3A_148 = tpu.memref_slice %arg4[%add3A_147] : memref<20480000xf32, #tpu.memory_space<hbm>> -> memref<8000xf32, #tpu.memory_space<hbm>>
      %dma_start3A_149 = tpu.memref_slice %arg4[%add3A_147] : memref<20480000xf32, #tpu.memory_space<hbm>> -> memref<8000xf32, #tpu.memory_space<hbm>>
      tpu.enqueue_dma source(%arg6 : memref<8000xf32, #tpu.memory_space<vmem>>) target(%dma_start3A_149 : memref<8000xf32, #tpu.memory_space<hbm>>) target_semaphore(%arg8 : memref<!tpu.dma_semaphore, #tpu.memory_space<semaphore_mem>>)
      %add3A_150 = arith.constant 264000 : i32
      %add3A_151 = arith.addi %add3A_17, %add3A_150 : i32
      %dma_start3A_152 = tpu.memref_slice %arg4[%add3A_151] : memref<20480000xf32, #tpu.memory_space<hbm>> -> memref<8000xf32, #tpu.memory_space<hbm>>
      %dma_start3A_153 = tpu.memref_slice %arg4[%add3A_151] : memref<20480000xf32, #tpu.memory_space<hbm>> -> memref<8000xf32, #tpu.memory_space<hbm>>
      tpu.enqueue_dma source(%arg6 : memref<8000xf32, #tpu.memory_space<vmem>>) target(%dma_start3A_153 : memref<8000xf32, #tpu.memory_space<hbm>>) target_semaphore(%arg8 : memref<!tpu.dma_semaphore, #tpu.memory_space<semaphore_mem>>)
      %add3A_154 = arith.constant 272000 : i32
      %add3A_155 = arith.addi %add3A_17, %add3A_154 : i32
      %dma_start3A_156 = tpu.memref_slice %arg4[%add3A_155] : memref<20480000xf32, #tpu.memory_space<hbm>> -> memref<8000xf32, #tpu.memory_space<hbm>>
      %dma_start3A_157 = tpu.memref_slice %arg4[%add3A_155] : memref<20480000xf32, #tpu.memory_space<hbm>> -> memref<8000xf32, #tpu.memory_space<hbm>>
      tpu.enqueue_dma source(%arg6 : memref<8000xf32, #tpu.memory_space<vmem>>) target(%dma_start3A_157 : memref<8000xf32, #tpu.memory_space<hbm>>) target_semaphore(%arg8 : memref<!tpu.dma_semaphore, #tpu.memory_space<semaphore_mem>>)
      %add3A_158 = arith.constant 280000 : i32
      %add3A_159 = arith.addi %add3A_17, %add3A_158 : i32
      %dma_start3A_160 = tpu.memref_slice %arg4[%add3A_159] : memref<20480000xf32, #tpu.memory_space<hbm>> -> memref<8000xf32, #tpu.memory_space<hbm>>
      %dma_start3A_161 = tpu.memref_slice %arg4[%add3A_159] : memref<20480000xf32, #tpu.memory_space<hbm>> -> memref<8000xf32, #tpu.memory_space<hbm>>
      tpu.enqueue_dma source(%arg6 : memref<8000xf32, #tpu.memory_space<vmem>>) target(%dma_start3A_161 : memref<8000xf32, #tpu.memory_space<hbm>>) target_semaphore(%arg8 : memref<!tpu.dma_semaphore, #tpu.memory_space<semaphore_mem>>)
      %add3A_162 = arith.constant 288000 : i32
      %add3A_163 = arith.addi %add3A_17, %add3A_162 : i32
      %dma_start3A_164 = tpu.memref_slice %arg4[%add3A_163] : memref<20480000xf32, #tpu.memory_space<hbm>> -> memref<8000xf32, #tpu.memory_space<hbm>>
      %dma_start3A_165 = tpu.memref_slice %arg4[%add3A_163] : memref<20480000xf32, #tpu.memory_space<hbm>> -> memref<8000xf32, #tpu.memory_space<hbm>>
      tpu.enqueue_dma source(%arg6 : memref<8000xf32, #tpu.memory_space<vmem>>) target(%dma_start3A_165 : memref<8000xf32, #tpu.memory_space<hbm>>) target_semaphore(%arg8 : memref<!tpu.dma_semaphore, #tpu.memory_space<semaphore_mem>>)
      %add3A_166 = arith.constant 296000 : i32
      %add3A_167 = arith.addi %add3A_17, %add3A_166 : i32
      %dma_start3A_168 = tpu.memref_slice %arg4[%add3A_167] : memref<20480000xf32, #tpu.memory_space<hbm>> -> memref<8000xf32, #tpu.memory_space<hbm>>
      %dma_start3A_169 = tpu.memref_slice %arg4[%add3A_167] : memref<20480000xf32, #tpu.memory_space<hbm>> -> memref<8000xf32, #tpu.memory_space<hbm>>
      tpu.enqueue_dma source(%arg6 : memref<8000xf32, #tpu.memory_space<vmem>>) target(%dma_start3A_169 : memref<8000xf32, #tpu.memory_space<hbm>>) target_semaphore(%arg8 : memref<!tpu.dma_semaphore, #tpu.memory_space<semaphore_mem>>)
      %add3A_170 = arith.constant 304000 : i32
      %add3A_171 = arith.addi %add3A_17, %add3A_170 : i32
      %dma_start3A_172 = tpu.memref_slice %arg4[%add3A_171] : memref<20480000xf32, #tpu.memory_space<hbm>> -> memref<8000xf32, #tpu.memory_space<hbm>>
      %dma_start3A_173 = tpu.memref_slice %arg4[%add3A_171] : memref<20480000xf32, #tpu.memory_space<hbm>> -> memref<8000xf32, #tpu.memory_space<hbm>>
      tpu.enqueue_dma source(%arg6 : memref<8000xf32, #tpu.memory_space<vmem>>) target(%dma_start3A_173 : memref<8000xf32, #tpu.memory_space<hbm>>) target_semaphore(%arg8 : memref<!tpu.dma_semaphore, #tpu.memory_space<semaphore_mem>>)
      %add3A_174 = arith.constant 312000 : i32
      %add3A_175 = arith.addi %add3A_17, %add3A_174 : i32
      %dma_start3A_176 = tpu.memref_slice %arg4[%add3A_175] : memref<20480000xf32, #tpu.memory_space<hbm>> -> memref<8000xf32, #tpu.memory_space<hbm>>
      %dma_start3A_177 = tpu.memref_slice %arg4[%add3A_175] : memref<20480000xf32, #tpu.memory_space<hbm>> -> memref<8000xf32, #tpu.memory_space<hbm>>
      tpu.enqueue_dma source(%arg6 : memref<8000xf32, #tpu.memory_space<vmem>>) target(%dma_start3A_177 : memref<8000xf32, #tpu.memory_space<hbm>>) target_semaphore(%arg8 : memref<!tpu.dma_semaphore, #tpu.memory_space<semaphore_mem>>)
      %add3A_178 = arith.constant 320000 : i32
      %add3A_179 = arith.addi %add3A_17, %add3A_178 : i32
      %dma_start3A_180 = tpu.memref_slice %arg4[%add3A_179] : memref<20480000xf32, #tpu.memory_space<hbm>> -> memref<8000xf32, #tpu.memory_space<hbm>>
      %dma_start3A_181 = tpu.memref_slice %arg4[%add3A_179] : memref<20480000xf32, #tpu.memory_space<hbm>> -> memref<8000xf32, #tpu.memory_space<hbm>>
      tpu.enqueue_dma source(%arg6 : memref<8000xf32, #tpu.memory_space<vmem>>) target(%dma_start3A_181 : memref<8000xf32, #tpu.memory_space<hbm>>) target_semaphore(%arg8 : memref<!tpu.dma_semaphore, #tpu.memory_space<semaphore_mem>>)
      %add3A_182 = arith.constant 328000 : i32
      %add3A_183 = arith.addi %add3A_17, %add3A_182 : i32
      %dma_start3A_184 = tpu.memref_slice %arg4[%add3A_183] : memref<20480000xf32, #tpu.memory_space<hbm>> -> memref<8000xf32, #tpu.memory_space<hbm>>
      %dma_start3A_185 = tpu.memref_slice %arg4[%add3A_183] : memref<20480000xf32, #tpu.memory_space<hbm>> -> memref<8000xf32, #tpu.memory_space<hbm>>
      tpu.enqueue_dma source(%arg6 : memref<8000xf32, #tpu.memory_space<vmem>>) target(%dma_start3A_185 : memref<8000xf32, #tpu.memory_space<hbm>>) target_semaphore(%arg8 : memref<!tpu.dma_semaphore, #tpu.memory_space<semaphore_mem>>)
      %add3A_186 = arith.constant 336000 : i32
      %add3A_187 = arith.addi %add3A_17, %add3A_186 : i32
      %dma_start3A_188 = tpu.memref_slice %arg4[%add3A_187] : memref<20480000xf32, #tpu.memory_space<hbm>> -> memref<8000xf32, #tpu.memory_space<hbm>>
      %dma_start3A_189 = tpu.memref_slice %arg4[%add3A_187] : memref<20480000xf32, #tpu.memory_space<hbm>> -> memref<8000xf32, #tpu.memory_space<hbm>>
      tpu.enqueue_dma source(%arg6 : memref<8000xf32, #tpu.memory_space<vmem>>) target(%dma_start3A_189 : memref<8000xf32, #tpu.memory_space<hbm>>) target_semaphore(%arg8 : memref<!tpu.dma_semaphore, #tpu.memory_space<semaphore_mem>>)
      %add3A_190 = arith.constant 344000 : i32
      %add3A_191 = arith.addi %add3A_17, %add3A_190 : i32
      %dma_start3A_192 = tpu.memref_slice %arg4[%add3A_191] : memref<20480000xf32, #tpu.memory_space<hbm>> -> memref<8000xf32, #tpu.memory_space<hbm>>
      %dma_start3A_193 = tpu.memref_slice %arg4[%add3A_191] : memref<20480000xf32, #tpu.memory_space<hbm>> -> memref<8000xf32, #tpu.memory_space<hbm>>
      tpu.enqueue_dma source(%arg6 : memref<8000xf32, #tpu.memory_space<vmem>>) target(%dma_start3A_193 : memref<8000xf32, #tpu.memory_space<hbm>>) target_semaphore(%arg8 : memref<!tpu.dma_semaphore, #tpu.memory_space<semaphore_mem>>)
      %add3A_194 = arith.constant 352000 : i32
      %add3A_195 = arith.addi %add3A_17, %add3A_194 : i32
      %dma_start3A_196 = tpu.memref_slice %arg4[%add3A_195] : memref<20480000xf32, #tpu.memory_space<hbm>> -> memref<8000xf32, #tpu.memory_space<hbm>>
      %dma_start3A_197 = tpu.memref_slice %arg4[%add3A_195] : memref<20480000xf32, #tpu.memory_space<hbm>> -> memref<8000xf32, #tpu.memory_space<hbm>>
      tpu.enqueue_dma source(%arg6 : memref<8000xf32, #tpu.memory_space<vmem>>) target(%dma_start3A_197 : memref<8000xf32, #tpu.memory_space<hbm>>) target_semaphore(%arg8 : memref<!tpu.dma_semaphore, #tpu.memory_space<semaphore_mem>>)
      %add3A_198 = arith.constant 360000 : i32
      %add3A_199 = arith.addi %add3A_17, %add3A_198 : i32
      %dma_start3A_200 = tpu.memref_slice %arg4[%add3A_199] : memref<20480000xf32, #tpu.memory_space<hbm>> -> memref<8000xf32, #tpu.memory_space<hbm>>
      %dma_start3A_201 = tpu.memref_slice %arg4[%add3A_199] : memref<20480000xf32, #tpu.memory_space<hbm>> -> memref<8000xf32, #tpu.memory_space<hbm>>
      tpu.enqueue_dma source(%arg6 : memref<8000xf32, #tpu.memory_space<vmem>>) target(%dma_start3A_201 : memref<8000xf32, #tpu.memory_space<hbm>>) target_semaphore(%arg8 : memref<!tpu.dma_semaphore, #tpu.memory_space<semaphore_mem>>)
      %add3A_202 = arith.constant 368000 : i32
      %add3A_203 = arith.addi %add3A_17, %add3A_202 : i32
      %dma_start3A_204 = tpu.memref_slice %arg4[%add3A_203] : memref<20480000xf32, #tpu.memory_space<hbm>> -> memref<8000xf32, #tpu.memory_space<hbm>>
      %dma_start3A_205 = tpu.memref_slice %arg4[%add3A_203] : memref<20480000xf32, #tpu.memory_space<hbm>> -> memref<8000xf32, #tpu.memory_space<hbm>>
      tpu.enqueue_dma source(%arg6 : memref<8000xf32, #tpu.memory_space<vmem>>) target(%dma_start3A_205 : memref<8000xf32, #tpu.memory_space<hbm>>) target_semaphore(%arg8 : memref<!tpu.dma_semaphore, #tpu.memory_space<semaphore_mem>>)
      %add3A_206 = arith.constant 376000 : i32
      %add3A_207 = arith.addi %add3A_17, %add3A_206 : i32
      %dma_start3A_208 = tpu.memref_slice %arg4[%add3A_207] : memref<20480000xf32, #tpu.memory_space<hbm>> -> memref<8000xf32, #tpu.memory_space<hbm>>
      %dma_start3A_209 = tpu.memref_slice %arg4[%add3A_207] : memref<20480000xf32, #tpu.memory_space<hbm>> -> memref<8000xf32, #tpu.memory_space<hbm>>
      tpu.enqueue_dma source(%arg6 : memref<8000xf32, #tpu.memory_space<vmem>>) target(%dma_start3A_209 : memref<8000xf32, #tpu.memory_space<hbm>>) target_semaphore(%arg8 : memref<!tpu.dma_semaphore, #tpu.memory_space<semaphore_mem>>)
      %add3A_210 = arith.constant 384000 : i32
      %add3A_211 = arith.addi %add3A_17, %add3A_210 : i32
      %dma_start3A_212 = tpu.memref_slice %arg4[%add3A_211] : memref<20480000xf32, #tpu.memory_space<hbm>> -> memref<8000xf32, #tpu.memory_space<hbm>>
      %dma_start3A_213 = tpu.memref_slice %arg4[%add3A_211] : memref<20480000xf32, #tpu.memory_space<hbm>> -> memref<8000xf32, #tpu.memory_space<hbm>>
      tpu.enqueue_dma source(%arg6 : memref<8000xf32, #tpu.memory_space<vmem>>) target(%dma_start3A_213 : memref<8000xf32, #tpu.memory_space<hbm>>) target_semaphore(%arg8 : memref<!tpu.dma_semaphore, #tpu.memory_space<semaphore_mem>>)
      %add3A_214 = arith.constant 392000 : i32
      %add3A_215 = arith.addi %add3A_17, %add3A_214 : i32
      %dma_start3A_216 = tpu.memref_slice %arg4[%add3A_215] : memref<20480000xf32, #tpu.memory_space<hbm>> -> memref<8000xf32, #tpu.memory_space<hbm>>
      %dma_start3A_217 = tpu.memref_slice %arg4[%add3A_215] : memref<20480000xf32, #tpu.memory_space<hbm>> -> memref<8000xf32, #tpu.memory_space<hbm>>
      tpu.enqueue_dma source(%arg6 : memref<8000xf32, #tpu.memory_space<vmem>>) target(%dma_start3A_217 : memref<8000xf32, #tpu.memory_space<hbm>>) target_semaphore(%arg8 : memref<!tpu.dma_semaphore, #tpu.memory_space<semaphore_mem>>)
      %add3A_218 = arith.constant 400000 : i32
      %add3A_219 = arith.addi %add3A_17, %add3A_218 : i32
      %dma_start3A_220 = tpu.memref_slice %arg4[%add3A_219] : memref<20480000xf32, #tpu.memory_space<hbm>> -> memref<8000xf32, #tpu.memory_space<hbm>>
      %dma_start3A_221 = tpu.memref_slice %arg4[%add3A_219] : memref<20480000xf32, #tpu.memory_space<hbm>> -> memref<8000xf32, #tpu.memory_space<hbm>>
      tpu.enqueue_dma source(%arg6 : memref<8000xf32, #tpu.memory_space<vmem>>) target(%dma_start3A_221 : memref<8000xf32, #tpu.memory_space<hbm>>) target_semaphore(%arg8 : memref<!tpu.dma_semaphore, #tpu.memory_space<semaphore_mem>>)
      %add3A_222 = arith.constant 408000 : i32
      %add3A_223 = arith.addi %add3A_17, %add3A_222 : i32
      %dma_start3A_224 = tpu.memref_slice %arg4[%add3A_223] : memref<20480000xf32, #tpu.memory_space<hbm>> -> memref<8000xf32, #tpu.memory_space<hbm>>
      %dma_start3A_225 = tpu.memref_slice %arg4[%add3A_223] : memref<20480000xf32, #tpu.memory_space<hbm>> -> memref<8000xf32, #tpu.memory_space<hbm>>
      tpu.enqueue_dma source(%arg6 : memref<8000xf32, #tpu.memory_space<vmem>>) target(%dma_start3A_225 : memref<8000xf32, #tpu.memory_space<hbm>>) target_semaphore(%arg8 : memref<!tpu.dma_semaphore, #tpu.memory_space<semaphore_mem>>)
      %add3A_226 = arith.constant 416000 : i32
      %add3A_227 = arith.addi %add3A_17, %add3A_226 : i32
      %dma_start3A_228 = tpu.memref_slice %arg4[%add3A_227] : memref<20480000xf32, #tpu.memory_space<hbm>> -> memref<8000xf32, #tpu.memory_space<hbm>>
      %dma_start3A_229 = tpu.memref_slice %arg4[%add3A_227] : memref<20480000xf32, #tpu.memory_space<hbm>> -> memref<8000xf32, #tpu.memory_space<hbm>>
      tpu.enqueue_dma source(%arg6 : memref<8000xf32, #tpu.memory_space<vmem>>) target(%dma_start3A_229 : memref<8000xf32, #tpu.memory_space<hbm>>) target_semaphore(%arg8 : memref<!tpu.dma_semaphore, #tpu.memory_space<semaphore_mem>>)
      %add3A_230 = arith.constant 424000 : i32
      %add3A_231 = arith.addi %add3A_17, %add3A_230 : i32
      %dma_start3A_232 = tpu.memref_slice %arg4[%add3A_231] : memref<20480000xf32, #tpu.memory_space<hbm>> -> memref<8000xf32, #tpu.memory_space<hbm>>
      %dma_start3A_233 = tpu.memref_slice %arg4[%add3A_231] : memref<20480000xf32, #tpu.memory_space<hbm>> -> memref<8000xf32, #tpu.memory_space<hbm>>
      tpu.enqueue_dma source(%arg6 : memref<8000xf32, #tpu.memory_space<vmem>>) target(%dma_start3A_233 : memref<8000xf32, #tpu.memory_space<hbm>>) target_semaphore(%arg8 : memref<!tpu.dma_semaphore, #tpu.memory_space<semaphore_mem>>)
      %add3A_234 = arith.constant 432000 : i32
      %add3A_235 = arith.addi %add3A_17, %add3A_234 : i32
      %dma_start3A_236 = tpu.memref_slice %arg4[%add3A_235] : memref<20480000xf32, #tpu.memory_space<hbm>> -> memref<8000xf32, #tpu.memory_space<hbm>>
      %dma_start3A_237 = tpu.memref_slice %arg4[%add3A_235] : memref<20480000xf32, #tpu.memory_space<hbm>> -> memref<8000xf32, #tpu.memory_space<hbm>>
      tpu.enqueue_dma source(%arg6 : memref<8000xf32, #tpu.memory_space<vmem>>) target(%dma_start3A_237 : memref<8000xf32, #tpu.memory_space<hbm>>) target_semaphore(%arg8 : memref<!tpu.dma_semaphore, #tpu.memory_space<semaphore_mem>>)
      %add3A_238 = arith.constant 440000 : i32
      %add3A_239 = arith.addi %add3A_17, %add3A_238 : i32
      %dma_start3A_240 = tpu.memref_slice %arg4[%add3A_239] : memref<20480000xf32, #tpu.memory_space<hbm>> -> memref<8000xf32, #tpu.memory_space<hbm>>
      %dma_start3A_241 = tpu.memref_slice %arg4[%add3A_239] : memref<20480000xf32, #tpu.memory_space<hbm>> -> memref<8000xf32, #tpu.memory_space<hbm>>
      tpu.enqueue_dma source(%arg6 : memref<8000xf32, #tpu.memory_space<vmem>>) target(%dma_start3A_241 : memref<8000xf32, #tpu.memory_space<hbm>>) target_semaphore(%arg8 : memref<!tpu.dma_semaphore, #tpu.memory_space<semaphore_mem>>)
      %add3A_242 = arith.constant 448000 : i32
      %add3A_243 = arith.addi %add3A_17, %add3A_242 : i32
      %dma_start3A_244 = tpu.memref_slice %arg4[%add3A_243] : memref<20480000xf32, #tpu.memory_space<hbm>> -> memref<8000xf32, #tpu.memory_space<hbm>>
      %dma_start3A_245 = tpu.memref_slice %arg4[%add3A_243] : memref<20480000xf32, #tpu.memory_space<hbm>> -> memref<8000xf32, #tpu.memory_space<hbm>>
      tpu.enqueue_dma source(%arg6 : memref<8000xf32, #tpu.memory_space<vmem>>) target(%dma_start3A_245 : memref<8000xf32, #tpu.memory_space<hbm>>) target_semaphore(%arg8 : memref<!tpu.dma_semaphore, #tpu.memory_space<semaphore_mem>>)
      %add3A_246 = arith.constant 456000 : i32
      %add3A_247 = arith.addi %add3A_17, %add3A_246 : i32
      %dma_start3A_248 = tpu.memref_slice %arg4[%add3A_247] : memref<20480000xf32, #tpu.memory_space<hbm>> -> memref<8000xf32, #tpu.memory_space<hbm>>
      %dma_start3A_249 = tpu.memref_slice %arg4[%add3A_247] : memref<20480000xf32, #tpu.memory_space<hbm>> -> memref<8000xf32, #tpu.memory_space<hbm>>
      tpu.enqueue_dma source(%arg6 : memref<8000xf32, #tpu.memory_space<vmem>>) target(%dma_start3A_249 : memref<8000xf32, #tpu.memory_space<hbm>>) target_semaphore(%arg8 : memref<!tpu.dma_semaphore, #tpu.memory_space<semaphore_mem>>)
      %add3A_250 = arith.constant 464000 : i32
      %add3A_251 = arith.addi %add3A_17, %add3A_250 : i32
      %dma_start3A_252 = tpu.memref_slice %arg4[%add3A_251] : memref<20480000xf32, #tpu.memory_space<hbm>> -> memref<8000xf32, #tpu.memory_space<hbm>>
      %dma_start3A_253 = tpu.memref_slice %arg4[%add3A_251] : memref<20480000xf32, #tpu.memory_space<hbm>> -> memref<8000xf32, #tpu.memory_space<hbm>>
      tpu.enqueue_dma source(%arg6 : memref<8000xf32, #tpu.memory_space<vmem>>) target(%dma_start3A_253 : memref<8000xf32, #tpu.memory_space<hbm>>) target_semaphore(%arg8 : memref<!tpu.dma_semaphore, #tpu.memory_space<semaphore_mem>>)
      %add3A_254 = arith.constant 472000 : i32
      %add3A_255 = arith.addi %add3A_17, %add3A_254 : i32
      %dma_start3A_256 = tpu.memref_slice %arg4[%add3A_255] : memref<20480000xf32, #tpu.memory_space<hbm>> -> memref<8000xf32, #tpu.memory_space<hbm>>
      %dma_start3A_257 = tpu.memref_slice %arg4[%add3A_255] : memref<20480000xf32, #tpu.memory_space<hbm>> -> memref<8000xf32, #tpu.memory_space<hbm>>
      tpu.enqueue_dma source(%arg6 : memref<8000xf32, #tpu.memory_space<vmem>>) target(%dma_start3A_257 : memref<8000xf32, #tpu.memory_space<hbm>>) target_semaphore(%arg8 : memref<!tpu.dma_semaphore, #tpu.memory_space<semaphore_mem>>)
      %add3A_258 = arith.constant 480000 : i32
      %add3A_259 = arith.addi %add3A_17, %add3A_258 : i32
      %dma_start3A_260 = tpu.memref_slice %arg4[%add3A_259] : memref<20480000xf32, #tpu.memory_space<hbm>> -> memref<8000xf32, #tpu.memory_space<hbm>>
      %dma_start3A_261 = tpu.memref_slice %arg4[%add3A_259] : memref<20480000xf32, #tpu.memory_space<hbm>> -> memref<8000xf32, #tpu.memory_space<hbm>>
      tpu.enqueue_dma source(%arg6 : memref<8000xf32, #tpu.memory_space<vmem>>) target(%dma_start3A_261 : memref<8000xf32, #tpu.memory_space<hbm>>) target_semaphore(%arg8 : memref<!tpu.dma_semaphore, #tpu.memory_space<semaphore_mem>>)
      %add3A_262 = arith.constant 488000 : i32
      %add3A_263 = arith.addi %add3A_17, %add3A_262 : i32
      %dma_start3A_264 = tpu.memref_slice %arg4[%add3A_263] : memref<20480000xf32, #tpu.memory_space<hbm>> -> memref<8000xf32, #tpu.memory_space<hbm>>
      %dma_start3A_265 = tpu.memref_slice %arg4[%add3A_263] : memref<20480000xf32, #tpu.memory_space<hbm>> -> memref<8000xf32, #tpu.memory_space<hbm>>
      tpu.enqueue_dma source(%arg6 : memref<8000xf32, #tpu.memory_space<vmem>>) target(%dma_start3A_265 : memref<8000xf32, #tpu.memory_space<hbm>>) target_semaphore(%arg8 : memref<!tpu.dma_semaphore, #tpu.memory_space<semaphore_mem>>)
      %add3A_266 = arith.constant 496000 : i32
      %add3A_267 = arith.addi %add3A_17, %add3A_266 : i32
      %dma_start3A_268 = tpu.memref_slice %arg4[%add3A_267] : memref<20480000xf32, #tpu.memory_space<hbm>> -> memref<8000xf32, #tpu.memory_space<hbm>>
      %dma_start3A_269 = tpu.memref_slice %arg4[%add3A_267] : memref<20480000xf32, #tpu.memory_space<hbm>> -> memref<8000xf32, #tpu.memory_space<hbm>>
      tpu.enqueue_dma source(%arg6 : memref<8000xf32, #tpu.memory_space<vmem>>) target(%dma_start3A_269 : memref<8000xf32, #tpu.memory_space<hbm>>) target_semaphore(%arg8 : memref<!tpu.dma_semaphore, #tpu.memory_space<semaphore_mem>>)
      %add3A_270 = arith.constant 504000 : i32
      %add3A_271 = arith.addi %add3A_17, %add3A_270 : i32
      %dma_start3A_272 = tpu.memref_slice %arg4[%add3A_271] : memref<20480000xf32, #tpu.memory_space<hbm>> -> memref<8000xf32, #tpu.memory_space<hbm>>
      %dma_start3A_273 = tpu.memref_slice %arg4[%add3A_271] : memref<20480000xf32, #tpu.memory_space<hbm>> -> memref<8000xf32, #tpu.memory_space<hbm>>
      tpu.enqueue_dma source(%arg6 : memref<8000xf32, #tpu.memory_space<vmem>>) target(%dma_start3A_273 : memref<8000xf32, #tpu.memory_space<hbm>>) target_semaphore(%arg8 : memref<!tpu.dma_semaphore, #tpu.memory_space<semaphore_mem>>)
      %add3A_274 = arith.constant 512000 : i32
      %add3A_275 = arith.addi %add3A_17, %add3A_274 : i32
      %dma_start3A_276 = tpu.memref_slice %arg4[%add3A_275] : memref<20480000xf32, #tpu.memory_space<hbm>> -> memref<8000xf32, #tpu.memory_space<hbm>>
      %dma_start3A_277 = tpu.memref_slice %arg4[%add3A_275] : memref<20480000xf32, #tpu.memory_space<hbm>> -> memref<8000xf32, #tpu.memory_space<hbm>>
      tpu.enqueue_dma source(%arg6 : memref<8000xf32, #tpu.memory_space<vmem>>) target(%dma_start3A_277 : memref<8000xf32, #tpu.memory_space<hbm>>) target_semaphore(%arg8 : memref<!tpu.dma_semaphore, #tpu.memory_space<semaphore_mem>>)
      %add3A_278 = arith.constant 520000 : i32
      %add3A_279 = arith.addi %add3A_17, %add3A_278 : i32
      %dma_start3A_280 = tpu.memref_slice %arg4[%add3A_279] : memref<20480000xf32, #tpu.memory_space<hbm>> -> memref<8000xf32, #tpu.memory_space<hbm>>
      %dma_start3A_281 = tpu.memref_slice %arg4[%add3A_279] : memref<20480000xf32, #tpu.memory_space<hbm>> -> memref<8000xf32, #tpu.memory_space<hbm>>
      tpu.enqueue_dma source(%arg6 : memref<8000xf32, #tpu.memory_space<vmem>>) target(%dma_start3A_281 : memref<8000xf32, #tpu.memory_space<hbm>>) target_semaphore(%arg8 : memref<!tpu.dma_semaphore, #tpu.memory_space<semaphore_mem>>)
      %add3A_282 = arith.constant 528000 : i32
      %add3A_283 = arith.addi %add3A_17, %add3A_282 : i32
      %dma_start3A_284 = tpu.memref_slice %arg4[%add3A_283] : memref<20480000xf32, #tpu.memory_space<hbm>> -> memref<8000xf32, #tpu.memory_space<hbm>>
      %dma_start3A_285 = tpu.memref_slice %arg4[%add3A_283] : memref<20480000xf32, #tpu.memory_space<hbm>> -> memref<8000xf32, #tpu.memory_space<hbm>>
      tpu.enqueue_dma source(%arg6 : memref<8000xf32, #tpu.memory_space<vmem>>) target(%dma_start3A_285 : memref<8000xf32, #tpu.memory_space<hbm>>) target_semaphore(%arg8 : memref<!tpu.dma_semaphore, #tpu.memory_space<semaphore_mem>>)
      %add3A_286 = arith.constant 536000 : i32
      %add3A_287 = arith.addi %add3A_17, %add3A_286 : i32
      %dma_start3A_288 = tpu.memref_slice %arg4[%add3A_287] : memref<20480000xf32, #tpu.memory_space<hbm>> -> memref<8000xf32, #tpu.memory_space<hbm>>
      %dma_start3A_289 = tpu.memref_slice %arg4[%add3A_287] : memref<20480000xf32, #tpu.memory_space<hbm>> -> memref<8000xf32, #tpu.memory_space<hbm>>
      tpu.enqueue_dma source(%arg6 : memref<8000xf32, #tpu.memory_space<vmem>>) target(%dma_start3A_289 : memref<8000xf32, #tpu.memory_space<hbm>>) target_semaphore(%arg8 : memref<!tpu.dma_semaphore, #tpu.memory_space<semaphore_mem>>)
      %add3A_290 = arith.constant 544000 : i32
      %add3A_291 = arith.addi %add3A_17, %add3A_290 : i32
      %dma_start3A_292 = tpu.memref_slice %arg4[%add3A_291] : memref<20480000xf32, #tpu.memory_space<hbm>> -> memref<8000xf32, #tpu.memory_space<hbm>>
      %dma_start3A_293 = tpu.memref_slice %arg4[%add3A_291] : memref<20480000xf32, #tpu.memory_space<hbm>> -> memref<8000xf32, #tpu.memory_space<hbm>>
      tpu.enqueue_dma source(%arg6 : memref<8000xf32, #tpu.memory_space<vmem>>) target(%dma_start3A_293 : memref<8000xf32, #tpu.memory_space<hbm>>) target_semaphore(%arg8 : memref<!tpu.dma_semaphore, #tpu.memory_space<semaphore_mem>>)
      %add3A_294 = arith.constant 552000 : i32
      %add3A_295 = arith.addi %add3A_17, %add3A_294 : i32
      %dma_start3A_296 = tpu.memref_slice %arg4[%add3A_295] : memref<20480000xf32, #tpu.memory_space<hbm>> -> memref<8000xf32, #tpu.memory_space<hbm>>
      %dma_start3A_297 = tpu.memref_slice %arg4[%add3A_295] : memref<20480000xf32, #tpu.memory_space<hbm>> -> memref<8000xf32, #tpu.memory_space<hbm>>
      tpu.enqueue_dma source(%arg6 : memref<8000xf32, #tpu.memory_space<vmem>>) target(%dma_start3A_297 : memref<8000xf32, #tpu.memory_space<hbm>>) target_semaphore(%arg8 : memref<!tpu.dma_semaphore, #tpu.memory_space<semaphore_mem>>)
      %add3A_298 = arith.constant 560000 : i32
      %add3A_299 = arith.addi %add3A_17, %add3A_298 : i32
      %dma_start3A_300 = tpu.memref_slice %arg4[%add3A_299] : memref<20480000xf32, #tpu.memory_space<hbm>> -> memref<8000xf32, #tpu.memory_space<hbm>>
      %dma_start3A_301 = tpu.memref_slice %arg4[%add3A_299] : memref<20480000xf32, #tpu.memory_space<hbm>> -> memref<8000xf32, #tpu.memory_space<hbm>>
      tpu.enqueue_dma source(%arg6 : memref<8000xf32, #tpu.memory_space<vmem>>) target(%dma_start3A_301 : memref<8000xf32, #tpu.memory_space<hbm>>) target_semaphore(%arg8 : memref<!tpu.dma_semaphore, #tpu.memory_space<semaphore_mem>>)
      %add3A_302 = arith.constant 568000 : i32
      %add3A_303 = arith.addi %add3A_17, %add3A_302 : i32
      %dma_start3A_304 = tpu.memref_slice %arg4[%add3A_303] : memref<20480000xf32, #tpu.memory_space<hbm>> -> memref<8000xf32, #tpu.memory_space<hbm>>
      %dma_start3A_305 = tpu.memref_slice %arg4[%add3A_303] : memref<20480000xf32, #tpu.memory_space<hbm>> -> memref<8000xf32, #tpu.memory_space<hbm>>
      tpu.enqueue_dma source(%arg6 : memref<8000xf32, #tpu.memory_space<vmem>>) target(%dma_start3A_305 : memref<8000xf32, #tpu.memory_space<hbm>>) target_semaphore(%arg8 : memref<!tpu.dma_semaphore, #tpu.memory_space<semaphore_mem>>)
      %dma_wait3A_306 = tpu.memref_slice %arg4[%add3A_19] : memref<20480000xf32, #tpu.memory_space<hbm>> -> memref<8000xf32, #tpu.memory_space<hbm>>
      %dma_wait3A_307 = tpu.memref_slice %arg4[%add3A_19] : memref<20480000xf32, #tpu.memory_space<hbm>> -> memref<8000xf32, #tpu.memory_space<hbm>>
      tpu.wait_dma2 semaphore(%arg8 : memref<!tpu.dma_semaphore, #tpu.memory_space<semaphore_mem>>) src(%arg6 : memref<8000xf32, #tpu.memory_space<vmem>>) dst(%dma_wait3A_307 : memref<8000xf32, #tpu.memory_space<hbm>>)
      %dma_wait3A_308 = tpu.memref_slice %arg4[%add3A_23] : memref<20480000xf32, #tpu.memory_space<hbm>> -> memref<8000xf32, #tpu.memory_space<hbm>>
      %dma_wait3A_309 = tpu.memref_slice %arg4[%add3A_23] : memref<20480000xf32, #tpu.memory_space<hbm>> -> memref<8000xf32, #tpu.memory_space<hbm>>
      tpu.wait_dma2 semaphore(%arg8 : memref<!tpu.dma_semaphore, #tpu.memory_space<semaphore_mem>>) src(%arg6 : memref<8000xf32, #tpu.memory_space<vmem>>) dst(%dma_wait3A_309 : memref<8000xf32, #tpu.memory_space<hbm>>)
      %dma_wait3A_310 = tpu.memref_slice %arg4[%add3A_27] : memref<20480000xf32, #tpu.memory_space<hbm>> -> memref<8000xf32, #tpu.memory_space<hbm>>
      %dma_wait3A_311 = tpu.memref_slice %arg4[%add3A_27] : memref<20480000xf32, #tpu.memory_space<hbm>> -> memref<8000xf32, #tpu.memory_space<hbm>>
      tpu.wait_dma2 semaphore(%arg8 : memref<!tpu.dma_semaphore, #tpu.memory_space<semaphore_mem>>) src(%arg6 : memref<8000xf32, #tpu.memory_space<vmem>>) dst(%dma_wait3A_311 : memref<8000xf32, #tpu.memory_space<hbm>>)
      %dma_wait3A_312 = tpu.memref_slice %arg4[%add3A_31] : memref<20480000xf32, #tpu.memory_space<hbm>> -> memref<8000xf32, #tpu.memory_space<hbm>>
      %dma_wait3A_313 = tpu.memref_slice %arg4[%add3A_31] : memref<20480000xf32, #tpu.memory_space<hbm>> -> memref<8000xf32, #tpu.memory_space<hbm>>
      tpu.wait_dma2 semaphore(%arg8 : memref<!tpu.dma_semaphore, #tpu.memory_space<semaphore_mem>>) src(%arg6 : memref<8000xf32, #tpu.memory_space<vmem>>) dst(%dma_wait3A_313 : memref<8000xf32, #tpu.memory_space<hbm>>)
      %dma_wait3A_314 = tpu.memref_slice %arg4[%add3A_35] : memref<20480000xf32, #tpu.memory_space<hbm>> -> memref<8000xf32, #tpu.memory_space<hbm>>
      %dma_wait3A_315 = tpu.memref_slice %arg4[%add3A_35] : memref<20480000xf32, #tpu.memory_space<hbm>> -> memref<8000xf32, #tpu.memory_space<hbm>>
      tpu.wait_dma2 semaphore(%arg8 : memref<!tpu.dma_semaphore, #tpu.memory_space<semaphore_mem>>) src(%arg6 : memref<8000xf32, #tpu.memory_space<vmem>>) dst(%dma_wait3A_315 : memref<8000xf32, #tpu.memory_space<hbm>>)
      %dma_wait3A_316 = tpu.memref_slice %arg4[%add3A_39] : memref<20480000xf32, #tpu.memory_space<hbm>> -> memref<8000xf32, #tpu.memory_space<hbm>>
      %dma_wait3A_317 = tpu.memref_slice %arg4[%add3A_39] : memref<20480000xf32, #tpu.memory_space<hbm>> -> memref<8000xf32, #tpu.memory_space<hbm>>
      tpu.wait_dma2 semaphore(%arg8 : memref<!tpu.dma_semaphore, #tpu.memory_space<semaphore_mem>>) src(%arg6 : memref<8000xf32, #tpu.memory_space<vmem>>) dst(%dma_wait3A_317 : memref<8000xf32, #tpu.memory_space<hbm>>)
      %dma_wait3A_318 = tpu.memref_slice %arg4[%add3A_43] : memref<20480000xf32, #tpu.memory_space<hbm>> -> memref<8000xf32, #tpu.memory_space<hbm>>
      %dma_wait3A_319 = tpu.memref_slice %arg4[%add3A_43] : memref<20480000xf32, #tpu.memory_space<hbm>> -> memref<8000xf32, #tpu.memory_space<hbm>>
      tpu.wait_dma2 semaphore(%arg8 : memref<!tpu.dma_semaphore, #tpu.memory_space<semaphore_mem>>) src(%arg6 : memref<8000xf32, #tpu.memory_space<vmem>>) dst(%dma_wait3A_319 : memref<8000xf32, #tpu.memory_space<hbm>>)
      %dma_wait3A_320 = tpu.memref_slice %arg4[%add3A_47] : memref<20480000xf32, #tpu.memory_space<hbm>> -> memref<8000xf32, #tpu.memory_space<hbm>>
      %dma_wait3A_321 = tpu.memref_slice %arg4[%add3A_47] : memref<20480000xf32, #tpu.memory_space<hbm>> -> memref<8000xf32, #tpu.memory_space<hbm>>
      tpu.wait_dma2 semaphore(%arg8 : memref<!tpu.dma_semaphore, #tpu.memory_space<semaphore_mem>>) src(%arg6 : memref<8000xf32, #tpu.memory_space<vmem>>) dst(%dma_wait3A_321 : memref<8000xf32, #tpu.memory_space<hbm>>)
      %dma_wait3A_322 = tpu.memref_slice %arg4[%add3A_51] : memref<20480000xf32, #tpu.memory_space<hbm>> -> memref<8000xf32, #tpu.memory_space<hbm>>
      %dma_wait3A_323 = tpu.memref_slice %arg4[%add3A_51] : memref<20480000xf32, #tpu.memory_space<hbm>> -> memref<8000xf32, #tpu.memory_space<hbm>>
      tpu.wait_dma2 semaphore(%arg8 : memref<!tpu.dma_semaphore, #tpu.memory_space<semaphore_mem>>) src(%arg6 : memref<8000xf32, #tpu.memory_space<vmem>>) dst(%dma_wait3A_323 : memref<8000xf32, #tpu.memory_space<hbm>>)
      %dma_wait3A_324 = tpu.memref_slice %arg4[%add3A_55] : memref<20480000xf32, #tpu.memory_space<hbm>> -> memref<8000xf32, #tpu.memory_space<hbm>>
      %dma_wait3A_325 = tpu.memref_slice %arg4[%add3A_55] : memref<20480000xf32, #tpu.memory_space<hbm>> -> memref<8000xf32, #tpu.memory_space<hbm>>
      tpu.wait_dma2 semaphore(%arg8 : memref<!tpu.dma_semaphore, #tpu.memory_space<semaphore_mem>>) src(%arg6 : memref<8000xf32, #tpu.memory_space<vmem>>) dst(%dma_wait3A_325 : memref<8000xf32, #tpu.memory_space<hbm>>)
      %dma_wait3A_326 = tpu.memref_slice %arg4[%add3A_59] : memref<20480000xf32, #tpu.memory_space<hbm>> -> memref<8000xf32, #tpu.memory_space<hbm>>
      %dma_wait3A_327 = tpu.memref_slice %arg4[%add3A_59] : memref<20480000xf32, #tpu.memory_space<hbm>> -> memref<8000xf32, #tpu.memory_space<hbm>>
      tpu.wait_dma2 semaphore(%arg8 : memref<!tpu.dma_semaphore, #tpu.memory_space<semaphore_mem>>) src(%arg6 : memref<8000xf32, #tpu.memory_space<vmem>>) dst(%dma_wait3A_327 : memref<8000xf32, #tpu.memory_space<hbm>>)
      %dma_wait3A_328 = tpu.memref_slice %arg4[%add3A_63] : memref<20480000xf32, #tpu.memory_space<hbm>> -> memref<8000xf32, #tpu.memory_space<hbm>>
      %dma_wait3A_329 = tpu.memref_slice %arg4[%add3A_63] : memref<20480000xf32, #tpu.memory_space<hbm>> -> memref<8000xf32, #tpu.memory_space<hbm>>
      tpu.wait_dma2 semaphore(%arg8 : memref<!tpu.dma_semaphore, #tpu.memory_space<semaphore_mem>>) src(%arg6 : memref<8000xf32, #tpu.memory_space<vmem>>) dst(%dma_wait3A_329 : memref<8000xf32, #tpu.memory_space<hbm>>)
      %dma_wait3A_330 = tpu.memref_slice %arg4[%add3A_67] : memref<20480000xf32, #tpu.memory_space<hbm>> -> memref<8000xf32, #tpu.memory_space<hbm>>
      %dma_wait3A_331 = tpu.memref_slice %arg4[%add3A_67] : memref<20480000xf32, #tpu.memory_space<hbm>> -> memref<8000xf32, #tpu.memory_space<hbm>>
      tpu.wait_dma2 semaphore(%arg8 : memref<!tpu.dma_semaphore, #tpu.memory_space<semaphore_mem>>) src(%arg6 : memref<8000xf32, #tpu.memory_space<vmem>>) dst(%dma_wait3A_331 : memref<8000xf32, #tpu.memory_space<hbm>>)
      %dma_wait3A_332 = tpu.memref_slice %arg4[%add3A_71] : memref<20480000xf32, #tpu.memory_space<hbm>> -> memref<8000xf32, #tpu.memory_space<hbm>>
      %dma_wait3A_333 = tpu.memref_slice %arg4[%add3A_71] : memref<20480000xf32, #tpu.memory_space<hbm>> -> memref<8000xf32, #tpu.memory_space<hbm>>
      tpu.wait_dma2 semaphore(%arg8 : memref<!tpu.dma_semaphore, #tpu.memory_space<semaphore_mem>>) src(%arg6 : memref<8000xf32, #tpu.memory_space<vmem>>) dst(%dma_wait3A_333 : memref<8000xf32, #tpu.memory_space<hbm>>)
      %dma_wait3A_334 = tpu.memref_slice %arg4[%add3A_75] : memref<20480000xf32, #tpu.memory_space<hbm>> -> memref<8000xf32, #tpu.memory_space<hbm>>
      %dma_wait3A_335 = tpu.memref_slice %arg4[%add3A_75] : memref<20480000xf32, #tpu.memory_space<hbm>> -> memref<8000xf32, #tpu.memory_space<hbm>>
      tpu.wait_dma2 semaphore(%arg8 : memref<!tpu.dma_semaphore, #tpu.memory_space<semaphore_mem>>) src(%arg6 : memref<8000xf32, #tpu.memory_space<vmem>>) dst(%dma_wait3A_335 : memref<8000xf32, #tpu.memory_space<hbm>>)
      %dma_wait3A_336 = tpu.memref_slice %arg4[%add3A_79] : memref<20480000xf32, #tpu.memory_space<hbm>> -> memref<8000xf32, #tpu.memory_space<hbm>>
      %dma_wait3A_337 = tpu.memref_slice %arg4[%add3A_79] : memref<20480000xf32, #tpu.memory_space<hbm>> -> memref<8000xf32, #tpu.memory_space<hbm>>
      tpu.wait_dma2 semaphore(%arg8 : memref<!tpu.dma_semaphore, #tpu.memory_space<semaphore_mem>>) src(%arg6 : memref<8000xf32, #tpu.memory_space<vmem>>) dst(%dma_wait3A_337 : memref<8000xf32, #tpu.memory_space<hbm>>)
      %dma_wait3A_338 = tpu.memref_slice %arg4[%add3A_83] : memref<20480000xf32, #tpu.memory_space<hbm>> -> memref<8000xf32, #tpu.memory_space<hbm>>
      %dma_wait3A_339 = tpu.memref_slice %arg4[%add3A_83] : memref<20480000xf32, #tpu.memory_space<hbm>> -> memref<8000xf32, #tpu.memory_space<hbm>>
      tpu.wait_dma2 semaphore(%arg8 : memref<!tpu.dma_semaphore, #tpu.memory_space<semaphore_mem>>) src(%arg6 : memref<8000xf32, #tpu.memory_space<vmem>>) dst(%dma_wait3A_339 : memref<8000xf32, #tpu.memory_space<hbm>>)
      %dma_wait3A_340 = tpu.memref_slice %arg4[%add3A_87] : memref<20480000xf32, #tpu.memory_space<hbm>> -> memref<8000xf32, #tpu.memory_space<hbm>>
      %dma_wait3A_341 = tpu.memref_slice %arg4[%add3A_87] : memref<20480000xf32, #tpu.memory_space<hbm>> -> memref<8000xf32, #tpu.memory_space<hbm>>
      tpu.wait_dma2 semaphore(%arg8 : memref<!tpu.dma_semaphore, #tpu.memory_space<semaphore_mem>>) src(%arg6 : memref<8000xf32, #tpu.memory_space<vmem>>) dst(%dma_wait3A_341 : memref<8000xf32, #tpu.memory_space<hbm>>)
      %dma_wait3A_342 = tpu.memref_slice %arg4[%add3A_91] : memref<20480000xf32, #tpu.memory_space<hbm>> -> memref<8000xf32, #tpu.memory_space<hbm>>
      %dma_wait3A_343 = tpu.memref_slice %arg4[%add3A_91] : memref<20480000xf32, #tpu.memory_space<hbm>> -> memref<8000xf32, #tpu.memory_space<hbm>>
      tpu.wait_dma2 semaphore(%arg8 : memref<!tpu.dma_semaphore, #tpu.memory_space<semaphore_mem>>) src(%arg6 : memref<8000xf32, #tpu.memory_space<vmem>>) dst(%dma_wait3A_343 : memref<8000xf32, #tpu.memory_space<hbm>>)
      %dma_wait3A_344 = tpu.memref_slice %arg4[%add3A_95] : memref<20480000xf32, #tpu.memory_space<hbm>> -> memref<8000xf32, #tpu.memory_space<hbm>>
      %dma_wait3A_345 = tpu.memref_slice %arg4[%add3A_95] : memref<20480000xf32, #tpu.memory_space<hbm>> -> memref<8000xf32, #tpu.memory_space<hbm>>
      tpu.wait_dma2 semaphore(%arg8 : memref<!tpu.dma_semaphore, #tpu.memory_space<semaphore_mem>>) src(%arg6 : memref<8000xf32, #tpu.memory_space<vmem>>) dst(%dma_wait3A_345 : memref<8000xf32, #tpu.memory_space<hbm>>)
      %dma_wait3A_346 = tpu.memref_slice %arg4[%add3A_99] : memref<20480000xf32, #tpu.memory_space<hbm>> -> memref<8000xf32, #tpu.memory_space<hbm>>
      %dma_wait3A_347 = tpu.memref_slice %arg4[%add3A_99] : memref<20480000xf32, #tpu.memory_space<hbm>> -> memref<8000xf32, #tpu.memory_space<hbm>>
      tpu.wait_dma2 semaphore(%arg8 : memref<!tpu.dma_semaphore, #tpu.memory_space<semaphore_mem>>) src(%arg6 : memref<8000xf32, #tpu.memory_space<vmem>>) dst(%dma_wait3A_347 : memref<8000xf32, #tpu.memory_space<hbm>>)
      %dma_wait3A_348 = tpu.memref_slice %arg4[%add3A_103] : memref<20480000xf32, #tpu.memory_space<hbm>> -> memref<8000xf32, #tpu.memory_space<hbm>>
      %dma_wait3A_349 = tpu.memref_slice %arg4[%add3A_103] : memref<20480000xf32, #tpu.memory_space<hbm>> -> memref<8000xf32, #tpu.memory_space<hbm>>
      tpu.wait_dma2 semaphore(%arg8 : memref<!tpu.dma_semaphore, #tpu.memory_space<semaphore_mem>>) src(%arg6 : memref<8000xf32, #tpu.memory_space<vmem>>) dst(%dma_wait3A_349 : memref<8000xf32, #tpu.memory_space<hbm>>)
      %dma_wait3A_350 = tpu.memref_slice %arg4[%add3A_107] : memref<20480000xf32, #tpu.memory_space<hbm>> -> memref<8000xf32, #tpu.memory_space<hbm>>
      %dma_wait3A_351 = tpu.memref_slice %arg4[%add3A_107] : memref<20480000xf32, #tpu.memory_space<hbm>> -> memref<8000xf32, #tpu.memory_space<hbm>>
      tpu.wait_dma2 semaphore(%arg8 : memref<!tpu.dma_semaphore, #tpu.memory_space<semaphore_mem>>) src(%arg6 : memref<8000xf32, #tpu.memory_space<vmem>>) dst(%dma_wait3A_351 : memref<8000xf32, #tpu.memory_space<hbm>>)
      %dma_wait3A_352 = tpu.memref_slice %arg4[%add3A_111] : memref<20480000xf32, #tpu.memory_space<hbm>> -> memref<8000xf32, #tpu.memory_space<hbm>>
      %dma_wait3A_353 = tpu.memref_slice %arg4[%add3A_111] : memref<20480000xf32, #tpu.memory_space<hbm>> -> memref<8000xf32, #tpu.memory_space<hbm>>
      tpu.wait_dma2 semaphore(%arg8 : memref<!tpu.dma_semaphore, #tpu.memory_space<semaphore_mem>>) src(%arg6 : memref<8000xf32, #tpu.memory_space<vmem>>) dst(%dma_wait3A_353 : memref<8000xf32, #tpu.memory_space<hbm>>)
      %dma_wait3A_354 = tpu.memref_slice %arg4[%add3A_115] : memref<20480000xf32, #tpu.memory_space<hbm>> -> memref<8000xf32, #tpu.memory_space<hbm>>
      %dma_wait3A_355 = tpu.memref_slice %arg4[%add3A_115] : memref<20480000xf32, #tpu.memory_space<hbm>> -> memref<8000xf32, #tpu.memory_space<hbm>>
      tpu.wait_dma2 semaphore(%arg8 : memref<!tpu.dma_semaphore, #tpu.memory_space<semaphore_mem>>) src(%arg6 : memref<8000xf32, #tpu.memory_space<vmem>>) dst(%dma_wait3A_355 : memref<8000xf32, #tpu.memory_space<hbm>>)
      %dma_wait3A_356 = tpu.memref_slice %arg4[%add3A_119] : memref<20480000xf32, #tpu.memory_space<hbm>> -> memref<8000xf32, #tpu.memory_space<hbm>>
      %dma_wait3A_357 = tpu.memref_slice %arg4[%add3A_119] : memref<20480000xf32, #tpu.memory_space<hbm>> -> memref<8000xf32, #tpu.memory_space<hbm>>
      tpu.wait_dma2 semaphore(%arg8 : memref<!tpu.dma_semaphore, #tpu.memory_space<semaphore_mem>>) src(%arg6 : memref<8000xf32, #tpu.memory_space<vmem>>) dst(%dma_wait3A_357 : memref<8000xf32, #tpu.memory_space<hbm>>)
      %dma_wait3A_358 = tpu.memref_slice %arg4[%add3A_123] : memref<20480000xf32, #tpu.memory_space<hbm>> -> memref<8000xf32, #tpu.memory_space<hbm>>
      %dma_wait3A_359 = tpu.memref_slice %arg4[%add3A_123] : memref<20480000xf32, #tpu.memory_space<hbm>> -> memref<8000xf32, #tpu.memory_space<hbm>>
      tpu.wait_dma2 semaphore(%arg8 : memref<!tpu.dma_semaphore, #tpu.memory_space<semaphore_mem>>) src(%arg6 : memref<8000xf32, #tpu.memory_space<vmem>>) dst(%dma_wait3A_359 : memref<8000xf32, #tpu.memory_space<hbm>>)
      %dma_wait3A_360 = tpu.memref_slice %arg4[%add3A_127] : memref<20480000xf32, #tpu.memory_space<hbm>> -> memref<8000xf32, #tpu.memory_space<hbm>>
      %dma_wait3A_361 = tpu.memref_slice %arg4[%add3A_127] : memref<20480000xf32, #tpu.memory_space<hbm>> -> memref<8000xf32, #tpu.memory_space<hbm>>
      tpu.wait_dma2 semaphore(%arg8 : memref<!tpu.dma_semaphore, #tpu.memory_space<semaphore_mem>>) src(%arg6 : memref<8000xf32, #tpu.memory_space<vmem>>) dst(%dma_wait3A_361 : memref<8000xf32, #tpu.memory_space<hbm>>)
      %dma_wait3A_362 = tpu.memref_slice %arg4[%add3A_131] : memref<20480000xf32, #tpu.memory_space<hbm>> -> memref<8000xf32, #tpu.memory_space<hbm>>
      %dma_wait3A_363 = tpu.memref_slice %arg4[%add3A_131] : memref<20480000xf32, #tpu.memory_space<hbm>> -> memref<8000xf32, #tpu.memory_space<hbm>>
      tpu.wait_dma2 semaphore(%arg8 : memref<!tpu.dma_semaphore, #tpu.memory_space<semaphore_mem>>) src(%arg6 : memref<8000xf32, #tpu.memory_space<vmem>>) dst(%dma_wait3A_363 : memref<8000xf32, #tpu.memory_space<hbm>>)
      %dma_wait3A_364 = tpu.memref_slice %arg4[%add3A_135] : memref<20480000xf32, #tpu.memory_space<hbm>> -> memref<8000xf32, #tpu.memory_space<hbm>>
      %dma_wait3A_365 = tpu.memref_slice %arg4[%add3A_135] : memref<20480000xf32, #tpu.memory_space<hbm>> -> memref<8000xf32, #tpu.memory_space<hbm>>
      tpu.wait_dma2 semaphore(%arg8 : memref<!tpu.dma_semaphore, #tpu.memory_space<semaphore_mem>>) src(%arg6 : memref<8000xf32, #tpu.memory_space<vmem>>) dst(%dma_wait3A_365 : memref<8000xf32, #tpu.memory_space<hbm>>)
      %dma_wait3A_366 = tpu.memref_slice %arg4[%add3A_139] : memref<20480000xf32, #tpu.memory_space<hbm>> -> memref<8000xf32, #tpu.memory_space<hbm>>
      %dma_wait3A_367 = tpu.memref_slice %arg4[%add3A_139] : memref<20480000xf32, #tpu.memory_space<hbm>> -> memref<8000xf32, #tpu.memory_space<hbm>>
      tpu.wait_dma2 semaphore(%arg8 : memref<!tpu.dma_semaphore, #tpu.memory_space<semaphore_mem>>) src(%arg6 : memref<8000xf32, #tpu.memory_space<vmem>>) dst(%dma_wait3A_367 : memref<8000xf32, #tpu.memory_space<hbm>>)
      %dma_wait3A_368 = tpu.memref_slice %arg4[%add3A_143] : memref<20480000xf32, #tpu.memory_space<hbm>> -> memref<8000xf32, #tpu.memory_space<hbm>>
      %dma_wait3A_369 = tpu.memref_slice %arg4[%add3A_143] : memref<20480000xf32, #tpu.memory_space<hbm>> -> memref<8000xf32, #tpu.memory_space<hbm>>
      tpu.wait_dma2 semaphore(%arg8 : memref<!tpu.dma_semaphore, #tpu.memory_space<semaphore_mem>>) src(%arg6 : memref<8000xf32, #tpu.memory_space<vmem>>) dst(%dma_wait3A_369 : memref<8000xf32, #tpu.memory_space<hbm>>)
      %dma_wait3A_370 = tpu.memref_slice %arg4[%add3A_147] : memref<20480000xf32, #tpu.memory_space<hbm>> -> memref<8000xf32, #tpu.memory_space<hbm>>
      %dma_wait3A_371 = tpu.memref_slice %arg4[%add3A_147] : memref<20480000xf32, #tpu.memory_space<hbm>> -> memref<8000xf32, #tpu.memory_space<hbm>>
      tpu.wait_dma2 semaphore(%arg8 : memref<!tpu.dma_semaphore, #tpu.memory_space<semaphore_mem>>) src(%arg6 : memref<8000xf32, #tpu.memory_space<vmem>>) dst(%dma_wait3A_371 : memref<8000xf32, #tpu.memory_space<hbm>>)
      %dma_wait3A_372 = tpu.memref_slice %arg4[%add3A_151] : memref<20480000xf32, #tpu.memory_space<hbm>> -> memref<8000xf32, #tpu.memory_space<hbm>>
      %dma_wait3A_373 = tpu.memref_slice %arg4[%add3A_151] : memref<20480000xf32, #tpu.memory_space<hbm>> -> memref<8000xf32, #tpu.memory_space<hbm>>
      tpu.wait_dma2 semaphore(%arg8 : memref<!tpu.dma_semaphore, #tpu.memory_space<semaphore_mem>>) src(%arg6 : memref<8000xf32, #tpu.memory_space<vmem>>) dst(%dma_wait3A_373 : memref<8000xf32, #tpu.memory_space<hbm>>)
      %dma_wait3A_374 = tpu.memref_slice %arg4[%add3A_155] : memref<20480000xf32, #tpu.memory_space<hbm>> -> memref<8000xf32, #tpu.memory_space<hbm>>
      %dma_wait3A_375 = tpu.memref_slice %arg4[%add3A_155] : memref<20480000xf32, #tpu.memory_space<hbm>> -> memref<8000xf32, #tpu.memory_space<hbm>>
      tpu.wait_dma2 semaphore(%arg8 : memref<!tpu.dma_semaphore, #tpu.memory_space<semaphore_mem>>) src(%arg6 : memref<8000xf32, #tpu.memory_space<vmem>>) dst(%dma_wait3A_375 : memref<8000xf32, #tpu.memory_space<hbm>>)
      %dma_wait3A_376 = tpu.memref_slice %arg4[%add3A_159] : memref<20480000xf32, #tpu.memory_space<hbm>> -> memref<8000xf32, #tpu.memory_space<hbm>>
      %dma_wait3A_377 = tpu.memref_slice %arg4[%add3A_159] : memref<20480000xf32, #tpu.memory_space<hbm>> -> memref<8000xf32, #tpu.memory_space<hbm>>
      tpu.wait_dma2 semaphore(%arg8 : memref<!tpu.dma_semaphore, #tpu.memory_space<semaphore_mem>>) src(%arg6 : memref<8000xf32, #tpu.memory_space<vmem>>) dst(%dma_wait3A_377 : memref<8000xf32, #tpu.memory_space<hbm>>)
      %dma_wait3A_378 = tpu.memref_slice %arg4[%add3A_163] : memref<20480000xf32, #tpu.memory_space<hbm>> -> memref<8000xf32, #tpu.memory_space<hbm>>
      %dma_wait3A_379 = tpu.memref_slice %arg4[%add3A_163] : memref<20480000xf32, #tpu.memory_space<hbm>> -> memref<8000xf32, #tpu.memory_space<hbm>>
      tpu.wait_dma2 semaphore(%arg8 : memref<!tpu.dma_semaphore, #tpu.memory_space<semaphore_mem>>) src(%arg6 : memref<8000xf32, #tpu.memory_space<vmem>>) dst(%dma_wait3A_379 : memref<8000xf32, #tpu.memory_space<hbm>>)
      %dma_wait3A_380 = tpu.memref_slice %arg4[%add3A_167] : memref<20480000xf32, #tpu.memory_space<hbm>> -> memref<8000xf32, #tpu.memory_space<hbm>>
      %dma_wait3A_381 = tpu.memref_slice %arg4[%add3A_167] : memref<20480000xf32, #tpu.memory_space<hbm>> -> memref<8000xf32, #tpu.memory_space<hbm>>
      tpu.wait_dma2 semaphore(%arg8 : memref<!tpu.dma_semaphore, #tpu.memory_space<semaphore_mem>>) src(%arg6 : memref<8000xf32, #tpu.memory_space<vmem>>) dst(%dma_wait3A_381 : memref<8000xf32, #tpu.memory_space<hbm>>)
      %dma_wait3A_382 = tpu.memref_slice %arg4[%add3A_171] : memref<20480000xf32, #tpu.memory_space<hbm>> -> memref<8000xf32, #tpu.memory_space<hbm>>
      %dma_wait3A_383 = tpu.memref_slice %arg4[%add3A_171] : memref<20480000xf32, #tpu.memory_space<hbm>> -> memref<8000xf32, #tpu.memory_space<hbm>>
      tpu.wait_dma2 semaphore(%arg8 : memref<!tpu.dma_semaphore, #tpu.memory_space<semaphore_mem>>) src(%arg6 : memref<8000xf32, #tpu.memory_space<vmem>>) dst(%dma_wait3A_383 : memref<8000xf32, #tpu.memory_space<hbm>>)
      %dma_wait3A_384 = tpu.memref_slice %arg4[%add3A_175] : memref<20480000xf32, #tpu.memory_space<hbm>> -> memref<8000xf32, #tpu.memory_space<hbm>>
      %dma_wait3A_385 = tpu.memref_slice %arg4[%add3A_175] : memref<20480000xf32, #tpu.memory_space<hbm>> -> memref<8000xf32, #tpu.memory_space<hbm>>
      tpu.wait_dma2 semaphore(%arg8 : memref<!tpu.dma_semaphore, #tpu.memory_space<semaphore_mem>>) src(%arg6 : memref<8000xf32, #tpu.memory_space<vmem>>) dst(%dma_wait3A_385 : memref<8000xf32, #tpu.memory_space<hbm>>)
      %dma_wait3A_386 = tpu.memref_slice %arg4[%add3A_179] : memref<20480000xf32, #tpu.memory_space<hbm>> -> memref<8000xf32, #tpu.memory_space<hbm>>
      %dma_wait3A_387 = tpu.memref_slice %arg4[%add3A_179] : memref<20480000xf32, #tpu.memory_space<hbm>> -> memref<8000xf32, #tpu.memory_space<hbm>>
      tpu.wait_dma2 semaphore(%arg8 : memref<!tpu.dma_semaphore, #tpu.memory_space<semaphore_mem>>) src(%arg6 : memref<8000xf32, #tpu.memory_space<vmem>>) dst(%dma_wait3A_387 : memref<8000xf32, #tpu.memory_space<hbm>>)
      %dma_wait3A_388 = tpu.memref_slice %arg4[%add3A_183] : memref<20480000xf32, #tpu.memory_space<hbm>> -> memref<8000xf32, #tpu.memory_space<hbm>>
      %dma_wait3A_389 = tpu.memref_slice %arg4[%add3A_183] : memref<20480000xf32, #tpu.memory_space<hbm>> -> memref<8000xf32, #tpu.memory_space<hbm>>
      tpu.wait_dma2 semaphore(%arg8 : memref<!tpu.dma_semaphore, #tpu.memory_space<semaphore_mem>>) src(%arg6 : memref<8000xf32, #tpu.memory_space<vmem>>) dst(%dma_wait3A_389 : memref<8000xf32, #tpu.memory_space<hbm>>)
      %dma_wait3A_390 = tpu.memref_slice %arg4[%add3A_187] : memref<20480000xf32, #tpu.memory_space<hbm>> -> memref<8000xf32, #tpu.memory_space<hbm>>
      %dma_wait3A_391 = tpu.memref_slice %arg4[%add3A_187] : memref<20480000xf32, #tpu.memory_space<hbm>> -> memref<8000xf32, #tpu.memory_space<hbm>>
      tpu.wait_dma2 semaphore(%arg8 : memref<!tpu.dma_semaphore, #tpu.memory_space<semaphore_mem>>) src(%arg6 : memref<8000xf32, #tpu.memory_space<vmem>>) dst(%dma_wait3A_391 : memref<8000xf32, #tpu.memory_space<hbm>>)
      %dma_wait3A_392 = tpu.memref_slice %arg4[%add3A_191] : memref<20480000xf32, #tpu.memory_space<hbm>> -> memref<8000xf32, #tpu.memory_space<hbm>>
      %dma_wait3A_393 = tpu.memref_slice %arg4[%add3A_191] : memref<20480000xf32, #tpu.memory_space<hbm>> -> memref<8000xf32, #tpu.memory_space<hbm>>
      tpu.wait_dma2 semaphore(%arg8 : memref<!tpu.dma_semaphore, #tpu.memory_space<semaphore_mem>>) src(%arg6 : memref<8000xf32, #tpu.memory_space<vmem>>) dst(%dma_wait3A_393 : memref<8000xf32, #tpu.memory_space<hbm>>)
      %dma_wait3A_394 = tpu.memref_slice %arg4[%add3A_195] : memref<20480000xf32, #tpu.memory_space<hbm>> -> memref<8000xf32, #tpu.memory_space<hbm>>
      %dma_wait3A_395 = tpu.memref_slice %arg4[%add3A_195] : memref<20480000xf32, #tpu.memory_space<hbm>> -> memref<8000xf32, #tpu.memory_space<hbm>>
      tpu.wait_dma2 semaphore(%arg8 : memref<!tpu.dma_semaphore, #tpu.memory_space<semaphore_mem>>) src(%arg6 : memref<8000xf32, #tpu.memory_space<vmem>>) dst(%dma_wait3A_395 : memref<8000xf32, #tpu.memory_space<hbm>>)
      %dma_wait3A_396 = tpu.memref_slice %arg4[%add3A_199] : memref<20480000xf32, #tpu.memory_space<hbm>> -> memref<8000xf32, #tpu.memory_space<hbm>>
      %dma_wait3A_397 = tpu.memref_slice %arg4[%add3A_199] : memref<20480000xf32, #tpu.memory_space<hbm>> -> memref<8000xf32, #tpu.memory_space<hbm>>
      tpu.wait_dma2 semaphore(%arg8 : memref<!tpu.dma_semaphore, #tpu.memory_space<semaphore_mem>>) src(%arg6 : memref<8000xf32, #tpu.memory_space<vmem>>) dst(%dma_wait3A_397 : memref<8000xf32, #tpu.memory_space<hbm>>)
      %dma_wait3A_398 = tpu.memref_slice %arg4[%add3A_203] : memref<20480000xf32, #tpu.memory_space<hbm>> -> memref<8000xf32, #tpu.memory_space<hbm>>
      %dma_wait3A_399 = tpu.memref_slice %arg4[%add3A_203] : memref<20480000xf32, #tpu.memory_space<hbm>> -> memref<8000xf32, #tpu.memory_space<hbm>>
      tpu.wait_dma2 semaphore(%arg8 : memref<!tpu.dma_semaphore, #tpu.memory_space<semaphore_mem>>) src(%arg6 : memref<8000xf32, #tpu.memory_space<vmem>>) dst(%dma_wait3A_399 : memref<8000xf32, #tpu.memory_space<hbm>>)
      %dma_wait3A_400 = tpu.memref_slice %arg4[%add3A_207] : memref<20480000xf32, #tpu.memory_space<hbm>> -> memref<8000xf32, #tpu.memory_space<hbm>>
      %dma_wait3A_401 = tpu.memref_slice %arg4[%add3A_207] : memref<20480000xf32, #tpu.memory_space<hbm>> -> memref<8000xf32, #tpu.memory_space<hbm>>
      tpu.wait_dma2 semaphore(%arg8 : memref<!tpu.dma_semaphore, #tpu.memory_space<semaphore_mem>>) src(%arg6 : memref<8000xf32, #tpu.memory_space<vmem>>) dst(%dma_wait3A_401 : memref<8000xf32, #tpu.memory_space<hbm>>)
      %dma_wait3A_402 = tpu.memref_slice %arg4[%add3A_211] : memref<20480000xf32, #tpu.memory_space<hbm>> -> memref<8000xf32, #tpu.memory_space<hbm>>
      %dma_wait3A_403 = tpu.memref_slice %arg4[%add3A_211] : memref<20480000xf32, #tpu.memory_space<hbm>> -> memref<8000xf32, #tpu.memory_space<hbm>>
      tpu.wait_dma2 semaphore(%arg8 : memref<!tpu.dma_semaphore, #tpu.memory_space<semaphore_mem>>) src(%arg6 : memref<8000xf32, #tpu.memory_space<vmem>>) dst(%dma_wait3A_403 : memref<8000xf32, #tpu.memory_space<hbm>>)
      %dma_wait3A_404 = tpu.memref_slice %arg4[%add3A_215] : memref<20480000xf32, #tpu.memory_space<hbm>> -> memref<8000xf32, #tpu.memory_space<hbm>>
      %dma_wait3A_405 = tpu.memref_slice %arg4[%add3A_215] : memref<20480000xf32, #tpu.memory_space<hbm>> -> memref<8000xf32, #tpu.memory_space<hbm>>
      tpu.wait_dma2 semaphore(%arg8 : memref<!tpu.dma_semaphore, #tpu.memory_space<semaphore_mem>>) src(%arg6 : memref<8000xf32, #tpu.memory_space<vmem>>) dst(%dma_wait3A_405 : memref<8000xf32, #tpu.memory_space<hbm>>)
      %dma_wait3A_406 = tpu.memref_slice %arg4[%add3A_219] : memref<20480000xf32, #tpu.memory_space<hbm>> -> memref<8000xf32, #tpu.memory_space<hbm>>
      %dma_wait3A_407 = tpu.memref_slice %arg4[%add3A_219] : memref<20480000xf32, #tpu.memory_space<hbm>> -> memref<8000xf32, #tpu.memory_space<hbm>>
      tpu.wait_dma2 semaphore(%arg8 : memref<!tpu.dma_semaphore, #tpu.memory_space<semaphore_mem>>) src(%arg6 : memref<8000xf32, #tpu.memory_space<vmem>>) dst(%dma_wait3A_407 : memref<8000xf32, #tpu.memory_space<hbm>>)
      %dma_wait3A_408 = tpu.memref_slice %arg4[%add3A_223] : memref<20480000xf32, #tpu.memory_space<hbm>> -> memref<8000xf32, #tpu.memory_space<hbm>>
      %dma_wait3A_409 = tpu.memref_slice %arg4[%add3A_223] : memref<20480000xf32, #tpu.memory_space<hbm>> -> memref<8000xf32, #tpu.memory_space<hbm>>
      tpu.wait_dma2 semaphore(%arg8 : memref<!tpu.dma_semaphore, #tpu.memory_space<semaphore_mem>>) src(%arg6 : memref<8000xf32, #tpu.memory_space<vmem>>) dst(%dma_wait3A_409 : memref<8000xf32, #tpu.memory_space<hbm>>)
      %dma_wait3A_410 = tpu.memref_slice %arg4[%add3A_227] : memref<20480000xf32, #tpu.memory_space<hbm>> -> memref<8000xf32, #tpu.memory_space<hbm>>
      %dma_wait3A_411 = tpu.memref_slice %arg4[%add3A_227] : memref<20480000xf32, #tpu.memory_space<hbm>> -> memref<8000xf32, #tpu.memory_space<hbm>>
      tpu.wait_dma2 semaphore(%arg8 : memref<!tpu.dma_semaphore, #tpu.memory_space<semaphore_mem>>) src(%arg6 : memref<8000xf32, #tpu.memory_space<vmem>>) dst(%dma_wait3A_411 : memref<8000xf32, #tpu.memory_space<hbm>>)
      %dma_wait3A_412 = tpu.memref_slice %arg4[%add3A_231] : memref<20480000xf32, #tpu.memory_space<hbm>> -> memref<8000xf32, #tpu.memory_space<hbm>>
      %dma_wait3A_413 = tpu.memref_slice %arg4[%add3A_231] : memref<20480000xf32, #tpu.memory_space<hbm>> -> memref<8000xf32, #tpu.memory_space<hbm>>
      tpu.wait_dma2 semaphore(%arg8 : memref<!tpu.dma_semaphore, #tpu.memory_space<semaphore_mem>>) src(%arg6 : memref<8000xf32, #tpu.memory_space<vmem>>) dst(%dma_wait3A_413 : memref<8000xf32, #tpu.memory_space<hbm>>)
      %dma_wait3A_414 = tpu.memref_slice %arg4[%add3A_235] : memref<20480000xf32, #tpu.memory_space<hbm>> -> memref<8000xf32, #tpu.memory_space<hbm>>
      %dma_wait3A_415 = tpu.memref_slice %arg4[%add3A_235] : memref<20480000xf32, #tpu.memory_space<hbm>> -> memref<8000xf32, #tpu.memory_space<hbm>>
      tpu.wait_dma2 semaphore(%arg8 : memref<!tpu.dma_semaphore, #tpu.memory_space<semaphore_mem>>) src(%arg6 : memref<8000xf32, #tpu.memory_space<vmem>>) dst(%dma_wait3A_415 : memref<8000xf32, #tpu.memory_space<hbm>>)
      %dma_wait3A_416 = tpu.memref_slice %arg4[%add3A_239] : memref<20480000xf32, #tpu.memory_space<hbm>> -> memref<8000xf32, #tpu.memory_space<hbm>>
      %dma_wait3A_417 = tpu.memref_slice %arg4[%add3A_239] : memref<20480000xf32, #tpu.memory_space<hbm>> -> memref<8000xf32, #tpu.memory_space<hbm>>
      tpu.wait_dma2 semaphore(%arg8 : memref<!tpu.dma_semaphore, #tpu.memory_space<semaphore_mem>>) src(%arg6 : memref<8000xf32, #tpu.memory_space<vmem>>) dst(%dma_wait3A_417 : memref<8000xf32, #tpu.memory_space<hbm>>)
      %dma_wait3A_418 = tpu.memref_slice %arg4[%add3A_243] : memref<20480000xf32, #tpu.memory_space<hbm>> -> memref<8000xf32, #tpu.memory_space<hbm>>
      %dma_wait3A_419 = tpu.memref_slice %arg4[%add3A_243] : memref<20480000xf32, #tpu.memory_space<hbm>> -> memref<8000xf32, #tpu.memory_space<hbm>>
      tpu.wait_dma2 semaphore(%arg8 : memref<!tpu.dma_semaphore, #tpu.memory_space<semaphore_mem>>) src(%arg6 : memref<8000xf32, #tpu.memory_space<vmem>>) dst(%dma_wait3A_419 : memref<8000xf32, #tpu.memory_space<hbm>>)
      %dma_wait3A_420 = tpu.memref_slice %arg4[%add3A_247] : memref<20480000xf32, #tpu.memory_space<hbm>> -> memref<8000xf32, #tpu.memory_space<hbm>>
      %dma_wait3A_421 = tpu.memref_slice %arg4[%add3A_247] : memref<20480000xf32, #tpu.memory_space<hbm>> -> memref<8000xf32, #tpu.memory_space<hbm>>
      tpu.wait_dma2 semaphore(%arg8 : memref<!tpu.dma_semaphore, #tpu.memory_space<semaphore_mem>>) src(%arg6 : memref<8000xf32, #tpu.memory_space<vmem>>) dst(%dma_wait3A_421 : memref<8000xf32, #tpu.memory_space<hbm>>)
      %dma_wait3A_422 = tpu.memref_slice %arg4[%add3A_251] : memref<20480000xf32, #tpu.memory_space<hbm>> -> memref<8000xf32, #tpu.memory_space<hbm>>
      %dma_wait3A_423 = tpu.memref_slice %arg4[%add3A_251] : memref<20480000xf32, #tpu.memory_space<hbm>> -> memref<8000xf32, #tpu.memory_space<hbm>>
      tpu.wait_dma2 semaphore(%arg8 : memref<!tpu.dma_semaphore, #tpu.memory_space<semaphore_mem>>) src(%arg6 : memref<8000xf32, #tpu.memory_space<vmem>>) dst(%dma_wait3A_423 : memref<8000xf32, #tpu.memory_space<hbm>>)
      %dma_wait3A_424 = tpu.memref_slice %arg4[%add3A_255] : memref<20480000xf32, #tpu.memory_space<hbm>> -> memref<8000xf32, #tpu.memory_space<hbm>>
      %dma_wait3A_425 = tpu.memref_slice %arg4[%add3A_255] : memref<20480000xf32, #tpu.memory_space<hbm>> -> memref<8000xf32, #tpu.memory_space<hbm>>
      tpu.wait_dma2 semaphore(%arg8 : memref<!tpu.dma_semaphore, #tpu.memory_space<semaphore_mem>>) src(%arg6 : memref<8000xf32, #tpu.memory_space<vmem>>) dst(%dma_wait3A_425 : memref<8000xf32, #tpu.memory_space<hbm>>)
      %dma_wait3A_426 = tpu.memref_slice %arg4[%add3A_259] : memref<20480000xf32, #tpu.memory_space<hbm>> -> memref<8000xf32, #tpu.memory_space<hbm>>
      %dma_wait3A_427 = tpu.memref_slice %arg4[%add3A_259] : memref<20480000xf32, #tpu.memory_space<hbm>> -> memref<8000xf32, #tpu.memory_space<hbm>>
      tpu.wait_dma2 semaphore(%arg8 : memref<!tpu.dma_semaphore, #tpu.memory_space<semaphore_mem>>) src(%arg6 : memref<8000xf32, #tpu.memory_space<vmem>>) dst(%dma_wait3A_427 : memref<8000xf32, #tpu.memory_space<hbm>>)
      %dma_wait3A_428 = tpu.memref_slice %arg4[%add3A_263] : memref<20480000xf32, #tpu.memory_space<hbm>> -> memref<8000xf32, #tpu.memory_space<hbm>>
      %dma_wait3A_429 = tpu.memref_slice %arg4[%add3A_263] : memref<20480000xf32, #tpu.memory_space<hbm>> -> memref<8000xf32, #tpu.memory_space<hbm>>
      tpu.wait_dma2 semaphore(%arg8 : memref<!tpu.dma_semaphore, #tpu.memory_space<semaphore_mem>>) src(%arg6 : memref<8000xf32, #tpu.memory_space<vmem>>) dst(%dma_wait3A_429 : memref<8000xf32, #tpu.memory_space<hbm>>)
      %dma_wait3A_430 = tpu.memref_slice %arg4[%add3A_267] : memref<20480000xf32, #tpu.memory_space<hbm>> -> memref<8000xf32, #tpu.memory_space<hbm>>
      %dma_wait3A_431 = tpu.memref_slice %arg4[%add3A_267] : memref<20480000xf32, #tpu.memory_space<hbm>> -> memref<8000xf32, #tpu.memory_space<hbm>>
      tpu.wait_dma2 semaphore(%arg8 : memref<!tpu.dma_semaphore, #tpu.memory_space<semaphore_mem>>) src(%arg6 : memref<8000xf32, #tpu.memory_space<vmem>>) dst(%dma_wait3A_431 : memref<8000xf32, #tpu.memory_space<hbm>>)
      %dma_wait3A_432 = tpu.memref_slice %arg4[%add3A_271] : memref<20480000xf32, #tpu.memory_space<hbm>> -> memref<8000xf32, #tpu.memory_space<hbm>>
      %dma_wait3A_433 = tpu.memref_slice %arg4[%add3A_271] : memref<20480000xf32, #tpu.memory_space<hbm>> -> memref<8000xf32, #tpu.memory_space<hbm>>
      tpu.wait_dma2 semaphore(%arg8 : memref<!tpu.dma_semaphore, #tpu.memory_space<semaphore_mem>>) src(%arg6 : memref<8000xf32, #tpu.memory_space<vmem>>) dst(%dma_wait3A_433 : memref<8000xf32, #tpu.memory_space<hbm>>)
      %dma_wait3A_434 = tpu.memref_slice %arg4[%add3A_275] : memref<20480000xf32, #tpu.memory_space<hbm>> -> memref<8000xf32, #tpu.memory_space<hbm>>
      %dma_wait3A_435 = tpu.memref_slice %arg4[%add3A_275] : memref<20480000xf32, #tpu.memory_space<hbm>> -> memref<8000xf32, #tpu.memory_space<hbm>>
      tpu.wait_dma2 semaphore(%arg8 : memref<!tpu.dma_semaphore, #tpu.memory_space<semaphore_mem>>) src(%arg6 : memref<8000xf32, #tpu.memory_space<vmem>>) dst(%dma_wait3A_435 : memref<8000xf32, #tpu.memory_space<hbm>>)
      %dma_wait3A_436 = tpu.memref_slice %arg4[%add3A_279] : memref<20480000xf32, #tpu.memory_space<hbm>> -> memref<8000xf32, #tpu.memory_space<hbm>>
      %dma_wait3A_437 = tpu.memref_slice %arg4[%add3A_279] : memref<20480000xf32, #tpu.memory_space<hbm>> -> memref<8000xf32, #tpu.memory_space<hbm>>
      tpu.wait_dma2 semaphore(%arg8 : memref<!tpu.dma_semaphore, #tpu.memory_space<semaphore_mem>>) src(%arg6 : memref<8000xf32, #tpu.memory_space<vmem>>) dst(%dma_wait3A_437 : memref<8000xf32, #tpu.memory_space<hbm>>)
      %dma_wait3A_438 = tpu.memref_slice %arg4[%add3A_283] : memref<20480000xf32, #tpu.memory_space<hbm>> -> memref<8000xf32, #tpu.memory_space<hbm>>
      %dma_wait3A_439 = tpu.memref_slice %arg4[%add3A_283] : memref<20480000xf32, #tpu.memory_space<hbm>> -> memref<8000xf32, #tpu.memory_space<hbm>>
      tpu.wait_dma2 semaphore(%arg8 : memref<!tpu.dma_semaphore, #tpu.memory_space<semaphore_mem>>) src(%arg6 : memref<8000xf32, #tpu.memory_space<vmem>>) dst(%dma_wait3A_439 : memref<8000xf32, #tpu.memory_space<hbm>>)
      %dma_wait3A_440 = tpu.memref_slice %arg4[%add3A_287] : memref<20480000xf32, #tpu.memory_space<hbm>> -> memref<8000xf32, #tpu.memory_space<hbm>>
      %dma_wait3A_441 = tpu.memref_slice %arg4[%add3A_287] : memref<20480000xf32, #tpu.memory_space<hbm>> -> memref<8000xf32, #tpu.memory_space<hbm>>
      tpu.wait_dma2 semaphore(%arg8 : memref<!tpu.dma_semaphore, #tpu.memory_space<semaphore_mem>>) src(%arg6 : memref<8000xf32, #tpu.memory_space<vmem>>) dst(%dma_wait3A_441 : memref<8000xf32, #tpu.memory_space<hbm>>)
      %dma_wait3A_442 = tpu.memref_slice %arg4[%add3A_291] : memref<20480000xf32, #tpu.memory_space<hbm>> -> memref<8000xf32, #tpu.memory_space<hbm>>
      %dma_wait3A_443 = tpu.memref_slice %arg4[%add3A_291] : memref<20480000xf32, #tpu.memory_space<hbm>> -> memref<8000xf32, #tpu.memory_space<hbm>>
      tpu.wait_dma2 semaphore(%arg8 : memref<!tpu.dma_semaphore, #tpu.memory_space<semaphore_mem>>) src(%arg6 : memref<8000xf32, #tpu.memory_space<vmem>>) dst(%dma_wait3A_443 : memref<8000xf32, #tpu.memory_space<hbm>>)
      %dma_wait3A_444 = tpu.memref_slice %arg4[%add3A_295] : memref<20480000xf32, #tpu.memory_space<hbm>> -> memref<8000xf32, #tpu.memory_space<hbm>>
      %dma_wait3A_445 = tpu.memref_slice %arg4[%add3A_295] : memref<20480000xf32, #tpu.memory_space<hbm>> -> memref<8000xf32, #tpu.memory_space<hbm>>
      tpu.wait_dma2 semaphore(%arg8 : memref<!tpu.dma_semaphore, #tpu.memory_space<semaphore_mem>>) src(%arg6 : memref<8000xf32, #tpu.memory_space<vmem>>) dst(%dma_wait3A_445 : memref<8000xf32, #tpu.memory_space<hbm>>)
      %dma_wait3A_446 = tpu.memref_slice %arg4[%add3A_299] : memref<20480000xf32, #tpu.memory_space<hbm>> -> memref<8000xf32, #tpu.memory_space<hbm>>
      %dma_wait3A_447 = tpu.memref_slice %arg4[%add3A_299] : memref<20480000xf32, #tpu.memory_space<hbm>> -> memref<8000xf32, #tpu.memory_space<hbm>>
      tpu.wait_dma2 semaphore(%arg8 : memref<!tpu.dma_semaphore, #tpu.memory_space<semaphore_mem>>) src(%arg6 : memref<8000xf32, #tpu.memory_space<vmem>>) dst(%dma_wait3A_447 : memref<8000xf32, #tpu.memory_space<hbm>>)
      %dma_wait3A_448 = tpu.memref_slice %arg4[%add3A_303] : memref<20480000xf32, #tpu.memory_space<hbm>> -> memref<8000xf32, #tpu.memory_space<hbm>>
      %dma_wait3A_449 = tpu.memref_slice %arg4[%add3A_303] : memref<20480000xf32, #tpu.memory_space<hbm>> -> memref<8000xf32, #tpu.memory_space<hbm>>
      tpu.wait_dma2 semaphore(%arg8 : memref<!tpu.dma_semaphore, #tpu.memory_space<semaphore_mem>>) src(%arg6 : memref<8000xf32, #tpu.memory_space<vmem>>) dst(%dma_wait3A_449 : memref<8000xf32, #tpu.memory_space<hbm>>)
    } else {
    }
    %barrier3A = arith.constant 0 : index
    tpu.barrier barrier_id(%barrier3A)
    %dma_start3A = arith.constant 0 : i32
    %dma_start3A_12 = tpu.memref_slice %arg4[%dma_start3A] : memref<20480000xf32, #tpu.memory_space<hbm>> -> memref<20480000xf32, #tpu.memory_space<hbm>>
    tpu.enqueue_indirect_dma source(%arg7 : memref<704xf32, #tpu.memory_space<vmem>>) target(%dma_start3A_12 : memref<20480000xf32, #tpu.memory_space<hbm>>) offsets(%arg5 : memref<704xi32, #tpu.memory_space<vmem>>) semaphore(%arg9 : memref<!tpu.dma_semaphore, #tpu.memory_space<semaphore_mem>>)
    %dma_wait3A = arith.constant 0 : i32
    %dma_wait3A_13 = tpu.memref_slice %arg4[%dma_wait3A] : memref<20480000xf32, #tpu.memory_space<hbm>> -> memref<20480000xf32, #tpu.memory_space<hbm>>
    tpu.wait_indirect_dma semaphore(%arg9 : memref<!tpu.dma_semaphore, #tpu.memory_space<semaphore_mem>>) src(%arg7 : memref<704xf32, #tpu.memory_space<vmem>>) dst(%dma_wait3A_13 : memref<20480000xf32, #tpu.memory_space<hbm>>)
    return
  }
}

</mosaic_0001>

<sc_bundles>
// kernel: kernel.3.cloned.1.call-start
scs
__scs_entry_jumppad:
0x0: {  	(pc) =	sbr.rel $0x88, $3  }
0x1: {  	(tag) =	ssettag $0x0;
	lr =	simm.s32 $0x1  }
0x2: {  	[smem:$0x3FA0] =	sst lr;
	_ =	strace $0xD0000000  }
0x3: {  	_ = 	snop  }
0x4: {  	_ = 	snop  }
0x5: {  	_ = 	snop  }
0x6: {  	_ = 	snop  }
0x7: {  	_ = 	snop  }
__scs_overlays_trampoline_lowered:
0x8: {  	[smem:$0x3FAF] =	sst s0  }
0x9: {  	[smem:$0x3FB0] =	sst s1  }
0xa: {  	[smem:$0x3FB1] =	sst s2  }
0xb: {  	[smem:$0x3FB2] =	sst s3  }
0xc: {  	[smem:$0x3FB3] =	sst s4  }
0xd: {  	[smem:$0x3FB4] =	sst s5  }
0xe: {  	[smem:$0x3FB5] =	sst s6  }
0xf: {  	[smem:$0x3FB6] =	sst s7  }
0x10: {  	[smem:$0x3FB7] =	sst s8  }
0x11: {  	[smem:$0x3FB8] =	sst s9;
	s0 =	simm.s32 @!p0 $0x0  }
0x12: {  	s1 =	sld [smem:$0x3F9E];
	s0 =	simm.s32 @p0 $0x1  }
0x13: {  	[smem:$0x3FB9] =	sst s0;
	s0 =	simm.s32 @!p1 $0x0  }
0x14: {  	s2 =	sld [smem:$0x3F9D];
	s0 =	simm.s32 @p1 $0x1  }
0x15: {  	[smem:$0x3FBA] =	sst s0;
	s0 =	simm.s32 @!p2 $0x0  }
0x16: {  	s3 =	sld [smem:$0x3FDB];
	s0 =	simm.s32 @p2 $0x1  }
0x17: {  	s4 =	simm.s32 $0x1BF5;
	[smem:$0x3FBC] =	sst s0  }
0x18: {  	s0 =	sld [smem:$0x3F9F];
	_ =	swait.ge [sflag:s4], $0x0  }
0x19: {  	s7 =	sld [smem:$0x3FA0]  }
0x1a: {  	s8 =	sadd.s32 $0xFFFFE003, lr  }
0x1b: {  	s9 =	sadd.s32 $0xFFFFFEF7, lr;
	s5 =	simm.s32 $0xFFFFFFFF;
	p2 =	slt.u32 s8, $0xFFFFF086  }
0x1c: {  	p1 =	slt.u32 s9, $0xF7A;
	s5 =	simm.s32 @!p2 $0x0  }
0x1d: {  	s5 =	simm.s32 @p1 $0x1;
	p0 =	seq.s32 s7, s2  }
0x1e: {  	s7 =	smul.u32 @!p0 $0xF7A, s2;
	p2 =	seq.s32 @!p0 s5, $0x0  }
0x1f: {  	s9 =	smul.u32 $0xF7A, s1;
	s8 =	simm.s32 @!p0 $0x1BF5;
	p2 =	por !p2, p0  }
0x20: {  	[sflag:s8] =	ssyncset.s32 @!p0 $0xFFFFF086;
	s6 =	sadd.s32 @!p0 s3, s7;
	s7 =	simm.s32 @!p0 $0x108  }
0x21: {  	s3 =	sadd.s32 s3, s9;
	s6 =	sadd.s32 @!p0 $0x88, s6;
	s7 =	simm.s32 @p2 $0x1082  }
0x22: {  	[simem:s7], [sflag:s8] =	dma.local @!p0 [hbm:s6], $0xF7A  }
0x23: {  	s9 =	sor.u32 $0xD0000000, s2;
	s6 =	simm.s32 $0x108;
	_ =	swait.ge @!p0 [sflag:s8], $0x0  }
0x24: {  	s3 =	sadd.s32 $0x88, s3;
	s6 =	simm.s32 @!p1 $0x1082;
	[sflag:s4] =	ssyncset.s32 $0xFFFFF086  }
0x25: {  	[simem:s6], [sflag:s4] =	dma.local [hbm:s3], $0xF7A  }
0x26: {  	[smem:$0x3FA0] =	sst s1;
	(tag) =	ssettag s2;
	_ =	strace s9  }
0x27: {  	s1 =	sld [smem:$0x3FB0]  }
0x28: {  	s2 =	sld [smem:$0x3FB1]  }
0x29: {  	s4 =	sld [smem:$0x3FB3]  }
0x2a: {  	p0 =	seq.s32 s5, $0x0;
	s5 =	sld [smem:$0x3FB4]  }
0x2b: {  	s6 =	sld [smem:$0x3FB5]  }
0x2c: {  	s7 =	sld [smem:$0x3FB6]  }
0x2d: {  	s3 =	simm.s32 $0x108;
	s8 =	sld [smem:$0x3FB7]  }
0x2e: {  	s3 =	simm.s32 @!p0 $0x1082;
	s9 =	sld [smem:$0x3FB8]  }
0x2f: {  	lr =	sadd.s32 s0, s3;
	s0 =	sld [smem:$0x3FAF]  }
0x30: {  	s3 =	sld [smem:$0x3FB2]  }
0x31: {  	[smem:$0x3FBB] =	sst s10  }
0x32: {  	s10 =	sld [smem:$0x3FB9];
	_ =	sdelay $0x3  }
0x33: {  	p0 =	seq.s32 s10, $0x1;
	s10 =	sld [smem:$0x3FBB];
	_ =	sdelay $0x3  }
0x34: {  	[smem:$0x3FBB] =	sst s10  }
0x35: {  	s10 =	sld [smem:$0x3FBA];
	_ =	sdelay $0x3  }
0x36: {  	p1 =	seq.s32 s10, $0x1;
	s10 =	sld [smem:$0x3FBB];
	_ =	sdelay $0x3  }
0x37: {  	[smem:$0x3FBB] =	sst s10  }
0x38: {  	s10 =	sld [smem:$0x3FBC]  }
0x39: {  	_ = 	snop;
	(pc) =	sbr.ind lr, $3  }
0x3a: {  	_ = 	snop  }
0x3b: {  	_ = 	snop  }
0x3c: {  	p2 =	seq.s32 s10, $0x1;
	s10 =	sld [smem:$0x3FBB]  }
0x3d: {  	_ =	shalt  }
0x3e: {  	_ =	shalt  }
0x3f: {  	_ =	shalt  }
0x40: {  	_ =	shalt  }
0x41: {  	_ =	shalt  }
0x42: {  	_ =	shalt  }
0x43: {  	_ =	shalt  }
0x44: {  	_ =	shalt  }
0x45: {  	_ =	shalt  }
0x46: {  	_ =	shalt  }
0x47: {  	_ =	shalt  }
0x48: {  	_ =	shalt  }
0x49: {  	_ =	shalt  }
0x4a: {  	_ =	shalt  }
0x4b: {  	_ =	shalt  }
0x4c: {  	_ =	shalt  }
0x4d: {  	_ =	shalt  }
0x4e: {  	_ =	shalt  }
0x4f: {  	_ =	shalt  }
0x50: {  	_ =	shalt  }
0x51: {  	_ =	shalt  }
0x52: {  	_ =	shalt  }
0x53: {  	_ =	shalt  }
0x54: {  	_ =	shalt  }
0x55: {  	_ =	shalt  }
0x56: {  	_ =	shalt  }
0x57: {  	_ =	shalt  }
0x58: {  	_ =	shalt  }
0x59: {  	_ =	shalt  }
0x5a: {  	_ =	shalt  }
0x5b: {  	_ =	shalt  }
0x5c: {  	_ =	shalt  }
0x5d: {  	_ =	shalt  }
0x5e: {  	_ =	shalt  }
0x5f: {  	_ =	shalt  }
0x60: {  	_ =	shalt  }
0x61: {  	_ =	shalt  }
0x62: {  	_ =	shalt  }
0x63: {  	_ =	shalt  }
0x64: {  	_ =	shalt  }
0x65: {  	_ =	shalt  }
0x66: {  	_ =	shalt  }
0x67: {  	_ =	shalt  }
0x68: {  	_ =	shalt  }
0x69: {  	_ =	shalt  }
0x6a: {  	_ =	shalt  }
0x6b: {  	_ =	shalt  }
0x6c: {  	_ =	shalt  }
0x6d: {  	_ =	shalt  }
0x6e: {  	_ =	shalt  }
0x6f: {  	_ =	shalt  }
0x70: {  	_ =	shalt  }
0x71: {  	_ =	shalt  }
0x72: {  	_ =	shalt  }
0x73: {  	_ =	shalt  }
0x74: {  	_ =	shalt  }
0x75: {  	_ =	shalt  }
0x76: {  	_ =	shalt  }
0x77: {  	_ =	shalt  }
0x78: {  	_ =	shalt  }
0x79: {  	_ =	shalt  }
0x7a: {  	_ =	shalt  }
0x7b: {  	_ =	shalt  }
0x7c: {  	_ =	shalt  }
0x7d: {  	_ =	shalt  }
0x7e: {  	_ =	shalt  }
0x7f: {  	_ =	shalt  }
0x80: {  	_ =	shalt  }
0x81: {  	_ =	shalt  }
0x82: {  	_ =	shalt  }
0x83: {  	_ =	shalt  }
0x84: {  	_ =	shalt  }
0x85: {  	_ =	shalt  }
0x86: {  	_ =	shalt  }
0x87: {  	_ =	shalt  }
.Lfunc_end0:
.L_simem_size_0:
called_computation_lowered:
.L_overlay_start_0:
0x88: {  	s2 =	sld [smem:$0x3FD9]  }
0x89: {  	s3 =	sld [smem:$0x3FFE];
	_ =	sdelay $0x1  }
0x8a: {  	s1 =	srdreg.scid  }
0x8b: {  	s0 =	sand.u32 $0x1, s1  }
0x8c: {  	s17 =	sshll.u32 s0, $0xA;
	s2 =	sadd.s32 s3, s2  }
0x8d: {  	s2 =	sadd.s32 s2, s17  }
0x8e: {  	[smem:$0x3FC7] =	sst s2  }
0x8f: {  	_ = 	snop  }
0x90: {  	s2 =	sld [smem:$0x3FD0];
	(tm) =	ssettm $0x1  }
0x91: {  	s18 =	sld [smem:$0x3FFB];
	_ =	sdelay $0x3  }
0x92: {  	_ =	strace s18  }
0x93: {  	s3 =	sld [smem:$0x3FFC];
	_ =	sdelay $0x3  }
0x94: {  	_ =	strace s3  }
0x95: {  	s3 =	sld [smem:$0x3FFD];
	_ =	sdelay $0x3  }
0x96: {  	_ =	strace s3  }
0x97: {  	_ =	strace $0x8FFFFFFF  }
0x98: {  	s19 =	sld [smem:$0x3FDB];
	_ =	sdelay $0x1  }
0x99: {  	s4 =	simm.s32 $_scs_section_size  }
0x9a: {  	s5 =	simm.s32 $_size__tile_overlayer_lowered;
	s6 =	simm.s32 $_tile_overlayer_lowered  }
0x9b: {  	s22 =	simm.s32 $0x1BFF;
	s21 =	sshll.u32 s6, $0x1;
	s3 =	sadd.s32 s4, s19  }
0x9c: {  	s7 =	simm.s32 $0x0;
	s20 =	sshll.u32 s5, $0x1;
	s5 =	sadd.s32 s21, s3  }
0x9d: {  	[timem:s7], [sflag:s22] =	dma.local [hbm:s5], s20  }
0x9e: {  	_ =	swait.ge [sflag:s22], s20  }
0x9f: {  	s4 =	ssub.s32 $0x0, s20;
	[sflag:s22] =	ssyncset.done $0x0  }
0xa0: {  	[sflag:s22] =	ssyncadd.s32 s4;
	_ =	sdelay $0x1  }
0xa1: {  	s23 =	simm.s32 $0x1B8B  }
0xa2: {  	_ =	swait.ge [sflag:s23], $0x1  }
0xa3: {  	[sflag:s23] =	ssyncset.done $0x0  }
0xa4: {  	s25 =	simm.s32 $0x1B8E;
	s24 =	sld [smem:$0x3FFE];
	[sflag:s23] =	ssyncadd.s32 $0xFFFFFFFF  }
0xa5: {  	s26 =	simm.s32 $execute0_lowered;
	[smem:$0x3FD2] =	sst s25  }
0xa6: {  	s5 =	sshll.u32 s26, $0x1;
	_ =	strace $0x80000046;
	[dreg:$0x1] =	wrdreg $0xFFFFFFFF  }
0xa7: {  	s28 =	simm.s32 $_size_execute0_lowered;
	s3 =	sadd.s32 s3, s5;
	[dreg:$0x0] =	wrdreg $0x0  }
0xa8: {  	s5 =	sshll.u32 s28, $0x1;
	[dreg:$0x2] =	wrdreg s3  }
0xa9: {  	[dreg:$0x3] =	wrdreg s5  }
0xaa: {  	[dreg:$0x4] =	wrdreg $0xC0  }
0xab: {  	_ =	task [dreg:s7], $0x5FFFF  }
0xac: {  	[dreg:$0x1] =	wrdreg $0xFFFFFFFF  }
0xad: {  	[dreg:$0x0] =	wrdreg $0x60  }
0xae: {  	[dreg:$0x2] =	wrdreg s24  }
0xaf: {  	[dreg:$0x3] =	wrdreg s2  }
0xb0: {  	[dreg:$0x4] =	wrdreg $0x9  }
0xb1: {  	_ =	task.clear_ibuf [dreg:s7], $0x5FFFF;
	_ =	strace $0x90000046  }
0xb2: {  	s29 =	simm.s32 $0x9;
	_ =	strace $0x80000048  }
0xb3: {  	_ =	swait.ge [sflag:s29], $0x1  }
0xb4: {  	[sflag:s29] =	ssyncadd.s32 $0xFFFFFFFF  }
0xb5: {  	_ =	strace $0x90000048  }
0xb6: {  	_ =	sfence  }
0xb7: {  	s30 =	sld [smem:$0x0];
	_ =	sdelay $0x2  }
0xb8: {  	s31 =	sshll.u32 s1, $0xD;
	s1 =	sshrl.u32 s1, $0x2  }
0xb9: {  	s3 =	sand.u32 $0x4000, s31;
	s1 =	sadd.s32 s1, s30  }
0xba: {  	s0 =	sor.u32 s3, s0;
	s1 =	sshll.u32 s1, $0x11  }
0xbb: {  	s0 =	sor.u32 s1, s0  }
0xbc: {  	s0 =	sadd.s32 $0x8F2B, s0  }
0xbd: {  	[sflag:s0] =	ssyncadd.remote.s32 $0x1  }
0xbe: {  	_ =	sfence.sel $0xFFFF  }
0xbf: {  	[dreg:$0x0] =	wrdreg $0xFFFFFFFF;
	(pc) =	sbr.abs _section_cstart, $3  }
0xc0: {  	[dreg:$0x1] =	wrdreg $0xFFFFFFFF  }
0xc1: {  	_ =	task.clear_ibuf [dreg:s7], $0x2FFFF;
	_ =	strace $0x9FFFFFFF  }
0xc2: {  	(tm) =	ssettm $0x7FFFFFFF  }
0xc3: {  	_ =	shalt  }
tec
execute0_lowered:
.L_overlay_start_1:
0x0: {  	(tag) =	ssettag $0x1  }
0x1: {  	s0 =	srdreg.scid  }
0x2: {  	s0 =	sand.u32 $0x1, s0  }
0x3: {  	s7 =	stileid.u32;
	s1 =	sshll.u32 s0, $0x4  }
0x4: {  	s6 =	smul.u32 $0x8CA00, s7;
	s1 =	sor.u32 s7, s1  }
0x5: {  	s4 =	smul.u32 $0x3E8, s1  }
0x6: {  	s1 =	smul.u32 $0x58, s1  }
0x7: {  	s2 =	rddreg [dreg:$0x0]  }
0x8: {  	s9 =	rddreg [dreg:$0x1];
	s14 =	sshrl.u32 s6, $0x3;
	s1 =	sadd.s32 s1, s2  }
0x9: {  	s3 =	simm.s32 $0x0;
	s5 =	sadd.s32 $0x8200, s1;
	s1 =	sadd.s32 s9, s14  }
0xa: {  	[smem:$0x7FF] =	sst s3;
	s15 =	sadd.s32 $0x157C00, s1  }
0xb: {  	_ =	strace $0x80000047;
	s16 =	sadd.s32 $0x157FE8, s1;
	[dreg:$0x3] =	wrdreg s15  }
0xc: {  	s17 =	sadd.s32 $0x1583D0, s1;
	[dreg:$0x4] =	wrdreg s16  }
0xd: {  	s18 =	sadd.s32 $0x1587B8, s1;
	[dreg:$0x5] =	wrdreg s17  }
0xe: {  	s19 =	sadd.s32 $0x158BA0, s1;
	[dreg:$0x6] =	wrdreg s18  }
0xf: {  	s20 =	sadd.s32 $0x158F88, s1;
	[dreg:$0x7] =	wrdreg s19  }
0x10: {  	s21 =	sadd.s32 $0x159370, s1;
	[dreg:$0x8] =	wrdreg s20  }
0x11: {  	s22 =	sadd.s32 $0x159758, s1;
	[dreg:$0x9] =	wrdreg s21  }
0x12: {  	s23 =	sadd.s32 $0x159B40, s1;
	[dreg:$0xa] =	wrdreg s22  }
0x13: {  	s24 =	sadd.s32 $0x159F28, s1;
	[dreg:$0xb] =	wrdreg s23  }
0x14: {  	s25 =	sadd.s32 $0x15A310, s1;
	[dreg:$0xc] =	wrdreg s24  }
0x15: {  	s26 =	sadd.s32 $0x15A6F8, s1;
	[dreg:$0xd] =	wrdreg s25  }
0x16: {  	s8 =	sadd.s32 $0x15AAE0, s1;
	[dreg:$0xe] =	wrdreg s26  }
0x17: {  	s10 =	sadd.s32 $0x15AEC8, s1;
	[dreg:$0xf] =	wrdreg s8  }
0x18: {  	s11 =	sadd.s32 $0x15B2B0, s1;
	[dreg:$0x10] =	wrdreg s10  }
0x19: {  	s12 =	sadd.s32 $0x15B698, s1;
	[dreg:$0x11] =	wrdreg s11  }
0x1a: {  	s13 =	sadd.s32 $0x15BA80, s1;
	[dreg:$0x12] =	wrdreg s12  }
0x1b: {  	s14 =	sadd.s32 $0x15BE68, s1;
	[dreg:$0x13] =	wrdreg s13  }
0x1c: {  	[dreg:$0x14] =	wrdreg s14;
	s15 =	sadd.s32 $0x15C250, s1  }
0x1d: {  	s16 =	sadd.s32 $0x15C638, s1;
	[dreg:$0x15] =	wrdreg s15  }
0x1e: {  	s17 =	sadd.s32 $0x15CA20, s1;
	[dreg:$0x16] =	wrdreg s16  }
0x1f: {  	s18 =	sadd.s32 $0x15CE08, s1;
	[dreg:$0x17] =	wrdreg s17  }
0x20: {  	s19 =	sadd.s32 $0x15D1F0, s1;
	[dreg:$0x18] =	wrdreg s18  }
0x21: {  	s20 =	sadd.s32 $0x15D5D8, s1;
	[dreg:$0x19] =	wrdreg s19  }
0x22: {  	s21 =	sadd.s32 $0x15D9C0, s1;
	[dreg:$0x1a] =	wrdreg s20  }
0x23: {  	s22 =	sadd.s32 $0x15DDA8, s1;
	[dreg:$0x1b] =	wrdreg s21  }
0x24: {  	s23 =	sadd.s32 $0x15E190, s1;
	[dreg:$0x1c] =	wrdreg s22  }
0x25: {  	s24 =	sadd.s32 $0x15E578, s1;
	[dreg:$0x1d] =	wrdreg s23  }
0x26: {  	s25 =	sadd.s32 $0x15E960, s1;
	[dreg:$0x1e] =	wrdreg s24  }
0x27: {  	s26 =	sadd.s32 $0x15ED48, s1;
	[dreg:$0x1f] =	wrdreg s25  }
0x28: {  	s8 =	sadd.s32 $0x15F130, s1;
	[smem:$0x78E] =	sst s26  }
0x29: {  	s10 =	sadd.s32 $0x15F518, s1;
	[smem:$0x78F] =	sst s8  }
0x2a: {  	s11 =	sadd.s32 $0x15F900, s1;
	[smem:$0x790] =	sst s10  }
0x2b: {  	s12 =	sadd.s32 $0x15FCE8, s1;
	[smem:$0x791] =	sst s11  }
0x2c: {  	s13 =	sadd.s32 $0x1600D0, s1;
	[smem:$0x792] =	sst s12  }
0x2d: {  	s14 =	sadd.s32 $0x1604B8, s1;
	[smem:$0x793] =	sst s13  }
0x2e: {  	[smem:$0x794] =	sst s14;
	s15 =	sadd.s32 $0x1608A0, s1  }
0x2f: {  	s16 =	sadd.s32 $0x160C88, s1;
	[smem:$0x795] =	sst s15  }
0x30: {  	s17 =	sadd.s32 $0x161070, s1;
	[smem:$0x796] =	sst s16  }
0x31: {  	s18 =	sadd.s32 $0x161458, s1;
	[smem:$0x797] =	sst s17  }
0x32: {  	s19 =	sadd.s32 $0x161840, s1;
	[smem:$0x798] =	sst s18  }
0x33: {  	s20 =	sadd.s32 $0x161C28, s1;
	[smem:$0x799] =	sst s19  }
0x34: {  	s21 =	sadd.s32 $0x162010, s1;
	[smem:$0x79A] =	sst s20  }
0x35: {  	s22 =	sadd.s32 $0x1623F8, s1;
	[smem:$0x79B] =	sst s21  }
0x36: {  	s23 =	sadd.s32 $0x1627E0, s1;
	[smem:$0x79C] =	sst s22  }
0x37: {  	s24 =	sadd.s32 $0x162BC8, s1;
	[smem:$0x79D] =	sst s23  }
0x38: {  	s25 =	sadd.s32 $0x162FB0, s1;
	[smem:$0x79E] =	sst s24  }
0x39: {  	s26 =	sadd.s32 $0x163398, s1;
	[smem:$0x79F] =	sst s25  }
0x3a: {  	s8 =	sadd.s32 $0x163780, s1;
	[smem:$0x7A0] =	sst s26  }
0x3b: {  	s10 =	sadd.s32 $0x163B68, s1;
	[smem:$0x7A1] =	sst s8  }
0x3c: {  	s11 =	sadd.s32 $0x163F50, s1;
	[smem:$0x7A2] =	sst s10  }
0x3d: {  	s12 =	sadd.s32 $0x164338, s1;
	[smem:$0x7A3] =	sst s11  }
0x3e: {  	s13 =	sadd.s32 $0x164720, s1;
	[smem:$0x7A4] =	sst s12  }
0x3f: {  	s14 =	sadd.s32 $0x164B08, s1;
	[smem:$0x7A5] =	sst s13  }
0x40: {  	[smem:$0x7A6] =	sst s14  }
0x41: {  	s15 =	sadd.s32 $0x164EF0, s1;
	s16 =	sadd.s32 $0x1652D8, s1  }
0x42: {  	s17 =	sadd.s32 $0x1656C0, s1;
	[smem:$0x7A7] =	sst s15  }
0x43: {  	s18 =	sadd.s32 $0x165AA8, s1;
	[smem:$0x7A8] =	sst s16  }
0x44: {  	s8 =	sadd.s32 $0x165E90, s1;
	[smem:$0x7A9] =	sst s17  }
0x45: {  	s20 =	sadd.s32 $0x166278, s1;
	[smem:$0x7AA] =	sst s18  }
0x46: {  	s10 =	sadd.s32 $0x166660, s1;
	[smem:$0x7AB] =	sst s8  }
0x47: {  	s22 =	sadd.s32 $0x166A48, s1;
	[smem:$0x7AC] =	sst s20  }
0x48: {  	s23 =	sadd.s32 $0x166E30, s1;
	[smem:$0x7AD] =	sst s10  }
0x49: {  	s24 =	sadd.s32 $0x167218, s1;
	[smem:$0x7AE] =	sst s22  }
0x4a: {  	s25 =	sadd.s32 $0x167600, s1;
	[smem:$0x7AF] =	sst s23  }
0x4b: {  	s26 =	sadd.s32 $0x1679E8, s1;
	[smem:$0x7B0] =	sst s24  }
0x4c: {  	s6 =	sadd.s32 $0x8100, s2;
	s11 =	sadd.s32 $0x1681B8, s1;
	[smem:$0x7B1] =	sst s25  }
0x4d: {  	s4 =	sadd.s32 s4, s2;
	s12 =	sadd.s32 $0x1685A0, s1;
	[smem:$0x7B2] =	sst s26  }
0x4e: {  	s2 =	smul.u32 $0xABE00, s7;
	s13 =	sadd.s32 $0x168988, s1;
	[smem:$0x7B4] =	sst s11  }
0x4f: {  	s19 =	ssub.s32 $0x2, s0;
	s14 =	sadd.s32 $0x168D70, s1;
	[smem:$0x7B5] =	sst s12  }
0x50: {  	s21 =	sshrl.u32 s19, $0x1;
	s10 =	sadd.s32 $0x167DD0, s1;
	[smem:$0x7B6] =	sst s13  }
0x51: {  	s8 =	sshrl.u32 s2, $0x3;
	[smem:$0x7B7] =	sst s14;
	s15 =	sadd.s32 $0x169158, s1  }
0x52: {  	s7 =	ssub.s32 s19, s21;
	[smem:$0x7B3] =	sst s10;
	s21 =	sadd.s32 s9, s8  }
0x53: {  	[smem:$0x7B8] =	sst s15;
	s16 =	sadd.s32 $0x3E8, s21  }
0x54: {  	s17 =	sadd.s32 $0x7D0, s21;
	[smem:$0x7B9] =	sst s16  }
0x55: {  	s18 =	sadd.s32 $0xBB8, s21;
	[smem:$0x7BA] =	sst s17  }
0x56: {  	s19 =	sadd.s32 $0xFA0, s21;
	[smem:$0x7BB] =	sst s18  }
0x57: {  	s20 =	sadd.s32 $0x1388, s21;
	[smem:$0x7BC] =	sst s19  }
0x58: {  	s22 =	sadd.s32 $0x1770, s21;
	[smem:$0x7BD] =	sst s20  }
0x59: {  	s23 =	sadd.s32 $0x1B58, s21;
	[smem:$0x7BE] =	sst s22  }
0x5a: {  	s24 =	sadd.s32 $0x1F40, s21;
	[smem:$0x7BF] =	sst s23  }
0x5b: {  	s25 =	sadd.s32 $0x2328, s21;
	[smem:$0x7C0] =	sst s24  }
0x5c: {  	s1 =	sadd.s32 $0x2710, s21;
	[smem:$0x7C1] =	sst s25  }
0x5d: {  	s2 =	sadd.s32 $0x2AF8, s21;
	[smem:$0x7C2] =	sst s1  }
0x5e: {  	s26 =	smax.u32 s7, $0x1;
	s7 =	sadd.s32 $0x2EE0, s21;
	[smem:$0x7C3] =	sst s2  }
0x5f: {  	s8 =	sadd.s32 $0x32C8, s21;
	[smem:$0x7C4] =	sst s7  }
0x60: {  	s9 =	sadd.s32 $0x36B0, s21;
	[smem:$0x7C5] =	sst s8  }
0x61: {  	s10 =	sadd.s32 $0x3A98, s21;
	[smem:$0x7C6] =	sst s9  }
0x62: {  	s11 =	sadd.s32 $0x3E80, s21;
	[smem:$0x7C7] =	sst s10  }
0x63: {  	s12 =	sadd.s32 $0x4268, s21;
	[smem:$0x7C8] =	sst s11  }
0x64: {  	s13 =	sadd.s32 $0x4650, s21;
	[smem:$0x7C9] =	sst s12  }
0x65: {  	s14 =	sadd.s32 $0x4A38, s21;
	[smem:$0x7CA] =	sst s13  }
0x66: {  	s15 =	sadd.s32 $0x4E20, s21;
	[smem:$0x7CB] =	sst s14  }
0x67: {  	[smem:$0x7CC] =	sst s15;
	s16 =	sadd.s32 $0x5208, s21  }
0x68: {  	s17 =	sadd.s32 $0x55F0, s21;
	[smem:$0x7CD] =	sst s16  }
0x69: {  	s18 =	sadd.s32 $0x59D8, s21;
	[smem:$0x7CE] =	sst s17  }
0x6a: {  	s19 =	sadd.s32 $0x5DC0, s21;
	[smem:$0x7CF] =	sst s18  }
0x6b: {  	s20 =	sadd.s32 $0x61A8, s21;
	[smem:$0x7D0] =	sst s19  }
0x6c: {  	s22 =	sadd.s32 $0x6590, s21;
	[smem:$0x7D1] =	sst s20  }
0x6d: {  	s23 =	sadd.s32 $0x6978, s21;
	[smem:$0x7D2] =	sst s22  }
0x6e: {  	s24 =	sadd.s32 $0x6D60, s21;
	[smem:$0x7D3] =	sst s23  }
0x6f: {  	s25 =	sadd.s32 $0x7148, s21;
	[smem:$0x7D4] =	sst s24  }
0x70: {  	s1 =	sadd.s32 $0x7530, s21;
	[smem:$0x7D5] =	sst s25  }
0x71: {  	s2 =	sadd.s32 $0x7918, s21;
	[smem:$0x7D6] =	sst s1  }
0x72: {  	s7 =	sadd.s32 $0x7D00, s21;
	[smem:$0x7D7] =	sst s2  }
0x73: {  	s8 =	sadd.s32 $0x80E8, s21;
	[smem:$0x7D8] =	sst s7  }
0x74: {  	s9 =	sadd.s32 $0x84D0, s21;
	[smem:$0x7D9] =	sst s8  }
0x75: {  	s10 =	sadd.s32 $0x88B8, s21;
	[smem:$0x7DA] =	sst s9  }
0x76: {  	s11 =	sadd.s32 $0x8CA0, s21;
	[smem:$0x7DB] =	sst s10  }
0x77: {  	s12 =	sadd.s32 $0x9088, s21;
	[smem:$0x7DC] =	sst s11  }
0x78: {  	s13 =	sadd.s32 $0x9470, s21;
	[smem:$0x7DD] =	sst s12  }
0x79: {  	s14 =	sadd.s32 $0x9858, s21;
	[smem:$0x7DE] =	sst s13  }
0x7a: {  	s15 =	sadd.s32 $0x9C40, s21;
	[smem:$0x7DF] =	sst s14  }
0x7b: {  	[smem:$0x7E0] =	sst s15;
	s16 =	sadd.s32 $0xA028, s21  }
0x7c: {  	s17 =	sadd.s32 $0xA410, s21;
	[smem:$0x7E1] =	sst s16  }
0x7d: {  	s18 =	sadd.s32 $0xA7F8, s21;
	[smem:$0x7E2] =	sst s17  }
0x7e: {  	s19 =	sadd.s32 $0xABE0, s21;
	[smem:$0x7E3] =	sst s18  }
0x7f: {  	s20 =	sadd.s32 $0xAFC8, s21;
	[smem:$0x7E4] =	sst s19  }
0x80: {  	s22 =	sadd.s32 $0xB3B0, s21;
	[smem:$0x7E5] =	sst s20  }
0x81: {  	s23 =	sadd.s32 $0xB798, s21;
	[smem:$0x7E6] =	sst s22  }
0x82: {  	s24 =	sadd.s32 $0xBB80, s21;
	[smem:$0x7E7] =	sst s23  }
0x83: {  	s25 =	sadd.s32 $0xBF68, s21;
	[smem:$0x7E8] =	sst s24  }
0x84: {  	s1 =	sadd.s32 $0xC350, s21;
	[smem:$0x7E9] =	sst s25  }
0x85: {  	s2 =	sadd.s32 $0xC738, s21;
	[smem:$0x7EA] =	sst s1  }
0x86: {  	s7 =	sadd.s32 $0xCB20, s21;
	[smem:$0x7EB] =	sst s2  }
0x87: {  	s8 =	sadd.s32 $0xCF08, s21;
	[smem:$0x7EC] =	sst s7  }
0x88: {  	p0 =	seq.s32 s0, $0x1;
	s9 =	sadd.s32 $0xD2F0, s21;
	[smem:$0x7ED] =	sst s8  }
0x89: {  	s4 =	sadd.s32 $0x400, s4;
	s10 =	sadd.s32 $0xD6D8, s21;
	[smem:$0x7EE] =	sst s9  }
0x8a: {  	s28 =	sadd.s32 $0x128E0, s21;
	s11 =	sadd.s32 $0xDAC0, s21;
	[smem:$0x7EF] =	sst s10  }
0x8b: {  	s29 =	sadd.s32 $0x12CC8, s21;
	s12 =	sadd.s32 $0xDEA8, s21;
	[smem:$0x7F0] =	sst s11  }
0x8c: {  	s30 =	sadd.s32 $0x130B0, s21;
	s13 =	sadd.s32 $0xE290, s21;
	[smem:$0x7F1] =	sst s12  }
0x8d: {  	s31 =	sadd.s32 $0x13498, s21;
	s14 =	sadd.s32 $0xE678, s21;
	[smem:$0x7F2] =	sst s13  }
0x8e: {  	s0 =	sadd.s32 $0x13C68, s21;
	s15 =	sadd.s32 $0xEA60, s21;
	[smem:$0x7F3] =	sst s14  }
0x8f: {  	[smem:$0x7F4] =	sst s15;
	s16 =	sadd.s32 $0xEE48, s21;
	s17 =	sadd.s32 $0xF230, s21  }
0x90: {  	s18 =	sadd.s32 $0xF618, s21;
	s19 =	sadd.s32 $0xFA00, s21;
	s20 =	sadd.s32 $0xFDE8, s21  }
0x91: {  	s22 =	sadd.s32 $0x101D0, s21;
	s23 =	sadd.s32 $0x105B8, s21;
	[smem:$0x7F5] =	sst s16  }
0x92: {  	s24 =	sadd.s32 $0x109A0, s21;
	s25 =	sadd.s32 $0x10D88, s21;
	[smem:$0x7F6] =	sst s17  }
0x93: {  	s1 =	sadd.s32 $0x13880, s21;
	s7 =	sadd.s32 $0x14050, s21;
	[smem:$0x7F7] =	sst s18  }
0x94: {  	s8 =	sadd.s32 $0x14438, s21;
	s9 =	sadd.s32 $0x14820, s21;
	[smem:$0x7F8] =	sst s19  }
0x95: {  	s2 =	sadd.s32 $0x14C08, s21;
	s10 =	sadd.s32 $0x14FF0, s21;
	[smem:$0x7F9] =	sst s20  }
0x96: {  	s11 =	sadd.s32 $0x153D8, s21;
	s12 =	simm.s32 $0x300;
	[smem:$0x7FA] =	sst s22  }
.Ltmp0:
0x97: {  	s13 =	simm.s32 $0x3;
	[smem:$0x7FB] =	sst s23;
	(pc) =	sbr.rel .LBB2_1-.Ltmp0, $4  }
0x98: {  	s14 =	simm.s32 $0x2280;
	s15 =	simm.s32 $0x1;
	[smem:$0x7FC] =	sst s24  }
0x99: {  	[smem:$0x7FD] =	sst s25;
	s19 =	sadd.s32 $0x11170, s21;
	s20 =	sadd.s32 $0x11558, s21  }
0x9a: {  	s22 =	sadd.s32 $0x11940, s21;
	s23 =	sadd.s32 $0x11D28, s21;
	s24 =	sadd.s32 $0x12110, s21  }
0x9b: {  	s25 =	sadd.s32 $0x124F8, s21;
	s16 =	simm.s32 $0x2C0;
	s17 =	simm.s32 $0x2  }
.LBB2_3:
0x9c: {  	s18 =	rddreg [dreg:$0x3]  }
0x9d: {  	[hbm4b:s18+s3] =	stream.linear.scatter [tilespmem:s12], [sflag:$0x1], $0x1F40, $0x38;
	[tilespmem:$0x2580] =	vst v63  }
0x9e: {  	s18 =	rddreg [dreg:$0x4]  }
0x9f: {  	[hbm4b:s18+s3] =	stream.linear.scatter [tilespmem:s12], [sflag:$0x1], $0x1F40, $0x38;
	[tilespmem:$0x2580] =	vst v63  }
0xa0: {  	s18 =	rddreg [dreg:$0x5]  }
0xa1: {  	[hbm4b:s18+s3] =	stream.linear.scatter [tilespmem:s12], [sflag:$0x1], $0x1F40, $0x38;
	[tilespmem:$0x2580] =	vst v63  }
0xa2: {  	s18 =	rddreg [dreg:$0x6]  }
0xa3: {  	[hbm4b:s18+s3] =	stream.linear.scatter [tilespmem:s12], [sflag:$0x1], $0x1F40, $0x38;
	[tilespmem:$0x2580] =	vst v63  }
0xa4: {  	s18 =	rddreg [dreg:$0x7]  }
0xa5: {  	[hbm4b:s18+s3] =	stream.linear.scatter [tilespmem:s12], [sflag:$0x1], $0x1F40, $0x38;
	[tilespmem:$0x2580] =	vst v63  }
0xa6: {  	s18 =	rddreg [dreg:$0x8]  }
0xa7: {  	[hbm4b:s18+s3] =	stream.linear.scatter [tilespmem:s12], [sflag:$0x1], $0x1F40, $0x38;
	[tilespmem:$0x2580] =	vst v63  }
0xa8: {  	s18 =	rddreg [dreg:$0x9]  }
0xa9: {  	[hbm4b:s18+s3] =	stream.linear.scatter [tilespmem:s12], [sflag:$0x1], $0x1F40, $0x38;
	[tilespmem:$0x2580] =	vst v63  }
0xaa: {  	s18 =	rddreg [dreg:$0xa]  }
0xab: {  	[hbm4b:s18+s3] =	stream.linear.scatter [tilespmem:s12], [sflag:$0x1], $0x1F40, $0x38;
	[tilespmem:$0x2580] =	vst v63  }
0xac: {  	s18 =	rddreg [dreg:$0xb]  }
0xad: {  	[hbm4b:s18+s3] =	stream.linear.scatter [tilespmem:s12], [sflag:$0x1], $0x1F40, $0x38;
	[tilespmem:$0x2580] =	vst v63  }
0xae: {  	s18 =	rddreg [dreg:$0xc]  }
0xaf: {  	[hbm4b:s18+s3] =	stream.linear.scatter [tilespmem:s12], [sflag:$0x1], $0x1F40, $0x38;
	[tilespmem:$0x2580] =	vst v63  }
0xb0: {  	s18 =	rddreg [dreg:$0xd]  }
0xb1: {  	[hbm4b:s18+s3] =	stream.linear.scatter [tilespmem:s12], [sflag:$0x1], $0x1F40, $0x38;
	[tilespmem:$0x2580] =	vst v63  }
0xb2: {  	s18 =	rddreg [dreg:$0xe]  }
0xb3: {  	[hbm4b:s18+s3] =	stream.linear.scatter [tilespmem:s12], [sflag:$0x1], $0x1F40, $0x38;
	[tilespmem:$0x2580] =	vst v63  }
0xb4: {  	s18 =	rddreg [dreg:$0xf]  }
0xb5: {  	[hbm4b:s18+s3] =	stream.linear.scatter [tilespmem:s12], [sflag:$0x1], $0x1F40, $0x38;
	[tilespmem:$0x2580] =	vst v63  }
0xb6: {  	s18 =	rddreg [dreg:$0x10]  }
0xb7: {  	[hbm4b:s18+s3] =	stream.linear.scatter [tilespmem:s12], [sflag:$0x1], $0x1F40, $0x38;
	[tilespmem:$0x2580] =	vst v63  }
0xb8: {  	s18 =	rddreg [dreg:$0x11]  }
0xb9: {  	[hbm4b:s18+s3] =	stream.linear.scatter [tilespmem:s12], [sflag:$0x1], $0x1F40, $0x38;
	[tilespmem:$0x2580] =	vst v63  }
0xba: {  	s18 =	rddreg [dreg:$0x12]  }
0xbb: {  	[hbm4b:s18+s3] =	stream.linear.scatter [tilespmem:s12], [sflag:$0x1], $0x1F40, $0x38;
	[tilespmem:$0x2580] =	vst v63  }
0xbc: {  	s18 =	rddreg [dreg:$0x13]  }
0xbd: {  	[hbm4b:s18+s3] =	stream.linear.scatter [tilespmem:s12], [sflag:$0x1], $0x1F40, $0x38;
	[tilespmem:$0x2580] =	vst v63  }
0xbe: {  	s18 =	rddreg [dreg:$0x14]  }
0xbf: {  	[hbm4b:s18+s3] =	stream.linear.scatter [tilespmem:s12], [sflag:$0x1], $0x1F40, $0x38;
	[tilespmem:$0x2580] =	vst v63  }
0xc0: {  	s18 =	rddreg [dreg:$0x15]  }
0xc1: {  	[hbm4b:s18+s3] =	stream.linear.scatter [tilespmem:s12], [sflag:$0x1], $0x1F40, $0x38;
	[tilespmem:$0x2580] =	vst v63  }
0xc2: {  	s18 =	rddreg [dreg:$0x16]  }
0xc3: {  	[hbm4b:s18+s3] =	stream.linear.scatter [tilespmem:s12], [sflag:$0x1], $0x1F40, $0x38;
	[tilespmem:$0x2580] =	vst v63  }
0xc4: {  	s18 =	rddreg [dreg:$0x17]  }
0xc5: {  	[hbm4b:s18+s3] =	stream.linear.scatter [tilespmem:s12], [sflag:$0x1], $0x1F40, $0x38;
	[tilespmem:$0x2580] =	vst v63  }
0xc6: {  	s18 =	rddreg [dreg:$0x18]  }
0xc7: {  	[hbm4b:s18+s3] =	stream.linear.scatter [tilespmem:s12], [sflag:$0x1], $0x1F40, $0x38;
	[tilespmem:$0x2580] =	vst v63  }
0xc8: {  	s18 =	rddreg [dreg:$0x19]  }
0xc9: {  	[hbm4b:s18+s3] =	stream.linear.scatter [tilespmem:s12], [sflag:$0x1], $0x1F40, $0x38;
	[tilespmem:$0x2580] =	vst v63  }
0xca: {  	s18 =	rddreg [dreg:$0x1a]  }
0xcb: {  	[hbm4b:s18+s3] =	stream.linear.scatter [tilespmem:s12], [sflag:$0x1], $0x1F40, $0x38;
	[tilespmem:$0x2580] =	vst v63  }
0xcc: {  	s18 =	rddreg [dreg:$0x1b]  }
0xcd: {  	[hbm4b:s18+s3] =	stream.linear.scatter [tilespmem:s12], [sflag:$0x1], $0x1F40, $0x38;
	[tilespmem:$0x2580] =	vst v63  }
0xce: {  	s18 =	rddreg [dreg:$0x1c]  }
0xcf: {  	[hbm4b:s18+s3] =	stream.linear.scatter [tilespmem:s12], [sflag:$0x1], $0x1F40, $0x38;
	[tilespmem:$0x2580] =	vst v63  }
0xd0: {  	s18 =	rddreg [dreg:$0x1d]  }
0xd1: {  	[hbm4b:s18+s3] =	stream.linear.scatter [tilespmem:s12], [sflag:$0x1], $0x1F40, $0x38;
	[tilespmem:$0x2580] =	vst v63  }
0xd2: {  	s18 =	rddreg [dreg:$0x1e]  }
0xd3: {  	[hbm4b:s18+s3] =	stream.linear.scatter [tilespmem:s12], [sflag:$0x1], $0x1F40, $0x38;
	[tilespmem:$0x2580] =	vst v63  }
0xd4: {  	s18 =	rddreg [dreg:$0x1f]  }
0xd5: {  	[hbm4b:s18+s3] =	stream.linear.scatter [tilespmem:s12], [sflag:$0x1], $0x1F40, $0x38;
	[tilespmem:$0x2580] =	vst v63  }
0xd6: {  	s18 =	sld [smem:$0x78E];
	_ =	sdelay $0x2  }
0xd7: {  	[hbm4b:s18+s3] =	stream.linear.scatter [tilespmem:s12], [sflag:$0x1], $0x1F40, $0x38;
	[tilespmem:$0x2580] =	vst v63  }
0xd8: {  	s18 =	sld [smem:$0x78F];
	_ =	sdelay $0x2  }
0xd9: {  	[hbm4b:s18+s3] =	stream.linear.scatter [tilespmem:s12], [sflag:$0x1], $0x1F40, $0x38;
	[tilespmem:$0x2580] =	vst v63  }
0xda: {  	s18 =	sld [smem:$0x790];
	_ =	sdelay $0x2  }
0xdb: {  	[hbm4b:s18+s3] =	stream.linear.scatter [tilespmem:s12], [sflag:$0x1], $0x1F40, $0x38;
	[tilespmem:$0x2580] =	vst v63  }
0xdc: {  	s18 =	sld [smem:$0x791];
	_ =	sdelay $0x2  }
0xdd: {  	[hbm4b:s18+s3] =	stream.linear.scatter [tilespmem:s12], [sflag:$0x1], $0x1F40, $0x38;
	[tilespmem:$0x2580] =	vst v63  }
0xde: {  	s18 =	sld [smem:$0x792];
	_ =	sdelay $0x2  }
0xdf: {  	[hbm4b:s18+s3] =	stream.linear.scatter [tilespmem:s12], [sflag:$0x1], $0x1F40, $0x38;
	[tilespmem:$0x2580] =	vst v63  }
0xe0: {  	s18 =	sld [smem:$0x793];
	_ =	sdelay $0x2  }
0xe1: {  	[hbm4b:s18+s3] =	stream.linear.scatter [tilespmem:s12], [sflag:$0x1], $0x1F40, $0x38;
	[tilespmem:$0x2580] =	vst v63  }
0xe2: {  	s18 =	sld [smem:$0x794];
	_ =	sdelay $0x2  }
0xe3: {  	[hbm4b:s18+s3] =	stream.linear.scatter [tilespmem:s12], [sflag:$0x1], $0x1F40, $0x38;
	[tilespmem:$0x2580] =	vst v63  }
0xe4: {  	s18 =	sld [smem:$0x795];
	_ =	sdelay $0x2  }
0xe5: {  	[hbm4b:s18+s3] =	stream.linear.scatter [tilespmem:s12], [sflag:$0x1], $0x1F40, $0x38;
	[tilespmem:$0x2580] =	vst v63  }
0xe6: {  	s18 =	sld [smem:$0x796];
	_ =	sdelay $0x2  }
0xe7: {  	[hbm4b:s18+s3] =	stream.linear.scatter [tilespmem:s12], [sflag:$0x1], $0x1F40, $0x38;
	[tilespmem:$0x2580] =	vst v63  }
0xe8: {  	s18 =	sld [smem:$0x797];
	_ =	sdelay $0x2  }
0xe9: {  	[hbm4b:s18+s3] =	stream.linear.scatter [tilespmem:s12], [sflag:$0x1], $0x1F40, $0x38;
	[tilespmem:$0x2580] =	vst v63  }
0xea: {  	s18 =	sld [smem:$0x798];
	_ =	sdelay $0x2  }
0xeb: {  	[hbm4b:s18+s3] =	stream.linear.scatter [tilespmem:s12], [sflag:$0x1], $0x1F40, $0x38;
	[tilespmem:$0x2580] =	vst v63  }
0xec: {  	s18 =	sld [smem:$0x799];
	_ =	sdelay $0x2  }
0xed: {  	[hbm4b:s18+s3] =	stream.linear.scatter [tilespmem:s12], [sflag:$0x1], $0x1F40, $0x38;
	[tilespmem:$0x2580] =	vst v63  }
0xee: {  	s18 =	sld [smem:$0x79A];
	_ =	sdelay $0x2  }
0xef: {  	[hbm4b:s18+s3] =	stream.linear.scatter [tilespmem:s12], [sflag:$0x1], $0x1F40, $0x38;
	[tilespmem:$0x2580] =	vst v63  }
0xf0: {  	s18 =	sld [smem:$0x79B];
	_ =	sdelay $0x2  }
0xf1: {  	[hbm4b:s18+s3] =	stream.linear.scatter [tilespmem:s12], [sflag:$0x1], $0x1F40, $0x38;
	[tilespmem:$0x2580] =	vst v63  }
0xf2: {  	s18 =	sld [smem:$0x79C];
	_ =	sdelay $0x2  }
0xf3: {  	[hbm4b:s18+s3] =	stream.linear.scatter [tilespmem:s12], [sflag:$0x1], $0x1F40, $0x38;
	[tilespmem:$0x2580] =	vst v63  }
0xf4: {  	s18 =	sld [smem:$0x79D];
	_ =	sdelay $0x2  }
0xf5: {  	[hbm4b:s18+s3] =	stream.linear.scatter [tilespmem:s12], [sflag:$0x1], $0x1F40, $0x38;
	[tilespmem:$0x2580] =	vst v63  }
0xf6: {  	s18 =	sld [smem:$0x79E];
	_ =	sdelay $0x2  }
0xf7: {  	[hbm4b:s18+s3] =	stream.linear.scatter [tilespmem:s12], [sflag:$0x1], $0x1F40, $0x38;
	[tilespmem:$0x2580] =	vst v63  }
0xf8: {  	s18 =	sld [smem:$0x79F];
	_ =	sdelay $0x2  }
0xf9: {  	[hbm4b:s18+s3] =	stream.linear.scatter [tilespmem:s12], [sflag:$0x1], $0x1F40, $0x38;
	[tilespmem:$0x2580] =	vst v63  }
0xfa: {  	s18 =	sld [smem:$0x7A0];
	_ =	sdelay $0x2  }
0xfb: {  	[hbm4b:s18+s3] =	stream.linear.scatter [tilespmem:s12], [sflag:$0x1], $0x1F40, $0x38;
	[tilespmem:$0x2580] =	vst v63  }
0xfc: {  	s18 =	sld [smem:$0x7A1];
	_ =	sdelay $0x2  }
0xfd: {  	[hbm4b:s18+s3] =	stream.linear.scatter [tilespmem:s12], [sflag:$0x1], $0x1F40, $0x38;
	[tilespmem:$0x2580] =	vst v63  }
0xfe: {  	s18 =	sld [smem:$0x7A2];
	_ =	sdelay $0x2  }
0xff: {  	[hbm4b:s18+s3] =	stream.linear.scatter [tilespmem:s12], [sflag:$0x1], $0x1F40, $0x38;
	[tilespmem:$0x2580] =	vst v63  }
0x100: {  	s18 =	sld [smem:$0x7A3];
	_ =	sdelay $0x2  }
0x101: {  	[hbm4b:s18+s3] =	stream.linear.scatter [tilespmem:s12], [sflag:$0x1], $0x1F40, $0x38;
	[tilespmem:$0x2580] =	vst v63  }
0x102: {  	s18 =	sld [smem:$0x7A4];
	_ =	sdelay $0x2  }
0x103: {  	[hbm4b:s18+s3] =	stream.linear.scatter [tilespmem:s12], [sflag:$0x1], $0x1F40, $0x38;
	[tilespmem:$0x2580] =	vst v63  }
0x104: {  	s18 =	sld [smem:$0x7A5];
	_ =	sdelay $0x2  }
0x105: {  	[hbm4b:s18+s3] =	stream.linear.scatter [tilespmem:s12], [sflag:$0x1], $0x1F40, $0x38;
	[tilespmem:$0x2580] =	vst v63  }
0x106: {  	s18 =	sld [smem:$0x7A6];
	_ =	sdelay $0x2  }
0x107: {  	[hbm4b:s18+s3] =	stream.linear.scatter [tilespmem:s12], [sflag:$0x1], $0x1F40, $0x38;
	[tilespmem:$0x2580] =	vst v63  }
0x108: {  	s18 =	sld [smem:$0x7A7];
	_ =	sdelay $0x2  }
0x109: {  	[hbm4b:s18+s3] =	stream.linear.scatter [tilespmem:s12], [sflag:$0x1], $0x1F40, $0x38;
	[tilespmem:$0x2580] =	vst v63  }
0x10a: {  	s18 =	sld [smem:$0x7A8];
	_ =	sdelay $0x2  }
0x10b: {  	[hbm4b:s18+s3] =	stream.linear.scatter [tilespmem:s12], [sflag:$0x1], $0x1F40, $0x38;
	[tilespmem:$0x2580] =	vst v63  }
0x10c: {  	s18 =	sld [smem:$0x7A9];
	_ =	sdelay $0x2  }
0x10d: {  	[hbm4b:s18+s3] =	stream.linear.scatter [tilespmem:s12], [sflag:$0x1], $0x1F40, $0x38;
	[tilespmem:$0x2580] =	vst v63  }
0x10e: {  	s18 =	sld [smem:$0x7AA];
	_ =	sdelay $0x2  }
0x10f: {  	[hbm4b:s18+s3] =	stream.linear.scatter [tilespmem:s12], [sflag:$0x1], $0x1F40, $0x38;
	[tilespmem:$0x2580] =	vst v63  }
0x110: {  	s18 =	sld [smem:$0x7AB];
	_ =	sdelay $0x2  }
0x111: {  	[hbm4b:s18+s3] =	stream.linear.scatter [tilespmem:s12], [sflag:$0x1], $0x1F40, $0x38;
	[tilespmem:$0x2580] =	vst v63  }
0x112: {  	s18 =	sld [smem:$0x7AC];
	_ =	sdelay $0x2  }
0x113: {  	[hbm4b:s18+s3] =	stream.linear.scatter [tilespmem:s12], [sflag:$0x1], $0x1F40, $0x38;
	[tilespmem:$0x2580] =	vst v63  }
0x114: {  	s18 =	sld [smem:$0x7AD];
	_ =	sdelay $0x2  }
0x115: {  	[hbm4b:s18+s3] =	stream.linear.scatter [tilespmem:s12], [sflag:$0x1], $0x1F40, $0x38;
	[tilespmem:$0x2580] =	vst v63  }
0x116: {  	s18 =	sld [smem:$0x7AE];
	_ =	sdelay $0x2  }
0x117: {  	[hbm4b:s18+s3] =	stream.linear.scatter [tilespmem:s12], [sflag:$0x1], $0x1F40, $0x38;
	[tilespmem:$0x2580] =	vst v63  }
0x118: {  	s18 =	sld [smem:$0x7AF];
	_ =	sdelay $0x2  }
0x119: {  	[hbm4b:s18+s3] =	stream.linear.scatter [tilespmem:s12], [sflag:$0x1], $0x1F40, $0x38;
	[tilespmem:$0x2580] =	vst v63  }
0x11a: {  	s18 =	sld [smem:$0x7B0];
	_ =	sdelay $0x2  }
0x11b: {  	[hbm4b:s18+s3] =	stream.linear.scatter [tilespmem:s12], [sflag:$0x1], $0x1F40, $0x38;
	[tilespmem:$0x2580] =	vst v63  }
0x11c: {  	s18 =	sld [smem:$0x7B1];
	_ =	sdelay $0x2  }
0x11d: {  	[hbm4b:s18+s3] =	stream.linear.scatter [tilespmem:s12], [sflag:$0x1], $0x1F40, $0x38;
	[tilespmem:$0x2580] =	vst v63  }
0x11e: {  	s18 =	sld [smem:$0x7B2];
	_ =	sdelay $0x2  }
0x11f: {  	[hbm4b:s18+s3] =	stream.linear.scatter [tilespmem:s12], [sflag:$0x1], $0x1F40, $0x38;
	[tilespmem:$0x2580] =	vst v63  }
0x120: {  	s18 =	sld [smem:$0x7B3];
	_ =	sdelay $0x2  }
0x121: {  	[hbm4b:s18+s3] =	stream.linear.scatter [tilespmem:s12], [sflag:$0x1], $0x1F40, $0x38;
	[tilespmem:$0x2580] =	vst v63  }
0x122: {  	s18 =	sld [smem:$0x7B4];
	_ =	sdelay $0x2  }
0x123: {  	[hbm4b:s18+s3] =	stream.linear.scatter [tilespmem:s12], [sflag:$0x1], $0x1F40, $0x38;
	[tilespmem:$0x2580] =	vst v63  }
0x124: {  	s18 =	sld [smem:$0x7B5];
	_ =	sdelay $0x2  }
0x125: {  	[hbm4b:s18+s3] =	stream.linear.scatter [tilespmem:s12], [sflag:$0x1], $0x1F40, $0x38;
	[tilespmem:$0x2580] =	vst v63  }
0x126: {  	s18 =	sld [smem:$0x7B6];
	_ =	sdelay $0x2  }
0x127: {  	[hbm4b:s18+s3] =	stream.linear.scatter [tilespmem:s12], [sflag:$0x1], $0x1F40, $0x38;
	[tilespmem:$0x2580] =	vst v63  }
0x128: {  	s18 =	sld [smem:$0x7B7];
	_ =	sdelay $0x2  }
0x129: {  	[hbm4b:s18+s3] =	stream.linear.scatter [tilespmem:s12], [sflag:$0x1], $0x1F40, $0x38;
	[tilespmem:$0x2580] =	vst v63  }
0x12a: {  	s18 =	sld [smem:$0x7B8];
	_ =	sdelay $0x2  }
0x12b: {  	[hbm4b:s18+s3] =	stream.linear.scatter [tilespmem:s12], [sflag:$0x1], $0x1F40, $0x38;
	[tilespmem:$0x2580] =	vst v63  }
.LBB2_4:
0x12c: {  	_ =	swait.ge [sflag:s15], $0x1F40  }
0x12d: {  	[sflag:s15] =	ssyncset.done $0x0  }
0x12e: {  	[sflag:s15] =	ssyncadd.s32 $0xFFFFE0C0  }
0x12f: {  	_ =	swait.ge [sflag:s15], $0x1F40  }
0x130: {  	[sflag:s15] =	ssyncset.done $0x0  }
0x131: {  	[sflag:s15] =	ssyncadd.s32 $0xFFFFE0C0  }
0x132: {  	_ =	swait.ge [sflag:s15], $0x1F40  }
0x133: {  	[sflag:s15] =	ssyncset.done $0x0  }
0x134: {  	[sflag:s15] =	ssyncadd.s32 $0xFFFFE0C0  }
0x135: {  	_ =	swait.ge [sflag:s15], $0x1F40  }
0x136: {  	[sflag:s15] =	ssyncset.done $0x0  }
0x137: {  	[sflag:s15] =	ssyncadd.s32 $0xFFFFE0C0  }
0x138: {  	_ =	swait.ge [sflag:s15], $0x1F40  }
0x139: {  	[sflag:s15] =	ssyncset.done $0x0  }
0x13a: {  	[sflag:s15] =	ssyncadd.s32 $0xFFFFE0C0  }
0x13b: {  	_ =	swait.ge [sflag:s15], $0x1F40  }
0x13c: {  	[sflag:s15] =	ssyncset.done $0x0  }
0x13d: {  	[sflag:s15] =	ssyncadd.s32 $0xFFFFE0C0  }
0x13e: {  	_ =	swait.ge [sflag:s15], $0x1F40  }
0x13f: {  	[sflag:s15] =	ssyncset.done $0x0  }
0x140: {  	[sflag:s15] =	ssyncadd.s32 $0xFFFFE0C0  }
0x141: {  	_ =	swait.ge [sflag:s15], $0x1F40  }
0x142: {  	[sflag:s15] =	ssyncset.done $0x0  }
0x143: {  	[sflag:s15] =	ssyncadd.s32 $0xFFFFE0C0  }
0x144: {  	_ =	swait.ge [sflag:s15], $0x1F40  }
0x145: {  	[sflag:s15] =	ssyncset.done $0x0  }
0x146: {  	[sflag:s15] =	ssyncadd.s32 $0xFFFFE0C0  }
0x147: {  	_ =	swait.ge [sflag:s15], $0x1F40  }
0x148: {  	[sflag:s15] =	ssyncset.done $0x0  }
0x149: {  	[sflag:s15] =	ssyncadd.s32 $0xFFFFE0C0  }
0x14a: {  	_ =	swait.ge [sflag:s15], $0x1F40  }
0x14b: {  	[sflag:s15] =	ssyncset.done $0x0  }
0x14c: {  	[sflag:s15] =	ssyncadd.s32 $0xFFFFE0C0  }
0x14d: {  	_ =	swait.ge [sflag:s15], $0x1F40  }
0x14e: {  	[sflag:s15] =	ssyncset.done $0x0  }
0x14f: {  	[sflag:s15] =	ssyncadd.s32 $0xFFFFE0C0  }
0x150: {  	_ =	swait.ge [sflag:s15], $0x1F40  }
0x151: {  	[sflag:s15] =	ssyncset.done $0x0  }
0x152: {  	[sflag:s15] =	ssyncadd.s32 $0xFFFFE0C0  }
0x153: {  	_ =	swait.ge [sflag:s15], $0x1F40  }
0x154: {  	[sflag:s15] =	ssyncset.done $0x0  }
0x155: {  	[sflag:s15] =	ssyncadd.s32 $0xFFFFE0C0  }
0x156: {  	_ =	swait.ge [sflag:s15], $0x1F40  }
0x157: {  	[sflag:s15] =	ssyncset.done $0x0  }
0x158: {  	[sflag:s15] =	ssyncadd.s32 $0xFFFFE0C0  }
0x159: {  	_ =	swait.ge [sflag:s15], $0x1F40  }
0x15a: {  	[sflag:s15] =	ssyncset.done $0x0  }
0x15b: {  	[sflag:s15] =	ssyncadd.s32 $0xFFFFE0C0  }
0x15c: {  	_ =	swait.ge [sflag:s15], $0x1F40  }
0x15d: {  	[sflag:s15] =	ssyncset.done $0x0  }
0x15e: {  	[sflag:s15] =	ssyncadd.s32 $0xFFFFE0C0  }
0x15f: {  	_ =	swait.ge [sflag:s15], $0x1F40  }
0x160: {  	[sflag:s15] =	ssyncset.done $0x0  }
0x161: {  	[sflag:s15] =	ssyncadd.s32 $0xFFFFE0C0  }
0x162: {  	_ =	swait.ge [sflag:s15], $0x1F40  }
0x163: {  	[sflag:s15] =	ssyncset.done $0x0  }
0x164: {  	[sflag:s15] =	ssyncadd.s32 $0xFFFFE0C0  }
0x165: {  	_ =	swait.ge [sflag:s15], $0x1F40  }
0x166: {  	[sflag:s15] =	ssyncset.done $0x0  }
0x167: {  	[sflag:s15] =	ssyncadd.s32 $0xFFFFE0C0  }
0x168: {  	_ =	swait.ge [sflag:s15], $0x1F40  }
0x169: {  	[sflag:s15] =	ssyncset.done $0x0  }
0x16a: {  	[sflag:s15] =	ssyncadd.s32 $0xFFFFE0C0  }
0x16b: {  	_ =	swait.ge [sflag:s15], $0x1F40  }
0x16c: {  	[sflag:s15] =	ssyncset.done $0x0  }
0x16d: {  	[sflag:s15] =	ssyncadd.s32 $0xFFFFE0C0  }
0x16e: {  	_ =	swait.ge [sflag:s15], $0x1F40  }
0x16f: {  	[sflag:s15] =	ssyncset.done $0x0  }
0x170: {  	[sflag:s15] =	ssyncadd.s32 $0xFFFFE0C0  }
0x171: {  	_ =	swait.ge [sflag:s15], $0x1F40  }
0x172: {  	[sflag:s15] =	ssyncset.done $0x0  }
0x173: {  	[sflag:s15] =	ssyncadd.s32 $0xFFFFE0C0  }
0x174: {  	_ =	swait.ge [sflag:s15], $0x1F40  }
0x175: {  	[sflag:s15] =	ssyncset.done $0x0  }
0x176: {  	[sflag:s15] =	ssyncadd.s32 $0xFFFFE0C0  }
0x177: {  	_ =	swait.ge [sflag:s15], $0x1F40  }
0x178: {  	[sflag:s15] =	ssyncset.done $0x0  }
0x179: {  	[sflag:s15] =	ssyncadd.s32 $0xFFFFE0C0  }
0x17a: {  	_ =	swait.ge [sflag:s15], $0x1F40  }
0x17b: {  	[sflag:s15] =	ssyncset.done $0x0  }
0x17c: {  	[sflag:s15] =	ssyncadd.s32 $0xFFFFE0C0  }
0x17d: {  	_ =	swait.ge [sflag:s15], $0x1F40  }
0x17e: {  	[sflag:s15] =	ssyncset.done $0x0  }
0x17f: {  	[sflag:s15] =	ssyncadd.s32 $0xFFFFE0C0  }
0x180: {  	_ =	swait.ge [sflag:s15], $0x1F40  }
0x181: {  	[sflag:s15] =	ssyncset.done $0x0  }
0x182: {  	[sflag:s15] =	ssyncadd.s32 $0xFFFFE0C0  }
0x183: {  	_ =	swait.ge [sflag:s15], $0x1F40  }
0x184: {  	[sflag:s15] =	ssyncset.done $0x0  }
0x185: {  	[sflag:s15] =	ssyncadd.s32 $0xFFFFE0C0  }
0x186: {  	_ =	swait.ge [sflag:s15], $0x1F40  }
0x187: {  	[sflag:s15] =	ssyncset.done $0x0  }
0x188: {  	[sflag:s15] =	ssyncadd.s32 $0xFFFFE0C0  }
0x189: {  	_ =	swait.ge [sflag:s15], $0x1F40  }
0x18a: {  	[sflag:s15] =	ssyncset.done $0x0  }
0x18b: {  	[sflag:s15] =	ssyncadd.s32 $0xFFFFE0C0  }
0x18c: {  	_ =	swait.ge [sflag:s15], $0x1F40  }
0x18d: {  	[sflag:s15] =	ssyncset.done $0x0  }
0x18e: {  	[sflag:s15] =	ssyncadd.s32 $0xFFFFE0C0  }
0x18f: {  	_ =	swait.ge [sflag:s15], $0x1F40  }
0x190: {  	[sflag:s15] =	ssyncset.done $0x0  }
0x191: {  	[sflag:s15] =	ssyncadd.s32 $0xFFFFE0C0  }
0x192: {  	_ =	swait.ge [sflag:s15], $0x1F40  }
0x193: {  	[sflag:s15] =	ssyncset.done $0x0  }
0x194: {  	[sflag:s15] =	ssyncadd.s32 $0xFFFFE0C0  }
0x195: {  	_ =	swait.ge [sflag:s15], $0x1F40  }
0x196: {  	[sflag:s15] =	ssyncset.done $0x0  }
0x197: {  	[sflag:s15] =	ssyncadd.s32 $0xFFFFE0C0  }
0x198: {  	_ =	swait.ge [sflag:s15], $0x1F40  }
0x199: {  	[sflag:s15] =	ssyncset.done $0x0  }
0x19a: {  	[sflag:s15] =	ssyncadd.s32 $0xFFFFE0C0  }
0x19b: {  	_ =	swait.ge [sflag:s15], $0x1F40  }
0x19c: {  	[sflag:s15] =	ssyncset.done $0x0  }
0x19d: {  	[sflag:s15] =	ssyncadd.s32 $0xFFFFE0C0  }
0x19e: {  	_ =	swait.ge [sflag:s15], $0x1F40  }
0x19f: {  	[sflag:s15] =	ssyncset.done $0x0  }
0x1a0: {  	[sflag:s15] =	ssyncadd.s32 $0xFFFFE0C0  }
0x1a1: {  	_ =	swait.ge [sflag:s15], $0x1F40  }
0x1a2: {  	[sflag:s15] =	ssyncset.done $0x0  }
0x1a3: {  	[sflag:s15] =	ssyncadd.s32 $0xFFFFE0C0  }
0x1a4: {  	_ =	swait.ge [sflag:s15], $0x1F40  }
0x1a5: {  	[sflag:s15] =	ssyncset.done $0x0  }
0x1a6: {  	[sflag:s15] =	ssyncadd.s32 $0xFFFFE0C0  }
0x1a7: {  	_ =	swait.ge [sflag:s15], $0x1F40  }
0x1a8: {  	[sflag:s15] =	ssyncset.done $0x0  }
0x1a9: {  	[sflag:s15] =	ssyncadd.s32 $0xFFFFE0C0  }
0x1aa: {  	_ =	swait.ge [sflag:s15], $0x1F40  }
0x1ab: {  	[sflag:s15] =	ssyncset.done $0x0  }
0x1ac: {  	[sflag:s15] =	ssyncadd.s32 $0xFFFFE0C0  }
0x1ad: {  	_ =	swait.ge [sflag:s15], $0x1F40  }
0x1ae: {  	[sflag:s15] =	ssyncset.done $0x0  }
0x1af: {  	[sflag:s15] =	ssyncadd.s32 $0xFFFFE0C0  }
0x1b0: {  	_ =	swait.ge [sflag:s15], $0x1F40  }
0x1b1: {  	[sflag:s15] =	ssyncset.done $0x0  }
0x1b2: {  	[sflag:s15] =	ssyncadd.s32 $0xFFFFE0C0  }
0x1b3: {  	_ =	swait.ge [sflag:s15], $0x1F40  }
0x1b4: {  	[sflag:s15] =	ssyncset.done $0x0  }
0x1b5: {  	[sflag:s15] =	ssyncadd.s32 $0xFFFFE0C0  }
0x1b6: {  	_ =	swait.ge [sflag:s15], $0x1F40  }
0x1b7: {  	[sflag:s15] =	ssyncset.done $0x0  }
0x1b8: {  	[sflag:s15] =	ssyncadd.s32 $0xFFFFE0C0  }
0x1b9: {  	_ =	swait.ge [sflag:s15], $0x1F40  }
0x1ba: {  	[sflag:s15] =	ssyncset.done $0x0  }
0x1bb: {  	[sflag:s15] =	ssyncadd.s32 $0xFFFFE0C0  }
0x1bc: {  	_ =	swait.ge [sflag:s15], $0x1F40  }
0x1bd: {  	[sflag:s15] =	ssyncset.done $0x0  }
0x1be: {  	[sflag:s15] =	ssyncadd.s32 $0xFFFFE0C0  }
0x1bf: {  	_ =	swait.ge [sflag:s15], $0x1F40  }
0x1c0: {  	[sflag:s15] =	ssyncset.done $0x0  }
0x1c1: {  	[sflag:s15] =	ssyncadd.s32 $0xFFFFE0C0  }
0x1c2: {  	_ =	swait.ge [sflag:s15], $0x1F40  }
0x1c3: {  	[sflag:s15] =	ssyncset.done $0x0  }
0x1c4: {  	[sflag:s15] =	ssyncadd.s32 $0xFFFFE0C0  }
0x1c5: {  	_ =	swait.ge [sflag:s15], $0x1F40  }
0x1c6: {  	[sflag:s15] =	ssyncset.done $0x0  }
0x1c7: {  	[sflag:s15] =	ssyncadd.s32 $0xFFFFE0C0  }
0x1c8: {  	_ =	swait.ge [sflag:s15], $0x1F40  }
0x1c9: {  	[sflag:s15] =	ssyncset.done $0x0  }
0x1ca: {  	[sflag:s15] =	ssyncadd.s32 $0xFFFFE0C0  }
0x1cb: {  	_ =	swait.ge [sflag:s15], $0x1F40  }
0x1cc: {  	[sflag:s15] =	ssyncset.done $0x0  }
0x1cd: {  	[sflag:s15] =	ssyncadd.s32 $0xFFFFE0C0  }
0x1ce: {  	_ =	swait.ge [sflag:s15], $0x1F40  }
0x1cf: {  	[sflag:s15] =	ssyncset.done $0x0  }
0x1d0: {  	[sflag:s15] =	ssyncadd.s32 $0xFFFFE0C0  }
0x1d1: {  	_ =	swait.ge [sflag:s15], $0x1F40  }
0x1d2: {  	[sflag:s15] =	ssyncset.done $0x0  }
0x1d3: {  	[sflag:s15] =	ssyncadd.s32 $0xFFFFE0C0  }
0x1d4: {  	_ =	swait.ge [sflag:s15], $0x1F40  }
0x1d5: {  	[sflag:s15] =	ssyncset.done $0x0  }
0x1d6: {  	[sflag:s15] =	ssyncadd.s32 $0xFFFFE0C0  }
0x1d7: {  	_ =	swait.ge [sflag:s15], $0x1F40  }
0x1d8: {  	[sflag:s15] =	ssyncset.done $0x0  }
0x1d9: {  	[sflag:s15] =	ssyncadd.s32 $0xFFFFE0C0  }
0x1da: {  	_ =	swait.ge [sflag:s15], $0x1F40  }
0x1db: {  	[sflag:s15] =	ssyncset.done $0x0  }
0x1dc: {  	[sflag:s15] =	ssyncadd.s32 $0xFFFFE0C0  }
0x1dd: {  	_ =	swait.ge [sflag:s15], $0x1F40  }
0x1de: {  	[sflag:s15] =	ssyncset.done $0x0  }
0x1df: {  	[sflag:s15] =	ssyncadd.s32 $0xFFFFE0C0  }
0x1e0: {  	_ =	swait.ge [sflag:s15], $0x1F40  }
0x1e1: {  	[sflag:s15] =	ssyncset.done $0x0  }
0x1e2: {  	[sflag:s15] =	ssyncadd.s32 $0xFFFFE0C0  }
0x1e3: {  	_ =	swait.ge [sflag:s15], $0x1F40  }
0x1e4: {  	[sflag:s15] =	ssyncset.done $0x0  }
0x1e5: {  	[sflag:s15] =	ssyncadd.s32 $0xFFFFE0C0  }
0x1e6: {  	_ =	swait.ge [sflag:s15], $0x1F40  }
0x1e7: {  	[sflag:s15] =	ssyncset.done $0x0  }
0x1e8: {  	[sflag:s15] =	ssyncadd.s32 $0xFFFFE0C0  }
0x1e9: {  	_ =	swait.ge [sflag:s15], $0x1F40  }
0x1ea: {  	[sflag:s15] =	ssyncset.done $0x0  }
0x1eb: {  	[sflag:s15] =	ssyncadd.s32 $0xFFFFE0C0  }
0x1ec: {  	_ =	swait.ge [sflag:s15], $0x1F40  }
0x1ed: {  	[sflag:s15] =	ssyncset.done $0x0  }
0x1ee: {  	[sflag:s15] =	ssyncadd.s32 $0xFFFFE0C0  }
0x1ef: {  	_ =	swait.ge [sflag:s15], $0x1F40  }
0x1f0: {  	[sflag:s15] =	ssyncset.done $0x0  }
0x1f1: {  	[sflag:s15] =	ssyncadd.s32 $0xFFFFE0C0  }
0x1f2: {  	_ =	swait.ge [sflag:s15], $0x1F40  }
0x1f3: {  	[sflag:s15] =	ssyncset.done $0x0  }
0x1f4: {  	[sflag:s15] =	ssyncadd.s32 $0xFFFFE0C0  }
0x1f5: {  	_ =	swait.ge [sflag:s15], $0x1F40  }
0x1f6: {  	[sflag:s15] =	ssyncset.done $0x0  }
0x1f7: {  	[sflag:s15] =	ssyncadd.s32 $0xFFFFE0C0  }
0x1f8: {  	_ =	swait.ge [sflag:s15], $0x1F40  }
0x1f9: {  	[sflag:s15] =	ssyncset.done $0x0  }
0x1fa: {  	[sflag:s15] =	ssyncadd.s32 $0xFFFFE0C0  }
0x1fb: {  	_ =	swait.ge [sflag:s15], $0x1F40  }
0x1fc: {  	[sflag:s15] =	ssyncset.done $0x0  }
0x1fd: {  	[sflag:s15] =	ssyncadd.s32 $0xFFFFE0C0  }
0x1fe: {  	_ =	swait.ge [sflag:s15], $0x1F40  }
0x1ff: {  	[sflag:s15] =	ssyncset.done $0x0  }
0x200: {  	[sflag:s15] =	ssyncadd.s32 $0xFFFFE0C0  }
0x201: {  	_ =	swait.ge [sflag:s15], $0x1F40  }
0x202: {  	[sflag:s15] =	ssyncset.done $0x0  }
0x203: {  	s26 =	sadd.s32 $0xFFFFFFFF, s26;
	[sflag:s15] =	ssyncadd.s32 $0xFFFFE0C0  }
0x204: {  	p1 =	sne.s32 s26, $0x0;
	[bflag:$0x0] =	sbarrier.arrive $0xFFFF  }
.Ltmp1:
0x205: {  	s18 =	rddreg [dreg:$0x1];
	(pc) =	sbr.rel @!p1 .LBB2_5-.Ltmp1, $4  }
0x206: {  	[hbm4b:s18+s16] =	stream.indirect.scatter [tilespmem:s14], [sflag:$0x2], $0x1, s3, s16, $0xb8;
	[tilespmem:$0x2580] =	vst v63  }
0x207: {  	_ =	swait.ge [sflag:s17], $0x2C0  }
0x208: {  	[sflag:s17] =	ssyncset.done $0x0  }
0x209: {  	[sflag:s17] =	ssyncadd.s32 $0xFFFFFD40  }
.LBB2_1:
0x20a: {  	[tilespmem:s12], [sflag:$0x3] =	stream.linear.gather [hbm4b:s4+s3], $0x1F40, $0x38;
	[tilespmem:$0x2580] =	vst v63  }
0x20b: {  	_ =	swait.ge [sflag:s13], $0x1F40  }
0x20c: {  	[sflag:s13] =	ssyncset.done $0x0  }
0x20d: {  	[sflag:s13] =	ssyncadd.s32 $0xFFFFE0C0  }
0x20e: {  	[tilespmem:s3], [sflag:$0x3] =	stream.linear.gather [hbm4b:s5+s3], $0x2C0, $0x38;
	[tilespmem:$0x2580] =	vst v63  }
0x20f: {  	_ =	swait.ge [sflag:s13], $0x2C0  }
0x210: {  	[sflag:s13] =	ssyncset.done $0x0  }
.Ltmp2:
0x211: {  	[sflag:s13] =	ssyncadd.s32 $0xFFFFFD40;
	(pc) =	sbr.rel @p0 .LBB2_3-.Ltmp2, $4  }
0x212: {  	[tilespmem:s14], [sflag:$0x3] =	stream.linear.gather [hbm4b:s6+s3], $0x2C0, $0x38;
	[tilespmem:$0x2580] =	vst v63  }
0x213: {  	_ =	swait.ge [sflag:s13], $0x2C0  }
0x214: {  	[sflag:s13] =	ssyncset.done $0x0  }
0x215: {  	[sflag:s13] =	ssyncadd.s32 $0xFFFFFD40  }
0x216: {  	s18 =	sld [smem:$0x7B9]  }
0x217: {  	[hbm4b:s21+s3] =	stream.linear.scatter [tilespmem:s12], [sflag:$0x1], $0x1F40, $0x38;
	[tilespmem:$0x2580] =	vst v63  }
0x218: {  	_ = 	snop  }
0x219: {  	[hbm4b:s18+s3] =	stream.linear.scatter [tilespmem:s12], [sflag:$0x1], $0x1F40, $0x38;
	[tilespmem:$0x2580] =	vst v63  }
0x21a: {  	s18 =	sld [smem:$0x7BA];
	_ =	sdelay $0x2  }
0x21b: {  	[hbm4b:s18+s3] =	stream.linear.scatter [tilespmem:s12], [sflag:$0x1], $0x1F40, $0x38;
	[tilespmem:$0x2580] =	vst v63  }
0x21c: {  	s18 =	sld [smem:$0x7BB];
	_ =	sdelay $0x2  }
0x21d: {  	[hbm4b:s18+s3] =	stream.linear.scatter [tilespmem:s12], [sflag:$0x1], $0x1F40, $0x38;
	[tilespmem:$0x2580] =	vst v63  }
0x21e: {  	s18 =	sld [smem:$0x7BC];
	_ =	sdelay $0x2  }
0x21f: {  	[hbm4b:s18+s3] =	stream.linear.scatter [tilespmem:s12], [sflag:$0x1], $0x1F40, $0x38;
	[tilespmem:$0x2580] =	vst v63  }
0x220: {  	s18 =	sld [smem:$0x7BD];
	_ =	sdelay $0x2  }
0x221: {  	[hbm4b:s18+s3] =	stream.linear.scatter [tilespmem:s12], [sflag:$0x1], $0x1F40, $0x38;
	[tilespmem:$0x2580] =	vst v63  }
0x222: {  	s18 =	sld [smem:$0x7BE];
	_ =	sdelay $0x2  }
0x223: {  	[hbm4b:s18+s3] =	stream.linear.scatter [tilespmem:s12], [sflag:$0x1], $0x1F40, $0x38;
	[tilespmem:$0x2580] =	vst v63  }
0x224: {  	s18 =	sld [smem:$0x7BF];
	_ =	sdelay $0x2  }
0x225: {  	[hbm4b:s18+s3] =	stream.linear.scatter [tilespmem:s12], [sflag:$0x1], $0x1F40, $0x38;
	[tilespmem:$0x2580] =	vst v63  }
0x226: {  	s18 =	sld [smem:$0x7C0];
	_ =	sdelay $0x2  }
0x227: {  	[hbm4b:s18+s3] =	stream.linear.scatter [tilespmem:s12], [sflag:$0x1], $0x1F40, $0x38;
	[tilespmem:$0x2580] =	vst v63  }
0x228: {  	s18 =	sld [smem:$0x7C1];
	_ =	sdelay $0x2  }
0x229: {  	[hbm4b:s18+s3] =	stream.linear.scatter [tilespmem:s12], [sflag:$0x1], $0x1F40, $0x38;
	[tilespmem:$0x2580] =	vst v63  }
0x22a: {  	s18 =	sld [smem:$0x7C2];
	_ =	sdelay $0x2  }
0x22b: {  	[hbm4b:s18+s3] =	stream.linear.scatter [tilespmem:s12], [sflag:$0x1], $0x1F40, $0x38;
	[tilespmem:$0x2580] =	vst v63  }
0x22c: {  	s18 =	sld [smem:$0x7C3];
	_ =	sdelay $0x2  }
0x22d: {  	[hbm4b:s18+s3] =	stream.linear.scatter [tilespmem:s12], [sflag:$0x1], $0x1F40, $0x38;
	[tilespmem:$0x2580] =	vst v63  }
0x22e: {  	s18 =	sld [smem:$0x7C4];
	_ =	sdelay $0x2  }
0x22f: {  	[hbm4b:s18+s3] =	stream.linear.scatter [tilespmem:s12], [sflag:$0x1], $0x1F40, $0x38;
	[tilespmem:$0x2580] =	vst v63  }
0x230: {  	s18 =	sld [smem:$0x7C5];
	_ =	sdelay $0x2  }
0x231: {  	[hbm4b:s18+s3] =	stream.linear.scatter [tilespmem:s12], [sflag:$0x1], $0x1F40, $0x38;
	[tilespmem:$0x2580] =	vst v63  }
0x232: {  	s18 =	sld [smem:$0x7C6];
	_ =	sdelay $0x2  }
0x233: {  	[hbm4b:s18+s3] =	stream.linear.scatter [tilespmem:s12], [sflag:$0x1], $0x1F40, $0x38;
	[tilespmem:$0x2580] =	vst v63  }
0x234: {  	s18 =	sld [smem:$0x7C7];
	_ =	sdelay $0x2  }
0x235: {  	[hbm4b:s18+s3] =	stream.linear.scatter [tilespmem:s12], [sflag:$0x1], $0x1F40, $0x38;
	[tilespmem:$0x2580] =	vst v63  }
0x236: {  	s18 =	sld [smem:$0x7C8];
	_ =	sdelay $0x2  }
0x237: {  	[hbm4b:s18+s3] =	stream.linear.scatter [tilespmem:s12], [sflag:$0x1], $0x1F40, $0x38;
	[tilespmem:$0x2580] =	vst v63  }
0x238: {  	s18 =	sld [smem:$0x7C9];
	_ =	sdelay $0x2  }
0x239: {  	[hbm4b:s18+s3] =	stream.linear.scatter [tilespmem:s12], [sflag:$0x1], $0x1F40, $0x38;
	[tilespmem:$0x2580] =	vst v63  }
0x23a: {  	s18 =	sld [smem:$0x7CA];
	_ =	sdelay $0x2  }
0x23b: {  	[hbm4b:s18+s3] =	stream.linear.scatter [tilespmem:s12], [sflag:$0x1], $0x1F40, $0x38;
	[tilespmem:$0x2580] =	vst v63  }
0x23c: {  	s18 =	sld [smem:$0x7CB];
	_ =	sdelay $0x2  }
0x23d: {  	[hbm4b:s18+s3] =	stream.linear.scatter [tilespmem:s12], [sflag:$0x1], $0x1F40, $0x38;
	[tilespmem:$0x2580] =	vst v63  }
0x23e: {  	s18 =	sld [smem:$0x7CC];
	_ =	sdelay $0x2  }
0x23f: {  	[hbm4b:s18+s3] =	stream.linear.scatter [tilespmem:s12], [sflag:$0x1], $0x1F40, $0x38;
	[tilespmem:$0x2580] =	vst v63  }
0x240: {  	s18 =	sld [smem:$0x7CD];
	_ =	sdelay $0x2  }
0x241: {  	[hbm4b:s18+s3] =	stream.linear.scatter [tilespmem:s12], [sflag:$0x1], $0x1F40, $0x38;
	[tilespmem:$0x2580] =	vst v63  }
0x242: {  	s18 =	sld [smem:$0x7CE];
	_ =	sdelay $0x2  }
0x243: {  	[hbm4b:s18+s3] =	stream.linear.scatter [tilespmem:s12], [sflag:$0x1], $0x1F40, $0x38;
	[tilespmem:$0x2580] =	vst v63  }
0x244: {  	s18 =	sld [smem:$0x7CF];
	_ =	sdelay $0x2  }
0x245: {  	[hbm4b:s18+s3] =	stream.linear.scatter [tilespmem:s12], [sflag:$0x1], $0x1F40, $0x38;
	[tilespmem:$0x2580] =	vst v63  }
0x246: {  	s18 =	sld [smem:$0x7D0];
	_ =	sdelay $0x2  }
0x247: {  	[hbm4b:s18+s3] =	stream.linear.scatter [tilespmem:s12], [sflag:$0x1], $0x1F40, $0x38;
	[tilespmem:$0x2580] =	vst v63  }
0x248: {  	s18 =	sld [smem:$0x7D1];
	_ =	sdelay $0x2  }
0x249: {  	[hbm4b:s18+s3] =	stream.linear.scatter [tilespmem:s12], [sflag:$0x1], $0x1F40, $0x38;
	[tilespmem:$0x2580] =	vst v63  }
0x24a: {  	s18 =	sld [smem:$0x7D2];
	_ =	sdelay $0x2  }
0x24b: {  	[hbm4b:s18+s3] =	stream.linear.scatter [tilespmem:s12], [sflag:$0x1], $0x1F40, $0x38;
	[tilespmem:$0x2580] =	vst v63  }
0x24c: {  	s18 =	sld [smem:$0x7D3];
	_ =	sdelay $0x2  }
0x24d: {  	[hbm4b:s18+s3] =	stream.linear.scatter [tilespmem:s12], [sflag:$0x1], $0x1F40, $0x38;
	[tilespmem:$0x2580] =	vst v63  }
0x24e: {  	s18 =	sld [smem:$0x7D4];
	_ =	sdelay $0x2  }
0x24f: {  	[hbm4b:s18+s3] =	stream.linear.scatter [tilespmem:s12], [sflag:$0x1], $0x1F40, $0x38;
	[tilespmem:$0x2580] =	vst v63  }
0x250: {  	s18 =	sld [smem:$0x7D5];
	_ =	sdelay $0x2  }
0x251: {  	[hbm4b:s18+s3] =	stream.linear.scatter [tilespmem:s12], [sflag:$0x1], $0x1F40, $0x38;
	[tilespmem:$0x2580] =	vst v63  }
0x252: {  	s18 =	sld [smem:$0x7D6];
	_ =	sdelay $0x2  }
0x253: {  	[hbm4b:s18+s3] =	stream.linear.scatter [tilespmem:s12], [sflag:$0x1], $0x1F40, $0x38;
	[tilespmem:$0x2580] =	vst v63  }
0x254: {  	s18 =	sld [smem:$0x7D7];
	_ =	sdelay $0x2  }
0x255: {  	[hbm4b:s18+s3] =	stream.linear.scatter [tilespmem:s12], [sflag:$0x1], $0x1F40, $0x38;
	[tilespmem:$0x2580] =	vst v63  }
0x256: {  	s18 =	sld [smem:$0x7D8];
	_ =	sdelay $0x2  }
0x257: {  	[hbm4b:s18+s3] =	stream.linear.scatter [tilespmem:s12], [sflag:$0x1], $0x1F40, $0x38;
	[tilespmem:$0x2580] =	vst v63  }
0x258: {  	s18 =	sld [smem:$0x7D9];
	_ =	sdelay $0x2  }
0x259: {  	[hbm4b:s18+s3] =	stream.linear.scatter [tilespmem:s12], [sflag:$0x1], $0x1F40, $0x38;
	[tilespmem:$0x2580] =	vst v63  }
0x25a: {  	s18 =	sld [smem:$0x7DA];
	_ =	sdelay $0x2  }
0x25b: {  	[hbm4b:s18+s3] =	stream.linear.scatter [tilespmem:s12], [sflag:$0x1], $0x1F40, $0x38;
	[tilespmem:$0x2580] =	vst v63  }
0x25c: {  	s18 =	sld [smem:$0x7DB];
	_ =	sdelay $0x2  }
0x25d: {  	[hbm4b:s18+s3] =	stream.linear.scatter [tilespmem:s12], [sflag:$0x1], $0x1F40, $0x38;
	[tilespmem:$0x2580] =	vst v63  }
0x25e: {  	s18 =	sld [smem:$0x7DC];
	_ =	sdelay $0x2  }
0x25f: {  	[hbm4b:s18+s3] =	stream.linear.scatter [tilespmem:s12], [sflag:$0x1], $0x1F40, $0x38;
	[tilespmem:$0x2580] =	vst v63  }
0x260: {  	s18 =	sld [smem:$0x7DD];
	_ =	sdelay $0x2  }
0x261: {  	[hbm4b:s18+s3] =	stream.linear.scatter [tilespmem:s12], [sflag:$0x1], $0x1F40, $0x38;
	[tilespmem:$0x2580] =	vst v63  }
0x262: {  	s18 =	sld [smem:$0x7DE];
	_ =	sdelay $0x2  }
0x263: {  	[hbm4b:s18+s3] =	stream.linear.scatter [tilespmem:s12], [sflag:$0x1], $0x1F40, $0x38;
	[tilespmem:$0x2580] =	vst v63  }
0x264: {  	s18 =	sld [smem:$0x7DF];
	_ =	sdelay $0x2  }
0x265: {  	[hbm4b:s18+s3] =	stream.linear.scatter [tilespmem:s12], [sflag:$0x1], $0x1F40, $0x38;
	[tilespmem:$0x2580] =	vst v63  }
0x266: {  	s18 =	sld [smem:$0x7E0];
	_ =	sdelay $0x2  }
0x267: {  	[hbm4b:s18+s3] =	stream.linear.scatter [tilespmem:s12], [sflag:$0x1], $0x1F40, $0x38;
	[tilespmem:$0x2580] =	vst v63  }
0x268: {  	s18 =	sld [smem:$0x7E1];
	_ =	sdelay $0x2  }
0x269: {  	[hbm4b:s18+s3] =	stream.linear.scatter [tilespmem:s12], [sflag:$0x1], $0x1F40, $0x38;
	[tilespmem:$0x2580] =	vst v63  }
0x26a: {  	s18 =	sld [smem:$0x7E2];
	_ =	sdelay $0x2  }
0x26b: {  	[hbm4b:s18+s3] =	stream.linear.scatter [tilespmem:s12], [sflag:$0x1], $0x1F40, $0x38;
	[tilespmem:$0x2580] =	vst v63  }
0x26c: {  	s18 =	sld [smem:$0x7E3];
	_ =	sdelay $0x2  }
0x26d: {  	[hbm4b:s18+s3] =	stream.linear.scatter [tilespmem:s12], [sflag:$0x1], $0x1F40, $0x38;
	[tilespmem:$0x2580] =	vst v63  }
0x26e: {  	s18 =	sld [smem:$0x7E4];
	_ =	sdelay $0x2  }
0x26f: {  	[hbm4b:s18+s3] =	stream.linear.scatter [tilespmem:s12], [sflag:$0x1], $0x1F40, $0x38;
	[tilespmem:$0x2580] =	vst v63  }
0x270: {  	s18 =	sld [smem:$0x7E5];
	_ =	sdelay $0x2  }
0x271: {  	[hbm4b:s18+s3] =	stream.linear.scatter [tilespmem:s12], [sflag:$0x1], $0x1F40, $0x38;
	[tilespmem:$0x2580] =	vst v63  }
0x272: {  	s18 =	sld [smem:$0x7E6];
	_ =	sdelay $0x2  }
0x273: {  	[hbm4b:s18+s3] =	stream.linear.scatter [tilespmem:s12], [sflag:$0x1], $0x1F40, $0x38;
	[tilespmem:$0x2580] =	vst v63  }
0x274: {  	s18 =	sld [smem:$0x7E7];
	_ =	sdelay $0x2  }
0x275: {  	[hbm4b:s18+s3] =	stream.linear.scatter [tilespmem:s12], [sflag:$0x1], $0x1F40, $0x38;
	[tilespmem:$0x2580] =	vst v63  }
0x276: {  	s18 =	sld [smem:$0x7E8];
	_ =	sdelay $0x2  }
0x277: {  	[hbm4b:s18+s3] =	stream.linear.scatter [tilespmem:s12], [sflag:$0x1], $0x1F40, $0x38;
	[tilespmem:$0x2580] =	vst v63  }
0x278: {  	s18 =	sld [smem:$0x7E9];
	_ =	sdelay $0x2  }
0x279: {  	[hbm4b:s18+s3] =	stream.linear.scatter [tilespmem:s12], [sflag:$0x1], $0x1F40, $0x38;
	[tilespmem:$0x2580] =	vst v63  }
0x27a: {  	s18 =	sld [smem:$0x7EA];
	_ =	sdelay $0x2  }
0x27b: {  	[hbm4b:s18+s3] =	stream.linear.scatter [tilespmem:s12], [sflag:$0x1], $0x1F40, $0x38;
	[tilespmem:$0x2580] =	vst v63  }
0x27c: {  	s18 =	sld [smem:$0x7EB];
	_ =	sdelay $0x2  }
0x27d: {  	[hbm4b:s18+s3] =	stream.linear.scatter [tilespmem:s12], [sflag:$0x1], $0x1F40, $0x38;
	[tilespmem:$0x2580] =	vst v63  }
0x27e: {  	s18 =	sld [smem:$0x7EC];
	_ =	sdelay $0x2  }
0x27f: {  	[hbm4b:s18+s3] =	stream.linear.scatter [tilespmem:s12], [sflag:$0x1], $0x1F40, $0x38;
	[tilespmem:$0x2580] =	vst v63  }
0x280: {  	s18 =	sld [smem:$0x7ED];
	_ =	sdelay $0x2  }
0x281: {  	[hbm4b:s18+s3] =	stream.linear.scatter [tilespmem:s12], [sflag:$0x1], $0x1F40, $0x38;
	[tilespmem:$0x2580] =	vst v63  }
0x282: {  	s18 =	sld [smem:$0x7EE];
	_ =	sdelay $0x2  }
0x283: {  	[hbm4b:s18+s3] =	stream.linear.scatter [tilespmem:s12], [sflag:$0x1], $0x1F40, $0x38;
	[tilespmem:$0x2580] =	vst v63  }
0x284: {  	s18 =	sld [smem:$0x7EF];
	_ =	sdelay $0x2  }
0x285: {  	[hbm4b:s18+s3] =	stream.linear.scatter [tilespmem:s12], [sflag:$0x1], $0x1F40, $0x38;
	[tilespmem:$0x2580] =	vst v63  }
0x286: {  	s18 =	sld [smem:$0x7F0];
	_ =	sdelay $0x2  }
0x287: {  	[hbm4b:s18+s3] =	stream.linear.scatter [tilespmem:s12], [sflag:$0x1], $0x1F40, $0x38;
	[tilespmem:$0x2580] =	vst v63  }
0x288: {  	s18 =	sld [smem:$0x7F1];
	_ =	sdelay $0x2  }
0x289: {  	[hbm4b:s18+s3] =	stream.linear.scatter [tilespmem:s12], [sflag:$0x1], $0x1F40, $0x38;
	[tilespmem:$0x2580] =	vst v63  }
0x28a: {  	s18 =	sld [smem:$0x7F2];
	_ =	sdelay $0x2  }
0x28b: {  	[hbm4b:s18+s3] =	stream.linear.scatter [tilespmem:s12], [sflag:$0x1], $0x1F40, $0x38;
	[tilespmem:$0x2580] =	vst v63  }
0x28c: {  	s18 =	sld [smem:$0x7F3];
	_ =	sdelay $0x2  }
0x28d: {  	[hbm4b:s18+s3] =	stream.linear.scatter [tilespmem:s12], [sflag:$0x1], $0x1F40, $0x38;
	[tilespmem:$0x2580] =	vst v63  }
0x28e: {  	s18 =	sld [smem:$0x7F4];
	_ =	sdelay $0x2  }
0x28f: {  	[hbm4b:s18+s3] =	stream.linear.scatter [tilespmem:s12], [sflag:$0x1], $0x1F40, $0x38;
	[tilespmem:$0x2580] =	vst v63  }
0x290: {  	s18 =	sld [smem:$0x7F5];
	_ =	sdelay $0x2  }
0x291: {  	[hbm4b:s18+s3] =	stream.linear.scatter [tilespmem:s12], [sflag:$0x1], $0x1F40, $0x38;
	[tilespmem:$0x2580] =	vst v63  }
0x292: {  	s18 =	sld [smem:$0x7F6];
	_ =	sdelay $0x2  }
0x293: {  	[hbm4b:s18+s3] =	stream.linear.scatter [tilespmem:s12], [sflag:$0x1], $0x1F40, $0x38;
	[tilespmem:$0x2580] =	vst v63  }
0x294: {  	s18 =	sld [smem:$0x7F7];
	_ =	sdelay $0x2  }
0x295: {  	[hbm4b:s18+s3] =	stream.linear.scatter [tilespmem:s12], [sflag:$0x1], $0x1F40, $0x38;
	[tilespmem:$0x2580] =	vst v63  }
0x296: {  	s18 =	sld [smem:$0x7F8];
	_ =	sdelay $0x2  }
0x297: {  	[hbm4b:s18+s3] =	stream.linear.scatter [tilespmem:s12], [sflag:$0x1], $0x1F40, $0x38;
	[tilespmem:$0x2580] =	vst v63  }
0x298: {  	s18 =	sld [smem:$0x7F9];
	_ =	sdelay $0x2  }
0x299: {  	[hbm4b:s18+s3] =	stream.linear.scatter [tilespmem:s12], [sflag:$0x1], $0x1F40, $0x38;
	[tilespmem:$0x2580] =	vst v63  }
0x29a: {  	s18 =	sld [smem:$0x7FA];
	_ =	sdelay $0x2  }
0x29b: {  	[hbm4b:s18+s3] =	stream.linear.scatter [tilespmem:s12], [sflag:$0x1], $0x1F40, $0x38;
	[tilespmem:$0x2580] =	vst v63  }
0x29c: {  	s18 =	sld [smem:$0x7FB];
	_ =	sdelay $0x2  }
0x29d: {  	[hbm4b:s18+s3] =	stream.linear.scatter [tilespmem:s12], [sflag:$0x1], $0x1F40, $0x38;
	[tilespmem:$0x2580] =	vst v63  }
0x29e: {  	s18 =	sld [smem:$0x7FC];
	_ =	sdelay $0x2  }
0x29f: {  	[hbm4b:s18+s3] =	stream.linear.scatter [tilespmem:s12], [sflag:$0x1], $0x1F40, $0x38;
	[tilespmem:$0x2580] =	vst v63  }
0x2a0: {  	s18 =	sld [smem:$0x7FD];
	_ =	sdelay $0x2  }
0x2a1: {  	[hbm4b:s18+s3] =	stream.linear.scatter [tilespmem:s12], [sflag:$0x1], $0x1F40, $0x38;
	[tilespmem:$0x2580] =	vst v63  }
0x2a2: {  	_ = 	snop  }
0x2a3: {  	[hbm4b:s19+s3] =	stream.linear.scatter [tilespmem:s12], [sflag:$0x1], $0x1F40, $0x38;
	[tilespmem:$0x2580] =	vst v63  }
0x2a4: {  	_ = 	snop  }
0x2a5: {  	[hbm4b:s20+s3] =	stream.linear.scatter [tilespmem:s12], [sflag:$0x1], $0x1F40, $0x38;
	[tilespmem:$0x2580] =	vst v63  }
0x2a6: {  	_ = 	snop  }
0x2a7: {  	[hbm4b:s22+s3] =	stream.linear.scatter [tilespmem:s12], [sflag:$0x1], $0x1F40, $0x38;
	[tilespmem:$0x2580] =	vst v63  }
0x2a8: {  	_ = 	snop  }
0x2a9: {  	[hbm4b:s23+s3] =	stream.linear.scatter [tilespmem:s12], [sflag:$0x1], $0x1F40, $0x38;
	[tilespmem:$0x2580] =	vst v63  }
0x2aa: {  	_ = 	snop  }
0x2ab: {  	[hbm4b:s24+s3] =	stream.linear.scatter [tilespmem:s12], [sflag:$0x1], $0x1F40, $0x38;
	[tilespmem:$0x2580] =	vst v63  }
0x2ac: {  	_ = 	snop  }
0x2ad: {  	[hbm4b:s25+s3] =	stream.linear.scatter [tilespmem:s12], [sflag:$0x1], $0x1F40, $0x38;
	[tilespmem:$0x2580] =	vst v63  }
0x2ae: {  	_ = 	snop  }
0x2af: {  	[hbm4b:s28+s3] =	stream.linear.scatter [tilespmem:s12], [sflag:$0x1], $0x1F40, $0x38;
	[tilespmem:$0x2580] =	vst v63  }
0x2b0: {  	_ = 	snop  }
0x2b1: {  	[hbm4b:s29+s3] =	stream.linear.scatter [tilespmem:s12], [sflag:$0x1], $0x1F40, $0x38;
	[tilespmem:$0x2580] =	vst v63  }
0x2b2: {  	_ = 	snop  }
0x2b3: {  	[hbm4b:s30+s3] =	stream.linear.scatter [tilespmem:s12], [sflag:$0x1], $0x1F40, $0x38;
	[tilespmem:$0x2580] =	vst v63  }
0x2b4: {  	_ = 	snop  }
0x2b5: {  	[hbm4b:s31+s3] =	stream.linear.scatter [tilespmem:s12], [sflag:$0x1], $0x1F40, $0x38;
	[tilespmem:$0x2580] =	vst v63  }
0x2b6: {  	_ = 	snop  }
0x2b7: {  	[hbm4b:s1+s3] =	stream.linear.scatter [tilespmem:s12], [sflag:$0x1], $0x1F40, $0x38;
	[tilespmem:$0x2580] =	vst v63  }
0x2b8: {  	_ = 	snop  }
0x2b9: {  	[hbm4b:s0+s3] =	stream.linear.scatter [tilespmem:s12], [sflag:$0x1], $0x1F40, $0x38;
	[tilespmem:$0x2580] =	vst v63  }
0x2ba: {  	_ = 	snop  }
0x2bb: {  	[hbm4b:s7+s3] =	stream.linear.scatter [tilespmem:s12], [sflag:$0x1], $0x1F40, $0x38;
	[tilespmem:$0x2580] =	vst v63  }
0x2bc: {  	_ = 	snop  }
0x2bd: {  	[hbm4b:s8+s3] =	stream.linear.scatter [tilespmem:s12], [sflag:$0x1], $0x1F40, $0x38;
	[tilespmem:$0x2580] =	vst v63  }
0x2be: {  	_ = 	snop  }
0x2bf: {  	[hbm4b:s9+s3] =	stream.linear.scatter [tilespmem:s12], [sflag:$0x1], $0x1F40, $0x38;
	[tilespmem:$0x2580] =	vst v63  }
0x2c0: {  	_ = 	snop  }
0x2c1: {  	[hbm4b:s2+s3] =	stream.linear.scatter [tilespmem:s12], [sflag:$0x1], $0x1F40, $0x38;
	[tilespmem:$0x2580] =	vst v63  }
0x2c2: {  	_ = 	snop  }
0x2c3: {  	[hbm4b:s10+s3] =	stream.linear.scatter [tilespmem:s12], [sflag:$0x1], $0x1F40, $0x38;
	[tilespmem:$0x2580] =	vst v63  }
0x2c4: {  	_ = 	snop  }
0x2c5: {  	[hbm4b:s11+s3] =	stream.linear.scatter [tilespmem:s12], [sflag:$0x1], $0x1F40, $0x38;
	[tilespmem:$0x2580] =	vst v63  }
0x2c6: {  	_ =	swait.ge [sflag:s15], $0x1F40  }
0x2c7: {  	[sflag:s15] =	ssyncset.done $0x0  }
0x2c8: {  	[sflag:s15] =	ssyncadd.s32 $0xFFFFE0C0  }
0x2c9: {  	_ =	swait.ge [sflag:s15], $0x1F40  }
0x2ca: {  	[sflag:s15] =	ssyncset.done $0x0  }
0x2cb: {  	[sflag:s15] =	ssyncadd.s32 $0xFFFFE0C0  }
0x2cc: {  	_ =	swait.ge [sflag:s15], $0x1F40  }
0x2cd: {  	[sflag:s15] =	ssyncset.done $0x0  }
0x2ce: {  	[sflag:s15] =	ssyncadd.s32 $0xFFFFE0C0  }
0x2cf: {  	_ =	swait.ge [sflag:s15], $0x1F40  }
0x2d0: {  	[sflag:s15] =	ssyncset.done $0x0  }
0x2d1: {  	[sflag:s15] =	ssyncadd.s32 $0xFFFFE0C0  }
0x2d2: {  	_ =	swait.ge [sflag:s15], $0x1F40  }
0x2d3: {  	[sflag:s15] =	ssyncset.done $0x0  }
0x2d4: {  	[sflag:s15] =	ssyncadd.s32 $0xFFFFE0C0  }
0x2d5: {  	_ =	swait.ge [sflag:s15], $0x1F40  }
0x2d6: {  	[sflag:s15] =	ssyncset.done $0x0  }
0x2d7: {  	[sflag:s15] =	ssyncadd.s32 $0xFFFFE0C0  }
0x2d8: {  	_ =	swait.ge [sflag:s15], $0x1F40  }
0x2d9: {  	[sflag:s15] =	ssyncset.done $0x0  }
0x2da: {  	[sflag:s15] =	ssyncadd.s32 $0xFFFFE0C0  }
0x2db: {  	_ =	swait.ge [sflag:s15], $0x1F40  }
0x2dc: {  	[sflag:s15] =	ssyncset.done $0x0  }
0x2dd: {  	[sflag:s15] =	ssyncadd.s32 $0xFFFFE0C0  }
0x2de: {  	_ =	swait.ge [sflag:s15], $0x1F40  }
0x2df: {  	[sflag:s15] =	ssyncset.done $0x0  }
0x2e0: {  	[sflag:s15] =	ssyncadd.s32 $0xFFFFE0C0  }
0x2e1: {  	_ =	swait.ge [sflag:s15], $0x1F40  }
0x2e2: {  	[sflag:s15] =	ssyncset.done $0x0  }
0x2e3: {  	[sflag:s15] =	ssyncadd.s32 $0xFFFFE0C0  }
0x2e4: {  	_ =	swait.ge [sflag:s15], $0x1F40  }
0x2e5: {  	[sflag:s15] =	ssyncset.done $0x0  }
0x2e6: {  	[sflag:s15] =	ssyncadd.s32 $0xFFFFE0C0  }
0x2e7: {  	_ =	swait.ge [sflag:s15], $0x1F40  }
0x2e8: {  	[sflag:s15] =	ssyncset.done $0x0  }
0x2e9: {  	[sflag:s15] =	ssyncadd.s32 $0xFFFFE0C0  }
0x2ea: {  	_ =	swait.ge [sflag:s15], $0x1F40  }
0x2eb: {  	[sflag:s15] =	ssyncset.done $0x0  }
0x2ec: {  	[sflag:s15] =	ssyncadd.s32 $0xFFFFE0C0  }
0x2ed: {  	_ =	swait.ge [sflag:s15], $0x1F40  }
0x2ee: {  	[sflag:s15] =	ssyncset.done $0x0  }
0x2ef: {  	[sflag:s15] =	ssyncadd.s32 $0xFFFFE0C0  }
0x2f0: {  	_ =	swait.ge [sflag:s15], $0x1F40  }
.Ltmp3:
0x2f1: {  	[sflag:s15] =	ssyncset.done $0x0;
	(pc) =	sbr.rel .LBB2_4-.Ltmp3, $4  }
0x2f2: {  	[sflag:s15] =	ssyncadd.s32 $0xFFFFE0C0  }
0x2f3: {  	_ =	swait.ge [sflag:s15], $0x1F40  }
0x2f4: {  	[sflag:s15] =	ssyncset.done $0x0  }
0x2f5: {  	[sflag:s15] =	ssyncadd.s32 $0xFFFFE0C0  }
.LBB2_5:
0x2f6: {  	_ =	sfence.sel $0x180000  }
0x2f7: {  	[bflag:$0x0] =	sbarrier.arrive $0xFFFF  }
0x2f8: {  	_ =	strace $0x90000047  }
0x2f9: {  	s0 =	stileid.u32;
	[bflag:$0x2] =	sbarrier.arrive $0xFFFF  }
0x2fa: {  	p0 =	sne.s32 s0, $0x0;
	s0 =	rddreg [dreg:$0x2]  }
0x2fb: {  	s0 =	sadd.s32 @!p0 $0x100000, s0  }
0x2fc: {  	[sflag:s0] =	ssyncadd.tile.s32 @!p0 $0x1;
	_ =	shalt  }
.Lfunc_end2:
_tile_overlayer_lowered:
.L_overlay_start_2:
0x2fd: {  	(tag) =	ssettag $0x2  }
0x2fe: {  	s0 =	rddreg [dreg:$0x0];
	s2 =	stileid.u32  }
0x2ff: {  	s1 =	rddreg [dreg:$0x1];
	p0 =	sne.s32 s2, $0x0  }
0x300: {  	s3 =	rddreg [dreg:$0x2];
	[bflag:$0x3] =	sbarrier.arrive $0xFFFF;
	s2 =	simm.s32 @!p0 $0x1C03  }
0x301: {  	[timem:s3], [sflag:s2] =	dma.local @!p0 [hbm:s0], s1  }
0x302: {  	s0 =	simm.s32 @!p0 $0x3  }
0x303: {  	_ =	swait.ge @!p0 [sflag:s0], s1  }
0x304: {  	s1 =	ssub.s32 @!p0 $0x0, s1;
	[sflag:s0] =	ssyncset.done @!p0 $0x0  }
0x305: {  	[sflag:s0] =	ssyncadd.s32 @!p0 s1  }
0x306: {  	[bflag:$0x3] =	sbarrier.arrive $0xFFFF  }
0x307: {  	_ =	shalt  }

</sc_bundles>
